<compile_context>
chip_gen: v7x
topology: tpu7x:2x2x1
jax: 0.10.2.dev20260603
libtpu: 0.0.44.dev20260713+nightly
codegen_flags: <defaults>
</compile_context>

<pallas_src>
import functools

import jax
import jax.numpy as jnp
from jax import lax
from jax.experimental import pallas as pl
from jax.experimental.pallas import tpu as pltpu
from jax.experimental.pallas import tpu_sc as plsc

_EPS = 1e-5

_NC, _NS, _L = 2, 16, 16
_NW = _NC * _NS
_D = 128
_T = 24
_CH = 16

_O_CAT = 0
_O_PAY = 3072
_O_NUM = 6144
_O_WSEV = 7936
_O_WVAL = 8064
_O_BETA = 8192
_O_CLS = 8320
_O_PSWB = 8448
_O_PSBB = 8472
_O_SCAL = 8496
_O_NSWB2 = 8512
_O_NSBBE = 8526
_TABW = 8544


def _rsqrt16(v):
    i = plsc.bitcast(v, jnp.int32)
    i = 0x5F3759DF - lax.shift_right_logical(i, 1)
    y = plsc.bitcast(i, jnp.float32)
    for _ in range(4):
        y = y * (1.5 - 0.5 * v * y * y)
    return y


def _sc_body(ipack_hbm, fpack_hbm, tabs_hbm, out_hbm,
             ipack_v, fpack_v, tabs_v, stage_v, *, nch, rpw):
    wid = lax.axis_index("s") * _NC + lax.axis_index("c")

    pltpu.sync_copy(tabs_hbm, tabs_v)

    iota16 = lax.iota(jnp.int32, _L)
    iota_row = iota16 * (_T * _D)

    def splat(off):
        return jnp.full((_L,), off, jnp.int32)

    sww_pay = plsc.load_gather(tabs_v, [splat(_O_SCAL)])
    sww_val = plsc.load_gather(tabs_v, [splat(_O_SCAL + 1)])

    def chunk(g, carry):
        pltpu.sync_copy(ipack_hbm.at[wid, g], ipack_v)
        pltpu.sync_copy(fpack_hbm.at[wid, g], fpack_v)

        idx_sex = ipack_v[0]
        idx_edu = ipack_v[1]
        idx_mar = ipack_v[2]
        pays = [ipack_v[3 + t] for t in range(6)]
        sevs = [fpack_v[t] for t in range(6)]
        vals = [fpack_v[6 + t] for t in range(14)]

        r_pay, sr_pay = [], []
        for t in range(6):
            kidx = splat(_O_PSWB + t * 4) + pays[t]
            swb = plsc.load_gather(tabs_v, [kidx])
            sbb = plsc.load_gather(tabs_v, [kidx + 24])
            v = (sevs[t] * sww_pay + 2.0 * swb) * sevs[t] + sbb + _EPS
            r = _rsqrt16(v)
            r_pay.append(r)
            sr_pay.append(sevs[t] * r)
        r_num, a_num = [], []
        for j in range(14):
            swb2 = plsc.load_gather(tabs_v, [splat(_O_NSWB2 + j)])
            sbbe = plsc.load_gather(tabs_v, [splat(_O_NSBBE + j)])
            v = (vals[j] * sww_val + swb2) * vals[j] + sbbe
            r = _rsqrt16(v)
            r_num.append(r)
            a_num.append(vals[j] * r)

        cat_off = [idx_sex * _D,
                   splat(_O_CAT + 1024) + idx_edu * _D,
                   splat(_O_CAT + 2048) + idx_mar * _D]
        pay_off = [splat(_O_PAY + t * 4 * _D) + pays[t] * _D for t in range(6)]

        def col(c, _):
            cb = splat(0) + c
            w_sev_c = plsc.load_gather(tabs_v, [cb + _O_WSEV])
            w_val_c = plsc.load_gather(tabs_v, [cb + _O_WVAL])
            beta_c = plsc.load_gather(tabs_v, [cb + _O_BETA])
            cls_c = plsc.load_gather(tabs_v, [cb + _O_CLS])
            sidx = iota_row + cb
            plsc.store_scatter(stage_v, [sidx], cls_c)
            for f in range(3):
                tv = plsc.load_gather(tabs_v, [cat_off[f] + cb])
                plsc.store_scatter(stage_v, [sidx + (f + 1) * _D], tv)
            for t in range(6):
                bcg = plsc.load_gather(tabs_v, [pay_off[t] + cb])
                val = bcg * r_pay[t] + sr_pay[t] * w_sev_c + beta_c
                plsc.store_scatter(stage_v, [sidx + (4 + t) * _D], val)
            for j in range(14):
                bcg = plsc.load_gather(tabs_v, [cb + (_O_NUM + j * _D)])
                val = bcg * r_num[j] + a_num[j] * w_val_c + beta_c
                plsc.store_scatter(stage_v, [sidx + (10 + j) * _D], val)
            return 0

        lax.fori_loop(0, _D, col, 0, unroll=False)

        base = (wid * rpw + g * _CH) * (_T * _D)
        pltpu.sync_copy(stage_v, out_hbm.at[pl.ds(base, _CH * _T * _D)])
        return carry

    lax.fori_loop(0, nch, chunk, 0, unroll=False)


def kernel(cat_idx_sex, cat_idx_education, cat_idx_marriage, pay_state_ids,
           pay_severities, num_values, W_sex, W_edu, W_mar, W_pay_state,
           w_sev, b_sev, W_numfeat, w_val, b_val, W_pos, cls_token,
           ln_gamma, ln_beta):
    B = num_values.shape[0]
    d = W_pos.shape[1]
    rpw = B // _NW
    nch = rpw // _CH

    def ln_rows(t):
        m = jnp.mean(t, axis=-1, keepdims=True)
        v = jnp.mean((t - m) ** 2, axis=-1, keepdims=True)
        return (t - m) * jax.lax.rsqrt(v + _EPS) * ln_gamma + ln_beta

    t_sex_n = ln_rows(W_sex + W_pos[1])
    t_edu_n = ln_rows(W_edu + W_pos[2])
    t_mar_n = ln_rows(W_mar + W_pos[3])
    cls_n = ln_rows(cls_token[0])[0]

    def moments(base, w):
        cb = base - jnp.mean(base, axis=-1, keepdims=True)
        cw = w - jnp.mean(w)
        return (cb * ln_gamma, cw * ln_gamma,
                jnp.mean(cb * cw, axis=-1),
                jnp.mean(cb * cb, axis=-1),
                jnp.mean(cw * cw))

    base_pay = W_pay_state[None, :, :] + W_pos[4:10, None, :] + b_sev
    bcg_pay, wcg_sev, swb_p, sbb_p, sww_p = moments(base_pay, w_sev)
    base_num = W_numfeat + W_pos[10:24] + b_val
    bcg_num, wcg_val, swb_n, sbb_n, sww_n = moments(base_num, w_val)

    def pad8(t):
        return jnp.concatenate(
            [t, jnp.zeros((8 - t.shape[0], d), t.dtype)], axis=0)

    tabs = jnp.concatenate([
        pad8(t_sex_n).ravel(), pad8(t_edu_n).ravel(), pad8(t_mar_n).ravel(),
        bcg_pay.ravel(), bcg_num.ravel(),
        wcg_sev, wcg_val, ln_beta, cls_n,
        swb_p.ravel(), sbb_p.ravel(),
        sww_p[None], sww_n[None], jnp.zeros((14,), jnp.float32),
        2.0 * swb_n, sbb_n + _EPS,
        jnp.zeros((_TABW - 8540,), jnp.float32),
    ]).astype(jnp.float32)

    ints = jnp.stack([cat_idx_sex, cat_idx_education, cat_idx_marriage],
                     axis=1).astype(jnp.int32)
    ints = jnp.concatenate([ints, pay_state_ids.astype(jnp.int32)], axis=1)
    ipack = ints.reshape(_NW, nch, _CH, 9).transpose(0, 1, 3, 2)
    flts = jnp.concatenate([pay_severities, num_values], axis=1)
    fpack = flts.reshape(_NW, nch, _CH, 20).transpose(0, 1, 3, 2)

    mesh = plsc.VectorSubcoreMesh(core_axis_name="c", subcore_axis_name="s")
    sck = functools.partial(
        pl.kernel,
        out_type=jax.ShapeDtypeStruct((B * _T * d,), jnp.float32),
        mesh=mesh,
        scratch_types=[
            pltpu.VMEM((9, _CH), jnp.int32),
            pltpu.VMEM((20, _CH), jnp.float32),
            pltpu.VMEM((_TABW,), jnp.float32),
            pltpu.VMEM((_CH * _T * d,), jnp.float32),
        ],
        compiler_params=pltpu.CompilerParams(needs_layout_passes=False),
    )(functools.partial(_sc_body, nch=nch, rpw=rpw))
    return sck(ipack, fpack, tabs).reshape(B, _T, d)

# --- scband reference (transcript-rebuilt; emitter-appended) ---
"""Pipeline reference for scband-feature-embedding-1005022347906 (READ-ONLY COPY).

The authoritative reference and input builder live on the scoring server;
editing this copy changes nothing except your own understanding.
"""

import jax, jax.numpy as jnp
import numpy as np

B = 16384
D = 128

def setup_inputs(seed: int = 0) -> dict:
    key = jax.random.key(seed)
    ks = jax.random.split(key, 16)
    d = D
    std = float(np.sqrt(2.0 / (1.0 + d)))  # xavier-normal for Linear(1, d)
    inp = {}
    inp["cat_idx_sex"] = jax.random.randint(ks[0], (B,), 0, 2)
    inp["cat_idx_education"] = jax.random.randint(ks[1], (B,), 0, 7)
    inp["cat_idx_marriage"] = jax.random.randint(ks[2], (B,), 0, 4)
    inp["pay_state_ids"] = jax.random.randint(ks[3], (B, 6), 0, 4)
    inp["pay_severities"] = jax.random.uniform(ks[4], (B, 6), dtype=jnp.float32)
    inp["num_values"] = jax.random.normal(ks[5], (B, 14), dtype=jnp.float32)
    inp["W_sex"] = 0.02 * jax.random.normal(ks[6], (2, d), dtype=jnp.float32)
    inp["W_edu"] = 0.02 * jax.random.normal(ks[7], (7, d), dtype=jnp.float32)
    inp["W_mar"] = 0.02 * jax.random.normal(ks[8], (4, d), dtype=jnp.float32)
    inp["W_pay_state"] = 0.02 * jax.random.normal(ks[9], (4, d), dtype=jnp.float32)
    inp["w_sev"] = std * jax.random.normal(ks[10], (d,), dtype=jnp.float32)
    inp["b_sev"] = jnp.zeros((d,), dtype=jnp.float32)
    inp["W_numfeat"] = 0.02 * jax.random.normal(ks[11], (14, d), dtype=jnp.float32)
    inp["w_val"] = std * jax.random.normal(ks[12], (d,), dtype=jnp.float32)
    inp["b_val"] = jnp.zeros((d,), dtype=jnp.float32)
    inp["W_pos"] = 0.02 * jax.random.normal(ks[13], (24, d), dtype=jnp.float32)
    inp["cls_token"] = 0.02 * jax.random.normal(ks[14], (1, 1, d), dtype=jnp.float32)
    inp["ln_gamma"] = jnp.ones((d,), dtype=jnp.float32)
    inp["ln_beta"] = jnp.zeros((d,), dtype=jnp.float32)
    return inp

def _layernorm(x, g, b, eps=1e-5):
    m = jnp.mean(x, axis=-1, keepdims=True)
    v = jnp.mean((x - m) ** 2, axis=-1, keepdims=True)
    return (x - m) / jnp.sqrt(v + eps) * g + b

def reference(cat_idx_sex, cat_idx_education, cat_idx_marriage, pay_state_ids, pay_severities, num_values, W_sex, W_edu, W_mar, W_pay_state, w_sev, b_sev, W_numfeat, w_val, b_val, W_pos, cls_token, ln_gamma, ln_beta):
    Bsz = num_values.shape[0]
    positions = jnp.arange(1, 24)
    all_pos_emb = jnp.take(W_pos, positions, axis=0)  # (23, d)
    # categorical tokens (3 features)
    cat_tokens = jnp.stack([
        jnp.take(W_sex, cat_idx_sex, axis=0) + all_pos_emb[0],
        jnp.take(W_edu, cat_idx_education, axis=0) + all_pos_emb[1],
        jnp.take(W_mar, cat_idx_marriage, axis=0) + all_pos_emb[2],
    ], axis=1)  # (B, 3, d)
    # pay-status tokens (6)
    state_emb = jnp.take(W_pay_state, pay_state_ids, axis=0)  # (B, 6, d)
    sev_emb = pay_severities[..., None] * w_sev + b_sev  # Linear(1, d)
    pay_tokens = state_emb + sev_emb + all_pos_emb[3:9]
    # numerical tokens (14)
    value_emb = num_values[..., None] * w_val + b_val  # (B, 14, d)
    num_tokens = value_emb + W_numfeat[None, :, :] + all_pos_emb[9:]
    feature_tokens = jnp.concatenate([cat_tokens, pay_tokens, num_tokens], axis=1)  # (B, 23, d)
    cls = jnp.broadcast_to(cls_token, (Bsz, 1, cls_token.shape[-1]))
    x = jnp.concatenate([cls, feature_tokens], axis=1)  # (B, 24, d)
    return _layernorm(x, ln_gamma, ln_beta)

if __name__ == "__main__":
    import jax
    _d = setup_inputs()
    print(jax.jit(kernel)(*tuple(_d.values())))

</pallas_src>

<mosaic_0001>
#map = affine_map<(d0, d1) -> (0, 0, 0, 0)>
#map1 = affine_map<(d0, d1) -> (0)>
module attributes {stable_mosaic.version = 14 : i64} {
  func.func @_sc_body(%arg0: i32, %arg1: i32, %arg2: memref<32x32x9x16xi32, #tpu.memory_space<hbm>>, %arg3: memref<32x32x20x16xf32, #tpu.memory_space<hbm>>, %arg4: memref<8544xf32, #tpu.memory_space<hbm>>, %arg5: memref<50331648xf32, #tpu.memory_space<hbm>>, %arg6: memref<9x16xi32, #tpu.memory_space<vmem>>, %arg7: memref<20x16xf32, #tpu.memory_space<vmem>>, %arg8: memref<8544xf32, #tpu.memory_space<vmem>>, %arg9: memref<49152xf32, #tpu.memory_space<vmem>>) attributes {dimension_semantics = [#tpu.dimension_semantics<core_parallel>, #tpu.dimension_semantics<subcore_parallel>], iteration_bounds = array<i64: 2, 16>, scalar_prefetch = 0 : i64, scratch_operands = 4 : i64, tpu.core_type = #tpu.core_type<sc_vector_subcore>, window_params = [{transform_indices = #map}, {transform_indices = #map}, {transform_indices = #map1}, {transform_indices = #map1}]} {
    %mul3A = arith.constant 2 : i32
    %mul3A_0 = arith.muli %arg1, %mul3A : i32
    %add3A = arith.addi %mul3A_0, %arg0 : i32
    "tpu.region"() ({
      %run_scoped3A = tpu.sem_alloc : memref<!tpu.dma_semaphore, #tpu.memory_space<semaphore_mem>>
      tpu.enqueue_dma source(%arg4 : memref<8544xf32, #tpu.memory_space<hbm>>) target(%arg8 : memref<8544xf32, #tpu.memory_space<vmem>>) target_semaphore(%run_scoped3A : memref<!tpu.dma_semaphore, #tpu.memory_space<semaphore_mem>>)
      tpu.wait_dma2 semaphore(%run_scoped3A : memref<!tpu.dma_semaphore, #tpu.memory_space<semaphore_mem>>) src(%arg4 : memref<8544xf32, #tpu.memory_space<hbm>>) dst(%arg8 : memref<8544xf32, #tpu.memory_space<vmem>>)
      tpu.yield
    }) : () -> ()
    %iota3A = tpu.iota {dimensions = array<i32: 0>} : vector<16xi32>
    %mul3A_1 = arith.constant 3072 : i32
    %mul3A_2 = vector.broadcast %mul3A_1 : i32 to vector<16xi32>
    %mul3A_3 = arith.muli %iota3A, %mul3A_2 : vector<16xi32>
    %broadcast_in_dim3A = arith.constant 8496 : i32
    %broadcast_in_dim3A_4 = vector.broadcast %broadcast_in_dim3A : i32 to vector<16xi32>
    %gather3A = tpu.vector_load_idx %arg8[%broadcast_in_dim3A_4] : memref<8544xf32, #tpu.memory_space<vmem>>[vector<16xi32>], vector<16xf32>,
    %broadcast_in_dim3A_5 = arith.constant 8497 : i32
    %broadcast_in_dim3A_6 = vector.broadcast %broadcast_in_dim3A_5 : i32 to vector<16xi32>
    %gather3A_7 = tpu.vector_load_idx %arg8[%broadcast_in_dim3A_6] : memref<8544xf32, #tpu.memory_space<vmem>>[vector<16xi32>], vector<16xf32>,
    %scan3A = arith.constant 0 : i32
    %scan3A_8 = arith.constant 0 : i32
    %scan3A_9 = arith.constant 32 : i32
    %scan3A_10 = arith.addi %scan3A_8, %scan3A_9 : i32
    %scan3A_11 = arith.constant 1 : i32
    scf.for %scan3A_13 = %scan3A_8 to %scan3A_10 step %scan3A_11  : i32 {
      "tpu.region"() ({
        %run_scoped3A = tpu.sem_alloc : memref<!tpu.dma_semaphore, #tpu.memory_space<semaphore_mem>>
        %dma_start3A = arith.constant 0 : i32
        %dma_start3A_1339 = arith.constant 0 : i32
        %dma_start3A_1340 = tpu.memref_slice %arg2[%add3A, %scan3A_13, %dma_start3A, %dma_start3A_1339] : memref<32x32x9x16xi32, #tpu.memory_space<hbm>> -> memref<1x1x9x16xi32, #tpu.memory_space<hbm>>
        %dma_start3A_1341 = tpu.memref_squeeze %dma_start3A_1340 : memref<1x1x9x16xi32, #tpu.memory_space<hbm>> -> memref<9x16xi32, #tpu.memory_space<hbm>>
        %dma_start3A_1342 = arith.constant 0 : i32
        %dma_start3A_1343 = arith.constant 0 : i32
        %dma_start3A_1344 = tpu.memref_slice %arg2[%add3A, %scan3A_13, %dma_start3A_1342, %dma_start3A_1343] : memref<32x32x9x16xi32, #tpu.memory_space<hbm>> -> memref<1x1x9x16xi32, #tpu.memory_space<hbm>>
        %dma_start3A_1345 = tpu.memref_squeeze %dma_start3A_1344 : memref<1x1x9x16xi32, #tpu.memory_space<hbm>> -> memref<9x16xi32, #tpu.memory_space<hbm>>
        tpu.enqueue_dma source(%dma_start3A_1345 : memref<9x16xi32, #tpu.memory_space<hbm>>) target(%arg6 : memref<9x16xi32, #tpu.memory_space<vmem>>) target_semaphore(%run_scoped3A : memref<!tpu.dma_semaphore, #tpu.memory_space<semaphore_mem>>)
        %dma_wait3A = arith.constant 0 : i32
        %dma_wait3A_1346 = arith.constant 0 : i32
        %dma_wait3A_1347 = tpu.memref_slice %arg2[%add3A, %scan3A_13, %dma_wait3A, %dma_wait3A_1346] : memref<32x32x9x16xi32, #tpu.memory_space<hbm>> -> memref<1x1x9x16xi32, #tpu.memory_space<hbm>>
        %dma_wait3A_1348 = tpu.memref_squeeze %dma_wait3A_1347 : memref<1x1x9x16xi32, #tpu.memory_space<hbm>> -> memref<9x16xi32, #tpu.memory_space<hbm>>
        %dma_wait3A_1349 = arith.constant 0 : i32
        %dma_wait3A_1350 = arith.constant 0 : i32
        %dma_wait3A_1351 = tpu.memref_slice %arg2[%add3A, %scan3A_13, %dma_wait3A_1349, %dma_wait3A_1350] : memref<32x32x9x16xi32, #tpu.memory_space<hbm>> -> memref<1x1x9x16xi32, #tpu.memory_space<hbm>>
        %dma_wait3A_1352 = tpu.memref_squeeze %dma_wait3A_1351 : memref<1x1x9x16xi32, #tpu.memory_space<hbm>> -> memref<9x16xi32, #tpu.memory_space<hbm>>
        tpu.wait_dma2 semaphore(%run_scoped3A : memref<!tpu.dma_semaphore, #tpu.memory_space<semaphore_mem>>) src(%dma_wait3A_1352 : memref<9x16xi32, #tpu.memory_space<hbm>>) dst(%arg6 : memref<9x16xi32, #tpu.memory_space<vmem>>)
        tpu.yield
      }) : () -> ()
      "tpu.region"() ({
        %run_scoped3A = tpu.sem_alloc : memref<!tpu.dma_semaphore, #tpu.memory_space<semaphore_mem>>
        %dma_start3A = arith.constant 0 : i32
        %dma_start3A_1339 = arith.constant 0 : i32
        %dma_start3A_1340 = tpu.memref_slice %arg3[%add3A, %scan3A_13, %dma_start3A, %dma_start3A_1339] : memref<32x32x20x16xf32, #tpu.memory_space<hbm>> -> memref<1x1x20x16xf32, #tpu.memory_space<hbm>>
        %dma_start3A_1341 = tpu.memref_squeeze %dma_start3A_1340 : memref<1x1x20x16xf32, #tpu.memory_space<hbm>> -> memref<20x16xf32, #tpu.memory_space<hbm>>
        %dma_start3A_1342 = arith.constant 0 : i32
        %dma_start3A_1343 = arith.constant 0 : i32
        %dma_start3A_1344 = tpu.memref_slice %arg3[%add3A, %scan3A_13, %dma_start3A_1342, %dma_start3A_1343] : memref<32x32x20x16xf32, #tpu.memory_space<hbm>> -> memref<1x1x20x16xf32, #tpu.memory_space<hbm>>
        %dma_start3A_1345 = tpu.memref_squeeze %dma_start3A_1344 : memref<1x1x20x16xf32, #tpu.memory_space<hbm>> -> memref<20x16xf32, #tpu.memory_space<hbm>>
        tpu.enqueue_dma source(%dma_start3A_1345 : memref<20x16xf32, #tpu.memory_space<hbm>>) target(%arg7 : memref<20x16xf32, #tpu.memory_space<vmem>>) target_semaphore(%run_scoped3A : memref<!tpu.dma_semaphore, #tpu.memory_space<semaphore_mem>>)
        %dma_wait3A = arith.constant 0 : i32
        %dma_wait3A_1346 = arith.constant 0 : i32
        %dma_wait3A_1347 = tpu.memref_slice %arg3[%add3A, %scan3A_13, %dma_wait3A, %dma_wait3A_1346] : memref<32x32x20x16xf32, #tpu.memory_space<hbm>> -> memref<1x1x20x16xf32, #tpu.memory_space<hbm>>
        %dma_wait3A_1348 = tpu.memref_squeeze %dma_wait3A_1347 : memref<1x1x20x16xf32, #tpu.memory_space<hbm>> -> memref<20x16xf32, #tpu.memory_space<hbm>>
        %dma_wait3A_1349 = arith.constant 0 : i32
        %dma_wait3A_1350 = arith.constant 0 : i32
        %dma_wait3A_1351 = tpu.memref_slice %arg3[%add3A, %scan3A_13, %dma_wait3A_1349, %dma_wait3A_1350] : memref<32x32x20x16xf32, #tpu.memory_space<hbm>> -> memref<1x1x20x16xf32, #tpu.memory_space<hbm>>
        %dma_wait3A_1352 = tpu.memref_squeeze %dma_wait3A_1351 : memref<1x1x20x16xf32, #tpu.memory_space<hbm>> -> memref<20x16xf32, #tpu.memory_space<hbm>>
        tpu.wait_dma2 semaphore(%run_scoped3A : memref<!tpu.dma_semaphore, #tpu.memory_space<semaphore_mem>>) src(%dma_wait3A_1352 : memref<20x16xf32, #tpu.memory_space<hbm>>) dst(%arg7 : memref<20x16xf32, #tpu.memory_space<vmem>>)
        tpu.yield
      }) : () -> ()
      %get3A = arith.constant 0 : i32
      %get3A_14 = arith.index_cast %get3A : i32 to index
      %get3A_15 = arith.constant 0 : index
      %get3A_16 = tpu.vector_load %arg6[%get3A_14, %get3A_15] {strides = array<i32>} : memref<9x16xi32, #tpu.memory_space<vmem>>, vector<16xi32>,
      %get3A_17 = arith.constant 1 : i32
      %get3A_18 = arith.index_cast %get3A_17 : i32 to index
      %get3A_19 = arith.constant 0 : index
      %get3A_20 = tpu.vector_load %arg6[%get3A_18, %get3A_19] {strides = array<i32>} : memref<9x16xi32, #tpu.memory_space<vmem>>, vector<16xi32>,
      %get3A_21 = arith.constant 2 : i32
      %get3A_22 = arith.index_cast %get3A_21 : i32 to index
      %get3A_23 = arith.constant 0 : index
      %get3A_24 = tpu.vector_load %arg6[%get3A_22, %get3A_23] {strides = array<i32>} : memref<9x16xi32, #tpu.memory_space<vmem>>, vector<16xi32>,
      %get3A_25 = arith.constant 3 : i32
      %get3A_26 = arith.index_cast %get3A_25 : i32 to index
      %get3A_27 = arith.constant 0 : index
      %get3A_28 = tpu.vector_load %arg6[%get3A_26, %get3A_27] {strides = array<i32>} : memref<9x16xi32, #tpu.memory_space<vmem>>, vector<16xi32>,
      %get3A_29 = arith.constant 4 : i32
      %get3A_30 = arith.index_cast %get3A_29 : i32 to index
      %get3A_31 = arith.constant 0 : index
      %get3A_32 = tpu.vector_load %arg6[%get3A_30, %get3A_31] {strides = array<i32>} : memref<9x16xi32, #tpu.memory_space<vmem>>, vector<16xi32>,
      %get3A_33 = arith.constant 5 : i32
      %get3A_34 = arith.index_cast %get3A_33 : i32 to index
      %get3A_35 = arith.constant 0 : index
      %get3A_36 = tpu.vector_load %arg6[%get3A_34, %get3A_35] {strides = array<i32>} : memref<9x16xi32, #tpu.memory_space<vmem>>, vector<16xi32>,
      %get3A_37 = arith.constant 6 : i32
      %get3A_38 = arith.index_cast %get3A_37 : i32 to index
      %get3A_39 = arith.constant 0 : index
      %get3A_40 = tpu.vector_load %arg6[%get3A_38, %get3A_39] {strides = array<i32>} : memref<9x16xi32, #tpu.memory_space<vmem>>, vector<16xi32>,
      %get3A_41 = arith.constant 7 : i32
      %get3A_42 = arith.index_cast %get3A_41 : i32 to index
      %get3A_43 = arith.constant 0 : index
      %get3A_44 = tpu.vector_load %arg6[%get3A_42, %get3A_43] {strides = array<i32>} : memref<9x16xi32, #tpu.memory_space<vmem>>, vector<16xi32>,
      %get3A_45 = arith.constant 8 : i32
      %get3A_46 = arith.index_cast %get3A_45 : i32 to index
      %get3A_47 = arith.constant 0 : index
      %get3A_48 = tpu.vector_load %arg6[%get3A_46, %get3A_47] {strides = array<i32>} : memref<9x16xi32, #tpu.memory_space<vmem>>, vector<16xi32>,
      %get3A_49 = arith.constant 0 : i32
      %get3A_50 = arith.index_cast %get3A_49 : i32 to index
      %get3A_51 = arith.constant 0 : index
      %get3A_52 = tpu.vector_load %arg7[%get3A_50, %get3A_51] {strides = array<i32>} : memref<20x16xf32, #tpu.memory_space<vmem>>, vector<16xf32>,
      %get3A_53 = arith.constant 1 : i32
      %get3A_54 = arith.index_cast %get3A_53 : i32 to index
      %get3A_55 = arith.constant 0 : index
      %get3A_56 = tpu.vector_load %arg7[%get3A_54, %get3A_55] {strides = array<i32>} : memref<20x16xf32, #tpu.memory_space<vmem>>, vector<16xf32>,
      %get3A_57 = arith.constant 2 : i32
      %get3A_58 = arith.index_cast %get3A_57 : i32 to index
      %get3A_59 = arith.constant 0 : index
      %get3A_60 = tpu.vector_load %arg7[%get3A_58, %get3A_59] {strides = array<i32>} : memref<20x16xf32, #tpu.memory_space<vmem>>, vector<16xf32>,
      %get3A_61 = arith.constant 3 : i32
      %get3A_62 = arith.index_cast %get3A_61 : i32 to index
      %get3A_63 = arith.constant 0 : index
      %get3A_64 = tpu.vector_load %arg7[%get3A_62, %get3A_63] {strides = array<i32>} : memref<20x16xf32, #tpu.memory_space<vmem>>, vector<16xf32>,
      %get3A_65 = arith.constant 4 : i32
      %get3A_66 = arith.index_cast %get3A_65 : i32 to index
      %get3A_67 = arith.constant 0 : index
      %get3A_68 = tpu.vector_load %arg7[%get3A_66, %get3A_67] {strides = array<i32>} : memref<20x16xf32, #tpu.memory_space<vmem>>, vector<16xf32>,
      %get3A_69 = arith.constant 5 : i32
      %get3A_70 = arith.index_cast %get3A_69 : i32 to index
      %get3A_71 = arith.constant 0 : index
      %get3A_72 = tpu.vector_load %arg7[%get3A_70, %get3A_71] {strides = array<i32>} : memref<20x16xf32, #tpu.memory_space<vmem>>, vector<16xf32>,
      %get3A_73 = arith.constant 6 : i32
      %get3A_74 = arith.index_cast %get3A_73 : i32 to index
      %get3A_75 = arith.constant 0 : index
      %get3A_76 = tpu.vector_load %arg7[%get3A_74, %get3A_75] {strides = array<i32>} : memref<20x16xf32, #tpu.memory_space<vmem>>, vector<16xf32>,
      %get3A_77 = arith.constant 7 : i32
      %get3A_78 = arith.index_cast %get3A_77 : i32 to index
      %get3A_79 = arith.constant 0 : index
      %get3A_80 = tpu.vector_load %arg7[%get3A_78, %get3A_79] {strides = array<i32>} : memref<20x16xf32, #tpu.memory_space<vmem>>, vector<16xf32>,
      %get3A_81 = arith.constant 8 : i32
      %get3A_82 = arith.index_cast %get3A_81 : i32 to index
      %get3A_83 = arith.constant 0 : index
      %get3A_84 = tpu.vector_load %arg7[%get3A_82, %get3A_83] {strides = array<i32>} : memref<20x16xf32, #tpu.memory_space<vmem>>, vector<16xf32>,
      %get3A_85 = arith.constant 9 : i32
      %get3A_86 = arith.index_cast %get3A_85 : i32 to index
      %get3A_87 = arith.constant 0 : index
      %get3A_88 = tpu.vector_load %arg7[%get3A_86, %get3A_87] {strides = array<i32>} : memref<20x16xf32, #tpu.memory_space<vmem>>, vector<16xf32>,
      %get3A_89 = arith.constant 10 : i32
      %get3A_90 = arith.index_cast %get3A_89 : i32 to index
      %get3A_91 = arith.constant 0 : index
      %get3A_92 = tpu.vector_load %arg7[%get3A_90, %get3A_91] {strides = array<i32>} : memref<20x16xf32, #tpu.memory_space<vmem>>, vector<16xf32>,
      %get3A_93 = arith.constant 11 : i32
      %get3A_94 = arith.index_cast %get3A_93 : i32 to index
      %get3A_95 = arith.constant 0 : index
      %get3A_96 = tpu.vector_load %arg7[%get3A_94, %get3A_95] {strides = array<i32>} : memref<20x16xf32, #tpu.memory_space<vmem>>, vector<16xf32>,
      %get3A_97 = arith.constant 12 : i32
      %get3A_98 = arith.index_cast %get3A_97 : i32 to index
      %get3A_99 = arith.constant 0 : index
      %get3A_100 = tpu.vector_load %arg7[%get3A_98, %get3A_99] {strides = array<i32>} : memref<20x16xf32, #tpu.memory_space<vmem>>, vector<16xf32>,
      %get3A_101 = arith.constant 13 : i32
      %get3A_102 = arith.index_cast %get3A_101 : i32 to index
      %get3A_103 = arith.constant 0 : index
      %get3A_104 = tpu.vector_load %arg7[%get3A_102, %get3A_103] {strides = array<i32>} : memref<20x16xf32, #tpu.memory_space<vmem>>, vector<16xf32>,
      %get3A_105 = arith.constant 14 : i32
      %get3A_106 = arith.index_cast %get3A_105 : i32 to index
      %get3A_107 = arith.constant 0 : index
      %get3A_108 = tpu.vector_load %arg7[%get3A_106, %get3A_107] {strides = array<i32>} : memref<20x16xf32, #tpu.memory_space<vmem>>, vector<16xf32>,
      %get3A_109 = arith.constant 15 : i32
      %get3A_110 = arith.index_cast %get3A_109 : i32 to index
      %get3A_111 = arith.constant 0 : index
      %get3A_112 = tpu.vector_load %arg7[%get3A_110, %get3A_111] {strides = array<i32>} : memref<20x16xf32, #tpu.memory_space<vmem>>, vector<16xf32>,
      %get3A_113 = arith.constant 16 : i32
      %get3A_114 = arith.index_cast %get3A_113 : i32 to index
      %get3A_115 = arith.constant 0 : index
      %get3A_116 = tpu.vector_load %arg7[%get3A_114, %get3A_115] {strides = array<i32>} : memref<20x16xf32, #tpu.memory_space<vmem>>, vector<16xf32>,
      %get3A_117 = arith.constant 17 : i32
      %get3A_118 = arith.index_cast %get3A_117 : i32 to index
      %get3A_119 = arith.constant 0 : index
      %get3A_120 = tpu.vector_load %arg7[%get3A_118, %get3A_119] {strides = array<i32>} : memref<20x16xf32, #tpu.memory_space<vmem>>, vector<16xf32>,
      %get3A_121 = arith.constant 18 : i32
      %get3A_122 = arith.index_cast %get3A_121 : i32 to index
      %get3A_123 = arith.constant 0 : index
      %get3A_124 = tpu.vector_load %arg7[%get3A_122, %get3A_123] {strides = array<i32>} : memref<20x16xf32, #tpu.memory_space<vmem>>, vector<16xf32>,
      %get3A_125 = arith.constant 19 : i32
      %get3A_126 = arith.index_cast %get3A_125 : i32 to index
      %get3A_127 = arith.constant 0 : index
      %get3A_128 = tpu.vector_load %arg7[%get3A_126, %get3A_127] {strides = array<i32>} : memref<20x16xf32, #tpu.memory_space<vmem>>, vector<16xf32>,
      %broadcast_in_dim3A_129 = arith.constant 8448 : i32
      %broadcast_in_dim3A_130 = vector.broadcast %broadcast_in_dim3A_129 : i32 to vector<16xi32>
      %add3A_131 = arith.addi %broadcast_in_dim3A_130, %get3A_28 : vector<16xi32>
      %gather3A_132 = tpu.vector_load_idx %arg8[%add3A_131] : memref<8544xf32, #tpu.memory_space<vmem>>[vector<16xi32>], vector<16xf32>,
      %add3A_133 = arith.constant 24 : i32
      %add3A_134 = vector.broadcast %add3A_133 : i32 to vector<16xi32>
      %add3A_135 = arith.addi %add3A_131, %add3A_134 : vector<16xi32>
      %gather3A_136 = tpu.vector_load_idx %arg8[%add3A_135] : memref<8544xf32, #tpu.memory_space<vmem>>[vector<16xi32>], vector<16xf32>,
      %mul3A_137 = arith.mulf %get3A_52, %gather3A : vector<16xf32>
      %mul3A_138 = arith.constant 2.000000e+00 : f32
      %mul3A_139 = vector.broadcast %mul3A_138 : f32 to vector<16xf32>
      %mul3A_140 = arith.mulf %mul3A_139, %gather3A_132 : vector<16xf32>
      %add3A_141 = arith.addf %mul3A_137, %mul3A_140 : vector<16xf32>
      %mul3A_142 = arith.mulf %add3A_141, %get3A_52 : vector<16xf32>
      %add3A_143 = arith.addf %mul3A_142, %gather3A_136 : vector<16xf32>
      %add3A_144 = arith.constant 9.99999974E-6 : f32
      %add3A_145 = vector.broadcast %add3A_144 : f32 to vector<16xf32>
      %add3A_146 = arith.addf %add3A_143, %add3A_145 : vector<16xf32>
      %bitcast3A = vector.bitcast %add3A_146 : vector<16xf32> to vector<16xi32>
      %shift_right_logical3A = arith.constant 1 : i32
      %shift_right_logical3A_147 = vector.broadcast %shift_right_logical3A : i32 to vector<16xi32>
      %shift_right_logical3A_148 = arith.shrui %bitcast3A, %shift_right_logical3A_147 : vector<16xi32>
      %sub3A = arith.constant 1597463007 : i32
      %sub3A_149 = vector.broadcast %sub3A : i32 to vector<16xi32>
      %sub3A_150 = arith.subi %sub3A_149, %shift_right_logical3A_148 : vector<16xi32>
      %bitcast3A_151 = vector.bitcast %sub3A_150 : vector<16xi32> to vector<16xf32>
      %mul3A_152 = arith.constant 5.000000e-01 : f32
      %mul3A_153 = vector.broadcast %mul3A_152 : f32 to vector<16xf32>
      %mul3A_154 = arith.mulf %mul3A_153, %add3A_146 : vector<16xf32>
      %mul3A_155 = arith.mulf %mul3A_154, %bitcast3A_151 : vector<16xf32>
      %mul3A_156 = arith.mulf %mul3A_155, %bitcast3A_151 : vector<16xf32>
      %sub3A_157 = arith.constant 1.500000e+00 : f32
      %sub3A_158 = vector.broadcast %sub3A_157 : f32 to vector<16xf32>
      %sub3A_159 = arith.subf %sub3A_158, %mul3A_156 : vector<16xf32>
      %mul3A_160 = arith.mulf %bitcast3A_151, %sub3A_159 : vector<16xf32>
      %mul3A_161 = arith.constant 5.000000e-01 : f32
      %mul3A_162 = vector.broadcast %mul3A_161 : f32 to vector<16xf32>
      %mul3A_163 = arith.mulf %mul3A_162, %add3A_146 : vector<16xf32>
      %mul3A_164 = arith.mulf %mul3A_163, %mul3A_160 : vector<16xf32>
      %mul3A_165 = arith.mulf %mul3A_164, %mul3A_160 : vector<16xf32>
      %sub3A_166 = arith.constant 1.500000e+00 : f32
      %sub3A_167 = vector.broadcast %sub3A_166 : f32 to vector<16xf32>
      %sub3A_168 = arith.subf %sub3A_167, %mul3A_165 : vector<16xf32>
      %mul3A_169 = arith.mulf %mul3A_160, %sub3A_168 : vector<16xf32>
      %mul3A_170 = arith.constant 5.000000e-01 : f32
      %mul3A_171 = vector.broadcast %mul3A_170 : f32 to vector<16xf32>
      %mul3A_172 = arith.mulf %mul3A_171, %add3A_146 : vector<16xf32>
      %mul3A_173 = arith.mulf %mul3A_172, %mul3A_169 : vector<16xf32>
      %mul3A_174 = arith.mulf %mul3A_173, %mul3A_169 : vector<16xf32>
      %sub3A_175 = arith.constant 1.500000e+00 : f32
      %sub3A_176 = vector.broadcast %sub3A_175 : f32 to vector<16xf32>
      %sub3A_177 = arith.subf %sub3A_176, %mul3A_174 : vector<16xf32>
      %mul3A_178 = arith.mulf %mul3A_169, %sub3A_177 : vector<16xf32>
      %mul3A_179 = arith.constant 5.000000e-01 : f32
      %mul3A_180 = vector.broadcast %mul3A_179 : f32 to vector<16xf32>
      %mul3A_181 = arith.mulf %mul3A_180, %add3A_146 : vector<16xf32>
      %mul3A_182 = arith.mulf %mul3A_181, %mul3A_178 : vector<16xf32>
      %mul3A_183 = arith.mulf %mul3A_182, %mul3A_178 : vector<16xf32>
      %sub3A_184 = arith.constant 1.500000e+00 : f32
      %sub3A_185 = vector.broadcast %sub3A_184 : f32 to vector<16xf32>
      %sub3A_186 = arith.subf %sub3A_185, %mul3A_183 : vector<16xf32>
      %mul3A_187 = arith.mulf %mul3A_178, %sub3A_186 : vector<16xf32>
      %mul3A_188 = arith.mulf %get3A_52, %mul3A_187 : vector<16xf32>
      %broadcast_in_dim3A_189 = arith.constant 8452 : i32
      %broadcast_in_dim3A_190 = vector.broadcast %broadcast_in_dim3A_189 : i32 to vector<16xi32>
      %add3A_191 = arith.addi %broadcast_in_dim3A_190, %get3A_32 : vector<16xi32>
      %gather3A_192 = tpu.vector_load_idx %arg8[%add3A_191] : memref<8544xf32, #tpu.memory_space<vmem>>[vector<16xi32>], vector<16xf32>,
      %add3A_193 = arith.constant 24 : i32
      %add3A_194 = vector.broadcast %add3A_193 : i32 to vector<16xi32>
      %add3A_195 = arith.addi %add3A_191, %add3A_194 : vector<16xi32>
      %gather3A_196 = tpu.vector_load_idx %arg8[%add3A_195] : memref<8544xf32, #tpu.memory_space<vmem>>[vector<16xi32>], vector<16xf32>,
      %mul3A_197 = arith.mulf %get3A_56, %gather3A : vector<16xf32>
      %mul3A_198 = arith.constant 2.000000e+00 : f32
      %mul3A_199 = vector.broadcast %mul3A_198 : f32 to vector<16xf32>
      %mul3A_200 = arith.mulf %mul3A_199, %gather3A_192 : vector<16xf32>
      %add3A_201 = arith.addf %mul3A_197, %mul3A_200 : vector<16xf32>
      %mul3A_202 = arith.mulf %add3A_201, %get3A_56 : vector<16xf32>
      %add3A_203 = arith.addf %mul3A_202, %gather3A_196 : vector<16xf32>
      %add3A_204 = arith.constant 9.99999974E-6 : f32
      %add3A_205 = vector.broadcast %add3A_204 : f32 to vector<16xf32>
      %add3A_206 = arith.addf %add3A_203, %add3A_205 : vector<16xf32>
      %bitcast3A_207 = vector.bitcast %add3A_206 : vector<16xf32> to vector<16xi32>
      %shift_right_logical3A_208 = arith.constant 1 : i32
      %shift_right_logical3A_209 = vector.broadcast %shift_right_logical3A_208 : i32 to vector<16xi32>
      %shift_right_logical3A_210 = arith.shrui %bitcast3A_207, %shift_right_logical3A_209 : vector<16xi32>
      %sub3A_211 = arith.constant 1597463007 : i32
      %sub3A_212 = vector.broadcast %sub3A_211 : i32 to vector<16xi32>
      %sub3A_213 = arith.subi %sub3A_212, %shift_right_logical3A_210 : vector<16xi32>
      %bitcast3A_214 = vector.bitcast %sub3A_213 : vector<16xi32> to vector<16xf32>
      %mul3A_215 = arith.constant 5.000000e-01 : f32
      %mul3A_216 = vector.broadcast %mul3A_215 : f32 to vector<16xf32>
      %mul3A_217 = arith.mulf %mul3A_216, %add3A_206 : vector<16xf32>
      %mul3A_218 = arith.mulf %mul3A_217, %bitcast3A_214 : vector<16xf32>
      %mul3A_219 = arith.mulf %mul3A_218, %bitcast3A_214 : vector<16xf32>
      %sub3A_220 = arith.constant 1.500000e+00 : f32
      %sub3A_221 = vector.broadcast %sub3A_220 : f32 to vector<16xf32>
      %sub3A_222 = arith.subf %sub3A_221, %mul3A_219 : vector<16xf32>
      %mul3A_223 = arith.mulf %bitcast3A_214, %sub3A_222 : vector<16xf32>
      %mul3A_224 = arith.constant 5.000000e-01 : f32
      %mul3A_225 = vector.broadcast %mul3A_224 : f32 to vector<16xf32>
      %mul3A_226 = arith.mulf %mul3A_225, %add3A_206 : vector<16xf32>
      %mul3A_227 = arith.mulf %mul3A_226, %mul3A_223 : vector<16xf32>
      %mul3A_228 = arith.mulf %mul3A_227, %mul3A_223 : vector<16xf32>
      %sub3A_229 = arith.constant 1.500000e+00 : f32
      %sub3A_230 = vector.broadcast %sub3A_229 : f32 to vector<16xf32>
      %sub3A_231 = arith.subf %sub3A_230, %mul3A_228 : vector<16xf32>
      %mul3A_232 = arith.mulf %mul3A_223, %sub3A_231 : vector<16xf32>
      %mul3A_233 = arith.constant 5.000000e-01 : f32
      %mul3A_234 = vector.broadcast %mul3A_233 : f32 to vector<16xf32>
      %mul3A_235 = arith.mulf %mul3A_234, %add3A_206 : vector<16xf32>
      %mul3A_236 = arith.mulf %mul3A_235, %mul3A_232 : vector<16xf32>
      %mul3A_237 = arith.mulf %mul3A_236, %mul3A_232 : vector<16xf32>
      %sub3A_238 = arith.constant 1.500000e+00 : f32
      %sub3A_239 = vector.broadcast %sub3A_238 : f32 to vector<16xf32>
      %sub3A_240 = arith.subf %sub3A_239, %mul3A_237 : vector<16xf32>
      %mul3A_241 = arith.mulf %mul3A_232, %sub3A_240 : vector<16xf32>
      %mul3A_242 = arith.constant 5.000000e-01 : f32
      %mul3A_243 = vector.broadcast %mul3A_242 : f32 to vector<16xf32>
      %mul3A_244 = arith.mulf %mul3A_243, %add3A_206 : vector<16xf32>
      %mul3A_245 = arith.mulf %mul3A_244, %mul3A_241 : vector<16xf32>
      %mul3A_246 = arith.mulf %mul3A_245, %mul3A_241 : vector<16xf32>
      %sub3A_247 = arith.constant 1.500000e+00 : f32
      %sub3A_248 = vector.broadcast %sub3A_247 : f32 to vector<16xf32>
      %sub3A_249 = arith.subf %sub3A_248, %mul3A_246 : vector<16xf32>
      %mul3A_250 = arith.mulf %mul3A_241, %sub3A_249 : vector<16xf32>
      %mul3A_251 = arith.mulf %get3A_56, %mul3A_250 : vector<16xf32>
      %broadcast_in_dim3A_252 = arith.constant 8456 : i32
      %broadcast_in_dim3A_253 = vector.broadcast %broadcast_in_dim3A_252 : i32 to vector<16xi32>
      %add3A_254 = arith.addi %broadcast_in_dim3A_253, %get3A_36 : vector<16xi32>
      %gather3A_255 = tpu.vector_load_idx %arg8[%add3A_254] : memref<8544xf32, #tpu.memory_space<vmem>>[vector<16xi32>], vector<16xf32>,
      %add3A_256 = arith.constant 24 : i32
      %add3A_257 = vector.broadcast %add3A_256 : i32 to vector<16xi32>
      %add3A_258 = arith.addi %add3A_254, %add3A_257 : vector<16xi32>
      %gather3A_259 = tpu.vector_load_idx %arg8[%add3A_258] : memref<8544xf32, #tpu.memory_space<vmem>>[vector<16xi32>], vector<16xf32>,
      %mul3A_260 = arith.mulf %get3A_60, %gather3A : vector<16xf32>
      %mul3A_261 = arith.constant 2.000000e+00 : f32
      %mul3A_262 = vector.broadcast %mul3A_261 : f32 to vector<16xf32>
      %mul3A_263 = arith.mulf %mul3A_262, %gather3A_255 : vector<16xf32>
      %add3A_264 = arith.addf %mul3A_260, %mul3A_263 : vector<16xf32>
      %mul3A_265 = arith.mulf %add3A_264, %get3A_60 : vector<16xf32>
      %add3A_266 = arith.addf %mul3A_265, %gather3A_259 : vector<16xf32>
      %add3A_267 = arith.constant 9.99999974E-6 : f32
      %add3A_268 = vector.broadcast %add3A_267 : f32 to vector<16xf32>
      %add3A_269 = arith.addf %add3A_266, %add3A_268 : vector<16xf32>
      %bitcast3A_270 = vector.bitcast %add3A_269 : vector<16xf32> to vector<16xi32>
      %shift_right_logical3A_271 = arith.constant 1 : i32
      %shift_right_logical3A_272 = vector.broadcast %shift_right_logical3A_271 : i32 to vector<16xi32>
      %shift_right_logical3A_273 = arith.shrui %bitcast3A_270, %shift_right_logical3A_272 : vector<16xi32>
      %sub3A_274 = arith.constant 1597463007 : i32
      %sub3A_275 = vector.broadcast %sub3A_274 : i32 to vector<16xi32>
      %sub3A_276 = arith.subi %sub3A_275, %shift_right_logical3A_273 : vector<16xi32>
      %bitcast3A_277 = vector.bitcast %sub3A_276 : vector<16xi32> to vector<16xf32>
      %mul3A_278 = arith.constant 5.000000e-01 : f32
      %mul3A_279 = vector.broadcast %mul3A_278 : f32 to vector<16xf32>
      %mul3A_280 = arith.mulf %mul3A_279, %add3A_269 : vector<16xf32>
      %mul3A_281 = arith.mulf %mul3A_280, %bitcast3A_277 : vector<16xf32>
      %mul3A_282 = arith.mulf %mul3A_281, %bitcast3A_277 : vector<16xf32>
      %sub3A_283 = arith.constant 1.500000e+00 : f32
      %sub3A_284 = vector.broadcast %sub3A_283 : f32 to vector<16xf32>
      %sub3A_285 = arith.subf %sub3A_284, %mul3A_282 : vector<16xf32>
      %mul3A_286 = arith.mulf %bitcast3A_277, %sub3A_285 : vector<16xf32>
      %mul3A_287 = arith.constant 5.000000e-01 : f32
      %mul3A_288 = vector.broadcast %mul3A_287 : f32 to vector<16xf32>
      %mul3A_289 = arith.mulf %mul3A_288, %add3A_269 : vector<16xf32>
      %mul3A_290 = arith.mulf %mul3A_289, %mul3A_286 : vector<16xf32>
      %mul3A_291 = arith.mulf %mul3A_290, %mul3A_286 : vector<16xf32>
      %sub3A_292 = arith.constant 1.500000e+00 : f32
      %sub3A_293 = vector.broadcast %sub3A_292 : f32 to vector<16xf32>
      %sub3A_294 = arith.subf %sub3A_293, %mul3A_291 : vector<16xf32>
      %mul3A_295 = arith.mulf %mul3A_286, %sub3A_294 : vector<16xf32>
      %mul3A_296 = arith.constant 5.000000e-01 : f32
      %mul3A_297 = vector.broadcast %mul3A_296 : f32 to vector<16xf32>
      %mul3A_298 = arith.mulf %mul3A_297, %add3A_269 : vector<16xf32>
      %mul3A_299 = arith.mulf %mul3A_298, %mul3A_295 : vector<16xf32>
      %mul3A_300 = arith.mulf %mul3A_299, %mul3A_295 : vector<16xf32>
      %sub3A_301 = arith.constant 1.500000e+00 : f32
      %sub3A_302 = vector.broadcast %sub3A_301 : f32 to vector<16xf32>
      %sub3A_303 = arith.subf %sub3A_302, %mul3A_300 : vector<16xf32>
      %mul3A_304 = arith.mulf %mul3A_295, %sub3A_303 : vector<16xf32>
      %mul3A_305 = arith.constant 5.000000e-01 : f32
      %mul3A_306 = vector.broadcast %mul3A_305 : f32 to vector<16xf32>
      %mul3A_307 = arith.mulf %mul3A_306, %add3A_269 : vector<16xf32>
      %mul3A_308 = arith.mulf %mul3A_307, %mul3A_304 : vector<16xf32>
      %mul3A_309 = arith.mulf %mul3A_308, %mul3A_304 : vector<16xf32>
      %sub3A_310 = arith.constant 1.500000e+00 : f32
      %sub3A_311 = vector.broadcast %sub3A_310 : f32 to vector<16xf32>
      %sub3A_312 = arith.subf %sub3A_311, %mul3A_309 : vector<16xf32>
      %mul3A_313 = arith.mulf %mul3A_304, %sub3A_312 : vector<16xf32>
      %mul3A_314 = arith.mulf %get3A_60, %mul3A_313 : vector<16xf32>
      %broadcast_in_dim3A_315 = arith.constant 8460 : i32
      %broadcast_in_dim3A_316 = vector.broadcast %broadcast_in_dim3A_315 : i32 to vector<16xi32>
      %add3A_317 = arith.addi %broadcast_in_dim3A_316, %get3A_40 : vector<16xi32>
      %gather3A_318 = tpu.vector_load_idx %arg8[%add3A_317] : memref<8544xf32, #tpu.memory_space<vmem>>[vector<16xi32>], vector<16xf32>,
      %add3A_319 = arith.constant 24 : i32
      %add3A_320 = vector.broadcast %add3A_319 : i32 to vector<16xi32>
      %add3A_321 = arith.addi %add3A_317, %add3A_320 : vector<16xi32>
      %gather3A_322 = tpu.vector_load_idx %arg8[%add3A_321] : memref<8544xf32, #tpu.memory_space<vmem>>[vector<16xi32>], vector<16xf32>,
      %mul3A_323 = arith.mulf %get3A_64, %gather3A : vector<16xf32>
      %mul3A_324 = arith.constant 2.000000e+00 : f32
      %mul3A_325 = vector.broadcast %mul3A_324 : f32 to vector<16xf32>
      %mul3A_326 = arith.mulf %mul3A_325, %gather3A_318 : vector<16xf32>
      %add3A_327 = arith.addf %mul3A_323, %mul3A_326 : vector<16xf32>
      %mul3A_328 = arith.mulf %add3A_327, %get3A_64 : vector<16xf32>
      %add3A_329 = arith.addf %mul3A_328, %gather3A_322 : vector<16xf32>
      %add3A_330 = arith.constant 9.99999974E-6 : f32
      %add3A_331 = vector.broadcast %add3A_330 : f32 to vector<16xf32>
      %add3A_332 = arith.addf %add3A_329, %add3A_331 : vector<16xf32>
      %bitcast3A_333 = vector.bitcast %add3A_332 : vector<16xf32> to vector<16xi32>
      %shift_right_logical3A_334 = arith.constant 1 : i32
      %shift_right_logical3A_335 = vector.broadcast %shift_right_logical3A_334 : i32 to vector<16xi32>
      %shift_right_logical3A_336 = arith.shrui %bitcast3A_333, %shift_right_logical3A_335 : vector<16xi32>
      %sub3A_337 = arith.constant 1597463007 : i32
      %sub3A_338 = vector.broadcast %sub3A_337 : i32 to vector<16xi32>
      %sub3A_339 = arith.subi %sub3A_338, %shift_right_logical3A_336 : vector<16xi32>
      %bitcast3A_340 = vector.bitcast %sub3A_339 : vector<16xi32> to vector<16xf32>
      %mul3A_341 = arith.constant 5.000000e-01 : f32
      %mul3A_342 = vector.broadcast %mul3A_341 : f32 to vector<16xf32>
      %mul3A_343 = arith.mulf %mul3A_342, %add3A_332 : vector<16xf32>
      %mul3A_344 = arith.mulf %mul3A_343, %bitcast3A_340 : vector<16xf32>
      %mul3A_345 = arith.mulf %mul3A_344, %bitcast3A_340 : vector<16xf32>
      %sub3A_346 = arith.constant 1.500000e+00 : f32
      %sub3A_347 = vector.broadcast %sub3A_346 : f32 to vector<16xf32>
      %sub3A_348 = arith.subf %sub3A_347, %mul3A_345 : vector<16xf32>
      %mul3A_349 = arith.mulf %bitcast3A_340, %sub3A_348 : vector<16xf32>
      %mul3A_350 = arith.constant 5.000000e-01 : f32
      %mul3A_351 = vector.broadcast %mul3A_350 : f32 to vector<16xf32>
      %mul3A_352 = arith.mulf %mul3A_351, %add3A_332 : vector<16xf32>
      %mul3A_353 = arith.mulf %mul3A_352, %mul3A_349 : vector<16xf32>
      %mul3A_354 = arith.mulf %mul3A_353, %mul3A_349 : vector<16xf32>
      %sub3A_355 = arith.constant 1.500000e+00 : f32
      %sub3A_356 = vector.broadcast %sub3A_355 : f32 to vector<16xf32>
      %sub3A_357 = arith.subf %sub3A_356, %mul3A_354 : vector<16xf32>
      %mul3A_358 = arith.mulf %mul3A_349, %sub3A_357 : vector<16xf32>
      %mul3A_359 = arith.constant 5.000000e-01 : f32
      %mul3A_360 = vector.broadcast %mul3A_359 : f32 to vector<16xf32>
      %mul3A_361 = arith.mulf %mul3A_360, %add3A_332 : vector<16xf32>
      %mul3A_362 = arith.mulf %mul3A_361, %mul3A_358 : vector<16xf32>
      %mul3A_363 = arith.mulf %mul3A_362, %mul3A_358 : vector<16xf32>
      %sub3A_364 = arith.constant 1.500000e+00 : f32
      %sub3A_365 = vector.broadcast %sub3A_364 : f32 to vector<16xf32>
      %sub3A_366 = arith.subf %sub3A_365, %mul3A_363 : vector<16xf32>
      %mul3A_367 = arith.mulf %mul3A_358, %sub3A_366 : vector<16xf32>
      %mul3A_368 = arith.constant 5.000000e-01 : f32
      %mul3A_369 = vector.broadcast %mul3A_368 : f32 to vector<16xf32>
      %mul3A_370 = arith.mulf %mul3A_369, %add3A_332 : vector<16xf32>
      %mul3A_371 = arith.mulf %mul3A_370, %mul3A_367 : vector<16xf32>
      %mul3A_372 = arith.mulf %mul3A_371, %mul3A_367 : vector<16xf32>
      %sub3A_373 = arith.constant 1.500000e+00 : f32
      %sub3A_374 = vector.broadcast %sub3A_373 : f32 to vector<16xf32>
      %sub3A_375 = arith.subf %sub3A_374, %mul3A_372 : vector<16xf32>
      %mul3A_376 = arith.mulf %mul3A_367, %sub3A_375 : vector<16xf32>
      %mul3A_377 = arith.mulf %get3A_64, %mul3A_376 : vector<16xf32>
      %broadcast_in_dim3A_378 = arith.constant 8464 : i32
      %broadcast_in_dim3A_379 = vector.broadcast %broadcast_in_dim3A_378 : i32 to vector<16xi32>
      %add3A_380 = arith.addi %broadcast_in_dim3A_379, %get3A_44 : vector<16xi32>
      %gather3A_381 = tpu.vector_load_idx %arg8[%add3A_380] : memref<8544xf32, #tpu.memory_space<vmem>>[vector<16xi32>], vector<16xf32>,
      %add3A_382 = arith.constant 24 : i32
      %add3A_383 = vector.broadcast %add3A_382 : i32 to vector<16xi32>
      %add3A_384 = arith.addi %add3A_380, %add3A_383 : vector<16xi32>
      %gather3A_385 = tpu.vector_load_idx %arg8[%add3A_384] : memref<8544xf32, #tpu.memory_space<vmem>>[vector<16xi32>], vector<16xf32>,
      %mul3A_386 = arith.mulf %get3A_68, %gather3A : vector<16xf32>
      %mul3A_387 = arith.constant 2.000000e+00 : f32
      %mul3A_388 = vector.broadcast %mul3A_387 : f32 to vector<16xf32>
      %mul3A_389 = arith.mulf %mul3A_388, %gather3A_381 : vector<16xf32>
      %add3A_390 = arith.addf %mul3A_386, %mul3A_389 : vector<16xf32>
      %mul3A_391 = arith.mulf %add3A_390, %get3A_68 : vector<16xf32>
      %add3A_392 = arith.addf %mul3A_391, %gather3A_385 : vector<16xf32>
      %add3A_393 = arith.constant 9.99999974E-6 : f32
      %add3A_394 = vector.broadcast %add3A_393 : f32 to vector<16xf32>
      %add3A_395 = arith.addf %add3A_392, %add3A_394 : vector<16xf32>
      %bitcast3A_396 = vector.bitcast %add3A_395 : vector<16xf32> to vector<16xi32>
      %shift_right_logical3A_397 = arith.constant 1 : i32
      %shift_right_logical3A_398 = vector.broadcast %shift_right_logical3A_397 : i32 to vector<16xi32>
      %shift_right_logical3A_399 = arith.shrui %bitcast3A_396, %shift_right_logical3A_398 : vector<16xi32>
      %sub3A_400 = arith.constant 1597463007 : i32
      %sub3A_401 = vector.broadcast %sub3A_400 : i32 to vector<16xi32>
      %sub3A_402 = arith.subi %sub3A_401, %shift_right_logical3A_399 : vector<16xi32>
      %bitcast3A_403 = vector.bitcast %sub3A_402 : vector<16xi32> to vector<16xf32>
      %mul3A_404 = arith.constant 5.000000e-01 : f32
      %mul3A_405 = vector.broadcast %mul3A_404 : f32 to vector<16xf32>
      %mul3A_406 = arith.mulf %mul3A_405, %add3A_395 : vector<16xf32>
      %mul3A_407 = arith.mulf %mul3A_406, %bitcast3A_403 : vector<16xf32>
      %mul3A_408 = arith.mulf %mul3A_407, %bitcast3A_403 : vector<16xf32>
      %sub3A_409 = arith.constant 1.500000e+00 : f32
      %sub3A_410 = vector.broadcast %sub3A_409 : f32 to vector<16xf32>
      %sub3A_411 = arith.subf %sub3A_410, %mul3A_408 : vector<16xf32>
      %mul3A_412 = arith.mulf %bitcast3A_403, %sub3A_411 : vector<16xf32>
      %mul3A_413 = arith.constant 5.000000e-01 : f32
      %mul3A_414 = vector.broadcast %mul3A_413 : f32 to vector<16xf32>
      %mul3A_415 = arith.mulf %mul3A_414, %add3A_395 : vector<16xf32>
      %mul3A_416 = arith.mulf %mul3A_415, %mul3A_412 : vector<16xf32>
      %mul3A_417 = arith.mulf %mul3A_416, %mul3A_412 : vector<16xf32>
      %sub3A_418 = arith.constant 1.500000e+00 : f32
      %sub3A_419 = vector.broadcast %sub3A_418 : f32 to vector<16xf32>
      %sub3A_420 = arith.subf %sub3A_419, %mul3A_417 : vector<16xf32>
      %mul3A_421 = arith.mulf %mul3A_412, %sub3A_420 : vector<16xf32>
      %mul3A_422 = arith.constant 5.000000e-01 : f32
      %mul3A_423 = vector.broadcast %mul3A_422 : f32 to vector<16xf32>
      %mul3A_424 = arith.mulf %mul3A_423, %add3A_395 : vector<16xf32>
      %mul3A_425 = arith.mulf %mul3A_424, %mul3A_421 : vector<16xf32>
      %mul3A_426 = arith.mulf %mul3A_425, %mul3A_421 : vector<16xf32>
      %sub3A_427 = arith.constant 1.500000e+00 : f32
      %sub3A_428 = vector.broadcast %sub3A_427 : f32 to vector<16xf32>
      %sub3A_429 = arith.subf %sub3A_428, %mul3A_426 : vector<16xf32>
      %mul3A_430 = arith.mulf %mul3A_421, %sub3A_429 : vector<16xf32>
      %mul3A_431 = arith.constant 5.000000e-01 : f32
      %mul3A_432 = vector.broadcast %mul3A_431 : f32 to vector<16xf32>
      %mul3A_433 = arith.mulf %mul3A_432, %add3A_395 : vector<16xf32>
      %mul3A_434 = arith.mulf %mul3A_433, %mul3A_430 : vector<16xf32>
      %mul3A_435 = arith.mulf %mul3A_434, %mul3A_430 : vector<16xf32>
      %sub3A_436 = arith.constant 1.500000e+00 : f32
      %sub3A_437 = vector.broadcast %sub3A_436 : f32 to vector<16xf32>
      %sub3A_438 = arith.subf %sub3A_437, %mul3A_435 : vector<16xf32>
      %mul3A_439 = arith.mulf %mul3A_430, %sub3A_438 : vector<16xf32>
      %mul3A_440 = arith.mulf %get3A_68, %mul3A_439 : vector<16xf32>
      %broadcast_in_dim3A_441 = arith.constant 8468 : i32
      %broadcast_in_dim3A_442 = vector.broadcast %broadcast_in_dim3A_441 : i32 to vector<16xi32>
      %add3A_443 = arith.addi %broadcast_in_dim3A_442, %get3A_48 : vector<16xi32>
      %gather3A_444 = tpu.vector_load_idx %arg8[%add3A_443] : memref<8544xf32, #tpu.memory_space<vmem>>[vector<16xi32>], vector<16xf32>,
      %add3A_445 = arith.constant 24 : i32
      %add3A_446 = vector.broadcast %add3A_445 : i32 to vector<16xi32>
      %add3A_447 = arith.addi %add3A_443, %add3A_446 : vector<16xi32>
      %gather3A_448 = tpu.vector_load_idx %arg8[%add3A_447] : memref<8544xf32, #tpu.memory_space<vmem>>[vector<16xi32>], vector<16xf32>,
      %mul3A_449 = arith.mulf %get3A_72, %gather3A : vector<16xf32>
      %mul3A_450 = arith.constant 2.000000e+00 : f32
      %mul3A_451 = vector.broadcast %mul3A_450 : f32 to vector<16xf32>
      %mul3A_452 = arith.mulf %mul3A_451, %gather3A_444 : vector<16xf32>
      %add3A_453 = arith.addf %mul3A_449, %mul3A_452 : vector<16xf32>
      %mul3A_454 = arith.mulf %add3A_453, %get3A_72 : vector<16xf32>
      %add3A_455 = arith.addf %mul3A_454, %gather3A_448 : vector<16xf32>
      %add3A_456 = arith.constant 9.99999974E-6 : f32
      %add3A_457 = vector.broadcast %add3A_456 : f32 to vector<16xf32>
      %add3A_458 = arith.addf %add3A_455, %add3A_457 : vector<16xf32>
      %bitcast3A_459 = vector.bitcast %add3A_458 : vector<16xf32> to vector<16xi32>
      %shift_right_logical3A_460 = arith.constant 1 : i32
      %shift_right_logical3A_461 = vector.broadcast %shift_right_logical3A_460 : i32 to vector<16xi32>
      %shift_right_logical3A_462 = arith.shrui %bitcast3A_459, %shift_right_logical3A_461 : vector<16xi32>
      %sub3A_463 = arith.constant 1597463007 : i32
      %sub3A_464 = vector.broadcast %sub3A_463 : i32 to vector<16xi32>
      %sub3A_465 = arith.subi %sub3A_464, %shift_right_logical3A_462 : vector<16xi32>
      %bitcast3A_466 = vector.bitcast %sub3A_465 : vector<16xi32> to vector<16xf32>
      %mul3A_467 = arith.constant 5.000000e-01 : f32
      %mul3A_468 = vector.broadcast %mul3A_467 : f32 to vector<16xf32>
      %mul3A_469 = arith.mulf %mul3A_468, %add3A_458 : vector<16xf32>
      %mul3A_470 = arith.mulf %mul3A_469, %bitcast3A_466 : vector<16xf32>
      %mul3A_471 = arith.mulf %mul3A_470, %bitcast3A_466 : vector<16xf32>
      %sub3A_472 = arith.constant 1.500000e+00 : f32
      %sub3A_473 = vector.broadcast %sub3A_472 : f32 to vector<16xf32>
      %sub3A_474 = arith.subf %sub3A_473, %mul3A_471 : vector<16xf32>
      %mul3A_475 = arith.mulf %bitcast3A_466, %sub3A_474 : vector<16xf32>
      %mul3A_476 = arith.constant 5.000000e-01 : f32
      %mul3A_477 = vector.broadcast %mul3A_476 : f32 to vector<16xf32>
      %mul3A_478 = arith.mulf %mul3A_477, %add3A_458 : vector<16xf32>
      %mul3A_479 = arith.mulf %mul3A_478, %mul3A_475 : vector<16xf32>
      %mul3A_480 = arith.mulf %mul3A_479, %mul3A_475 : vector<16xf32>
      %sub3A_481 = arith.constant 1.500000e+00 : f32
      %sub3A_482 = vector.broadcast %sub3A_481 : f32 to vector<16xf32>
      %sub3A_483 = arith.subf %sub3A_482, %mul3A_480 : vector<16xf32>
      %mul3A_484 = arith.mulf %mul3A_475, %sub3A_483 : vector<16xf32>
      %mul3A_485 = arith.constant 5.000000e-01 : f32
      %mul3A_486 = vector.broadcast %mul3A_485 : f32 to vector<16xf32>
      %mul3A_487 = arith.mulf %mul3A_486, %add3A_458 : vector<16xf32>
      %mul3A_488 = arith.mulf %mul3A_487, %mul3A_484 : vector<16xf32>
      %mul3A_489 = arith.mulf %mul3A_488, %mul3A_484 : vector<16xf32>
      %sub3A_490 = arith.constant 1.500000e+00 : f32
      %sub3A_491 = vector.broadcast %sub3A_490 : f32 to vector<16xf32>
      %sub3A_492 = arith.subf %sub3A_491, %mul3A_489 : vector<16xf32>
      %mul3A_493 = arith.mulf %mul3A_484, %sub3A_492 : vector<16xf32>
      %mul3A_494 = arith.constant 5.000000e-01 : f32
      %mul3A_495 = vector.broadcast %mul3A_494 : f32 to vector<16xf32>
      %mul3A_496 = arith.mulf %mul3A_495, %add3A_458 : vector<16xf32>
      %mul3A_497 = arith.mulf %mul3A_496, %mul3A_493 : vector<16xf32>
      %mul3A_498 = arith.mulf %mul3A_497, %mul3A_493 : vector<16xf32>
      %sub3A_499 = arith.constant 1.500000e+00 : f32
      %sub3A_500 = vector.broadcast %sub3A_499 : f32 to vector<16xf32>
      %sub3A_501 = arith.subf %sub3A_500, %mul3A_498 : vector<16xf32>
      %mul3A_502 = arith.mulf %mul3A_493, %sub3A_501 : vector<16xf32>
      %mul3A_503 = arith.mulf %get3A_72, %mul3A_502 : vector<16xf32>
      %broadcast_in_dim3A_504 = arith.constant 8512 : i32
      %broadcast_in_dim3A_505 = vector.broadcast %broadcast_in_dim3A_504 : i32 to vector<16xi32>
      %gather3A_506 = tpu.vector_load_idx %arg8[%broadcast_in_dim3A_505] : memref<8544xf32, #tpu.memory_space<vmem>>[vector<16xi32>], vector<16xf32>,
      %broadcast_in_dim3A_507 = arith.constant 8526 : i32
      %broadcast_in_dim3A_508 = vector.broadcast %broadcast_in_dim3A_507 : i32 to vector<16xi32>
      %gather3A_509 = tpu.vector_load_idx %arg8[%broadcast_in_dim3A_508] : memref<8544xf32, #tpu.memory_space<vmem>>[vector<16xi32>], vector<16xf32>,
      %mul3A_510 = arith.mulf %get3A_76, %gather3A_7 : vector<16xf32>
      %add3A_511 = arith.addf %mul3A_510, %gather3A_506 : vector<16xf32>
      %mul3A_512 = arith.mulf %add3A_511, %get3A_76 : vector<16xf32>
      %add3A_513 = arith.addf %mul3A_512, %gather3A_509 : vector<16xf32>
      %bitcast3A_514 = vector.bitcast %add3A_513 : vector<16xf32> to vector<16xi32>
      %shift_right_logical3A_515 = arith.constant 1 : i32
      %shift_right_logical3A_516 = vector.broadcast %shift_right_logical3A_515 : i32 to vector<16xi32>
      %shift_right_logical3A_517 = arith.shrui %bitcast3A_514, %shift_right_logical3A_516 : vector<16xi32>
      %sub3A_518 = arith.constant 1597463007 : i32
      %sub3A_519 = vector.broadcast %sub3A_518 : i32 to vector<16xi32>
      %sub3A_520 = arith.subi %sub3A_519, %shift_right_logical3A_517 : vector<16xi32>
      %bitcast3A_521 = vector.bitcast %sub3A_520 : vector<16xi32> to vector<16xf32>
      %mul3A_522 = arith.constant 5.000000e-01 : f32
      %mul3A_523 = vector.broadcast %mul3A_522 : f32 to vector<16xf32>
      %mul3A_524 = arith.mulf %mul3A_523, %add3A_513 : vector<16xf32>
      %mul3A_525 = arith.mulf %mul3A_524, %bitcast3A_521 : vector<16xf32>
      %mul3A_526 = arith.mulf %mul3A_525, %bitcast3A_521 : vector<16xf32>
      %sub3A_527 = arith.constant 1.500000e+00 : f32
      %sub3A_528 = vector.broadcast %sub3A_527 : f32 to vector<16xf32>
      %sub3A_529 = arith.subf %sub3A_528, %mul3A_526 : vector<16xf32>
      %mul3A_530 = arith.mulf %bitcast3A_521, %sub3A_529 : vector<16xf32>
      %mul3A_531 = arith.constant 5.000000e-01 : f32
      %mul3A_532 = vector.broadcast %mul3A_531 : f32 to vector<16xf32>
      %mul3A_533 = arith.mulf %mul3A_532, %add3A_513 : vector<16xf32>
      %mul3A_534 = arith.mulf %mul3A_533, %mul3A_530 : vector<16xf32>
      %mul3A_535 = arith.mulf %mul3A_534, %mul3A_530 : vector<16xf32>
      %sub3A_536 = arith.constant 1.500000e+00 : f32
      %sub3A_537 = vector.broadcast %sub3A_536 : f32 to vector<16xf32>
      %sub3A_538 = arith.subf %sub3A_537, %mul3A_535 : vector<16xf32>
      %mul3A_539 = arith.mulf %mul3A_530, %sub3A_538 : vector<16xf32>
      %mul3A_540 = arith.constant 5.000000e-01 : f32
      %mul3A_541 = vector.broadcast %mul3A_540 : f32 to vector<16xf32>
      %mul3A_542 = arith.mulf %mul3A_541, %add3A_513 : vector<16xf32>
      %mul3A_543 = arith.mulf %mul3A_542, %mul3A_539 : vector<16xf32>
      %mul3A_544 = arith.mulf %mul3A_543, %mul3A_539 : vector<16xf32>
      %sub3A_545 = arith.constant 1.500000e+00 : f32
      %sub3A_546 = vector.broadcast %sub3A_545 : f32 to vector<16xf32>
      %sub3A_547 = arith.subf %sub3A_546, %mul3A_544 : vector<16xf32>
      %mul3A_548 = arith.mulf %mul3A_539, %sub3A_547 : vector<16xf32>
      %mul3A_549 = arith.constant 5.000000e-01 : f32
      %mul3A_550 = vector.broadcast %mul3A_549 : f32 to vector<16xf32>
      %mul3A_551 = arith.mulf %mul3A_550, %add3A_513 : vector<16xf32>
      %mul3A_552 = arith.mulf %mul3A_551, %mul3A_548 : vector<16xf32>
      %mul3A_553 = arith.mulf %mul3A_552, %mul3A_548 : vector<16xf32>
      %sub3A_554 = arith.constant 1.500000e+00 : f32
      %sub3A_555 = vector.broadcast %sub3A_554 : f32 to vector<16xf32>
      %sub3A_556 = arith.subf %sub3A_555, %mul3A_553 : vector<16xf32>
      %mul3A_557 = arith.mulf %mul3A_548, %sub3A_556 : vector<16xf32>
      %mul3A_558 = arith.mulf %get3A_76, %mul3A_557 : vector<16xf32>
      %broadcast_in_dim3A_559 = arith.constant 8513 : i32
      %broadcast_in_dim3A_560 = vector.broadcast %broadcast_in_dim3A_559 : i32 to vector<16xi32>
      %gather3A_561 = tpu.vector_load_idx %arg8[%broadcast_in_dim3A_560] : memref<8544xf32, #tpu.memory_space<vmem>>[vector<16xi32>], vector<16xf32>,
      %broadcast_in_dim3A_562 = arith.constant 8527 : i32
      %broadcast_in_dim3A_563 = vector.broadcast %broadcast_in_dim3A_562 : i32 to vector<16xi32>
      %gather3A_564 = tpu.vector_load_idx %arg8[%broadcast_in_dim3A_563] : memref<8544xf32, #tpu.memory_space<vmem>>[vector<16xi32>], vector<16xf32>,
      %mul3A_565 = arith.mulf %get3A_80, %gather3A_7 : vector<16xf32>
      %add3A_566 = arith.addf %mul3A_565, %gather3A_561 : vector<16xf32>
      %mul3A_567 = arith.mulf %add3A_566, %get3A_80 : vector<16xf32>
      %add3A_568 = arith.addf %mul3A_567, %gather3A_564 : vector<16xf32>
      %bitcast3A_569 = vector.bitcast %add3A_568 : vector<16xf32> to vector<16xi32>
      %shift_right_logical3A_570 = arith.constant 1 : i32
      %shift_right_logical3A_571 = vector.broadcast %shift_right_logical3A_570 : i32 to vector<16xi32>
      %shift_right_logical3A_572 = arith.shrui %bitcast3A_569, %shift_right_logical3A_571 : vector<16xi32>
      %sub3A_573 = arith.constant 1597463007 : i32
      %sub3A_574 = vector.broadcast %sub3A_573 : i32 to vector<16xi32>
      %sub3A_575 = arith.subi %sub3A_574, %shift_right_logical3A_572 : vector<16xi32>
      %bitcast3A_576 = vector.bitcast %sub3A_575 : vector<16xi32> to vector<16xf32>
      %mul3A_577 = arith.constant 5.000000e-01 : f32
      %mul3A_578 = vector.broadcast %mul3A_577 : f32 to vector<16xf32>
      %mul3A_579 = arith.mulf %mul3A_578, %add3A_568 : vector<16xf32>
      %mul3A_580 = arith.mulf %mul3A_579, %bitcast3A_576 : vector<16xf32>
      %mul3A_581 = arith.mulf %mul3A_580, %bitcast3A_576 : vector<16xf32>
      %sub3A_582 = arith.constant 1.500000e+00 : f32
      %sub3A_583 = vector.broadcast %sub3A_582 : f32 to vector<16xf32>
      %sub3A_584 = arith.subf %sub3A_583, %mul3A_581 : vector<16xf32>
      %mul3A_585 = arith.mulf %bitcast3A_576, %sub3A_584 : vector<16xf32>
      %mul3A_586 = arith.constant 5.000000e-01 : f32
      %mul3A_587 = vector.broadcast %mul3A_586 : f32 to vector<16xf32>
      %mul3A_588 = arith.mulf %mul3A_587, %add3A_568 : vector<16xf32>
      %mul3A_589 = arith.mulf %mul3A_588, %mul3A_585 : vector<16xf32>
      %mul3A_590 = arith.mulf %mul3A_589, %mul3A_585 : vector<16xf32>
      %sub3A_591 = arith.constant 1.500000e+00 : f32
      %sub3A_592 = vector.broadcast %sub3A_591 : f32 to vector<16xf32>
      %sub3A_593 = arith.subf %sub3A_592, %mul3A_590 : vector<16xf32>
      %mul3A_594 = arith.mulf %mul3A_585, %sub3A_593 : vector<16xf32>
      %mul3A_595 = arith.constant 5.000000e-01 : f32
      %mul3A_596 = vector.broadcast %mul3A_595 : f32 to vector<16xf32>
      %mul3A_597 = arith.mulf %mul3A_596, %add3A_568 : vector<16xf32>
      %mul3A_598 = arith.mulf %mul3A_597, %mul3A_594 : vector<16xf32>
      %mul3A_599 = arith.mulf %mul3A_598, %mul3A_594 : vector<16xf32>
      %sub3A_600 = arith.constant 1.500000e+00 : f32
      %sub3A_601 = vector.broadcast %sub3A_600 : f32 to vector<16xf32>
      %sub3A_602 = arith.subf %sub3A_601, %mul3A_599 : vector<16xf32>
      %mul3A_603 = arith.mulf %mul3A_594, %sub3A_602 : vector<16xf32>
      %mul3A_604 = arith.constant 5.000000e-01 : f32
      %mul3A_605 = vector.broadcast %mul3A_604 : f32 to vector<16xf32>
      %mul3A_606 = arith.mulf %mul3A_605, %add3A_568 : vector<16xf32>
      %mul3A_607 = arith.mulf %mul3A_606, %mul3A_603 : vector<16xf32>
      %mul3A_608 = arith.mulf %mul3A_607, %mul3A_603 : vector<16xf32>
      %sub3A_609 = arith.constant 1.500000e+00 : f32
      %sub3A_610 = vector.broadcast %sub3A_609 : f32 to vector<16xf32>
      %sub3A_611 = arith.subf %sub3A_610, %mul3A_608 : vector<16xf32>
      %mul3A_612 = arith.mulf %mul3A_603, %sub3A_611 : vector<16xf32>
      %mul3A_613 = arith.mulf %get3A_80, %mul3A_612 : vector<16xf32>
      %broadcast_in_dim3A_614 = arith.constant 8514 : i32
      %broadcast_in_dim3A_615 = vector.broadcast %broadcast_in_dim3A_614 : i32 to vector<16xi32>
      %gather3A_616 = tpu.vector_load_idx %arg8[%broadcast_in_dim3A_615] : memref<8544xf32, #tpu.memory_space<vmem>>[vector<16xi32>], vector<16xf32>,
      %broadcast_in_dim3A_617 = arith.constant 8528 : i32
      %broadcast_in_dim3A_618 = vector.broadcast %broadcast_in_dim3A_617 : i32 to vector<16xi32>
      %gather3A_619 = tpu.vector_load_idx %arg8[%broadcast_in_dim3A_618] : memref<8544xf32, #tpu.memory_space<vmem>>[vector<16xi32>], vector<16xf32>,
      %mul3A_620 = arith.mulf %get3A_84, %gather3A_7 : vector<16xf32>
      %add3A_621 = arith.addf %mul3A_620, %gather3A_616 : vector<16xf32>
      %mul3A_622 = arith.mulf %add3A_621, %get3A_84 : vector<16xf32>
      %add3A_623 = arith.addf %mul3A_622, %gather3A_619 : vector<16xf32>
      %bitcast3A_624 = vector.bitcast %add3A_623 : vector<16xf32> to vector<16xi32>
      %shift_right_logical3A_625 = arith.constant 1 : i32
      %shift_right_logical3A_626 = vector.broadcast %shift_right_logical3A_625 : i32 to vector<16xi32>
      %shift_right_logical3A_627 = arith.shrui %bitcast3A_624, %shift_right_logical3A_626 : vector<16xi32>
      %sub3A_628 = arith.constant 1597463007 : i32
      %sub3A_629 = vector.broadcast %sub3A_628 : i32 to vector<16xi32>
      %sub3A_630 = arith.subi %sub3A_629, %shift_right_logical3A_627 : vector<16xi32>
      %bitcast3A_631 = vector.bitcast %sub3A_630 : vector<16xi32> to vector<16xf32>
      %mul3A_632 = arith.constant 5.000000e-01 : f32
      %mul3A_633 = vector.broadcast %mul3A_632 : f32 to vector<16xf32>
      %mul3A_634 = arith.mulf %mul3A_633, %add3A_623 : vector<16xf32>
      %mul3A_635 = arith.mulf %mul3A_634, %bitcast3A_631 : vector<16xf32>
      %mul3A_636 = arith.mulf %mul3A_635, %bitcast3A_631 : vector<16xf32>
      %sub3A_637 = arith.constant 1.500000e+00 : f32
      %sub3A_638 = vector.broadcast %sub3A_637 : f32 to vector<16xf32>
      %sub3A_639 = arith.subf %sub3A_638, %mul3A_636 : vector<16xf32>
      %mul3A_640 = arith.mulf %bitcast3A_631, %sub3A_639 : vector<16xf32>
      %mul3A_641 = arith.constant 5.000000e-01 : f32
      %mul3A_642 = vector.broadcast %mul3A_641 : f32 to vector<16xf32>
      %mul3A_643 = arith.mulf %mul3A_642, %add3A_623 : vector<16xf32>
      %mul3A_644 = arith.mulf %mul3A_643, %mul3A_640 : vector<16xf32>
      %mul3A_645 = arith.mulf %mul3A_644, %mul3A_640 : vector<16xf32>
      %sub3A_646 = arith.constant 1.500000e+00 : f32
      %sub3A_647 = vector.broadcast %sub3A_646 : f32 to vector<16xf32>
      %sub3A_648 = arith.subf %sub3A_647, %mul3A_645 : vector<16xf32>
      %mul3A_649 = arith.mulf %mul3A_640, %sub3A_648 : vector<16xf32>
      %mul3A_650 = arith.constant 5.000000e-01 : f32
      %mul3A_651 = vector.broadcast %mul3A_650 : f32 to vector<16xf32>
      %mul3A_652 = arith.mulf %mul3A_651, %add3A_623 : vector<16xf32>
      %mul3A_653 = arith.mulf %mul3A_652, %mul3A_649 : vector<16xf32>
      %mul3A_654 = arith.mulf %mul3A_653, %mul3A_649 : vector<16xf32>
      %sub3A_655 = arith.constant 1.500000e+00 : f32
      %sub3A_656 = vector.broadcast %sub3A_655 : f32 to vector<16xf32>
      %sub3A_657 = arith.subf %sub3A_656, %mul3A_654 : vector<16xf32>
      %mul3A_658 = arith.mulf %mul3A_649, %sub3A_657 : vector<16xf32>
      %mul3A_659 = arith.constant 5.000000e-01 : f32
      %mul3A_660 = vector.broadcast %mul3A_659 : f32 to vector<16xf32>
      %mul3A_661 = arith.mulf %mul3A_660, %add3A_623 : vector<16xf32>
      %mul3A_662 = arith.mulf %mul3A_661, %mul3A_658 : vector<16xf32>
      %mul3A_663 = arith.mulf %mul3A_662, %mul3A_658 : vector<16xf32>
      %sub3A_664 = arith.constant 1.500000e+00 : f32
      %sub3A_665 = vector.broadcast %sub3A_664 : f32 to vector<16xf32>
      %sub3A_666 = arith.subf %sub3A_665, %mul3A_663 : vector<16xf32>
      %mul3A_667 = arith.mulf %mul3A_658, %sub3A_666 : vector<16xf32>
      %mul3A_668 = arith.mulf %get3A_84, %mul3A_667 : vector<16xf32>
      %broadcast_in_dim3A_669 = arith.constant 8515 : i32
      %broadcast_in_dim3A_670 = vector.broadcast %broadcast_in_dim3A_669 : i32 to vector<16xi32>
      %gather3A_671 = tpu.vector_load_idx %arg8[%broadcast_in_dim3A_670] : memref<8544xf32, #tpu.memory_space<vmem>>[vector<16xi32>], vector<16xf32>,
      %broadcast_in_dim3A_672 = arith.constant 8529 : i32
      %broadcast_in_dim3A_673 = vector.broadcast %broadcast_in_dim3A_672 : i32 to vector<16xi32>
      %gather3A_674 = tpu.vector_load_idx %arg8[%broadcast_in_dim3A_673] : memref<8544xf32, #tpu.memory_space<vmem>>[vector<16xi32>], vector<16xf32>,
      %mul3A_675 = arith.mulf %get3A_88, %gather3A_7 : vector<16xf32>
      %add3A_676 = arith.addf %mul3A_675, %gather3A_671 : vector<16xf32>
      %mul3A_677 = arith.mulf %add3A_676, %get3A_88 : vector<16xf32>
      %add3A_678 = arith.addf %mul3A_677, %gather3A_674 : vector<16xf32>
      %bitcast3A_679 = vector.bitcast %add3A_678 : vector<16xf32> to vector<16xi32>
      %shift_right_logical3A_680 = arith.constant 1 : i32
      %shift_right_logical3A_681 = vector.broadcast %shift_right_logical3A_680 : i32 to vector<16xi32>
      %shift_right_logical3A_682 = arith.shrui %bitcast3A_679, %shift_right_logical3A_681 : vector<16xi32>
      %sub3A_683 = arith.constant 1597463007 : i32
      %sub3A_684 = vector.broadcast %sub3A_683 : i32 to vector<16xi32>
      %sub3A_685 = arith.subi %sub3A_684, %shift_right_logical3A_682 : vector<16xi32>
      %bitcast3A_686 = vector.bitcast %sub3A_685 : vector<16xi32> to vector<16xf32>
      %mul3A_687 = arith.constant 5.000000e-01 : f32
      %mul3A_688 = vector.broadcast %mul3A_687 : f32 to vector<16xf32>
      %mul3A_689 = arith.mulf %mul3A_688, %add3A_678 : vector<16xf32>
      %mul3A_690 = arith.mulf %mul3A_689, %bitcast3A_686 : vector<16xf32>
      %mul3A_691 = arith.mulf %mul3A_690, %bitcast3A_686 : vector<16xf32>
      %sub3A_692 = arith.constant 1.500000e+00 : f32
      %sub3A_693 = vector.broadcast %sub3A_692 : f32 to vector<16xf32>
      %sub3A_694 = arith.subf %sub3A_693, %mul3A_691 : vector<16xf32>
      %mul3A_695 = arith.mulf %bitcast3A_686, %sub3A_694 : vector<16xf32>
      %mul3A_696 = arith.constant 5.000000e-01 : f32
      %mul3A_697 = vector.broadcast %mul3A_696 : f32 to vector<16xf32>
      %mul3A_698 = arith.mulf %mul3A_697, %add3A_678 : vector<16xf32>
      %mul3A_699 = arith.mulf %mul3A_698, %mul3A_695 : vector<16xf32>
      %mul3A_700 = arith.mulf %mul3A_699, %mul3A_695 : vector<16xf32>
      %sub3A_701 = arith.constant 1.500000e+00 : f32
      %sub3A_702 = vector.broadcast %sub3A_701 : f32 to vector<16xf32>
      %sub3A_703 = arith.subf %sub3A_702, %mul3A_700 : vector<16xf32>
      %mul3A_704 = arith.mulf %mul3A_695, %sub3A_703 : vector<16xf32>
      %mul3A_705 = arith.constant 5.000000e-01 : f32
      %mul3A_706 = vector.broadcast %mul3A_705 : f32 to vector<16xf32>
      %mul3A_707 = arith.mulf %mul3A_706, %add3A_678 : vector<16xf32>
      %mul3A_708 = arith.mulf %mul3A_707, %mul3A_704 : vector<16xf32>
      %mul3A_709 = arith.mulf %mul3A_708, %mul3A_704 : vector<16xf32>
      %sub3A_710 = arith.constant 1.500000e+00 : f32
      %sub3A_711 = vector.broadcast %sub3A_710 : f32 to vector<16xf32>
      %sub3A_712 = arith.subf %sub3A_711, %mul3A_709 : vector<16xf32>
      %mul3A_713 = arith.mulf %mul3A_704, %sub3A_712 : vector<16xf32>
      %mul3A_714 = arith.constant 5.000000e-01 : f32
      %mul3A_715 = vector.broadcast %mul3A_714 : f32 to vector<16xf32>
      %mul3A_716 = arith.mulf %mul3A_715, %add3A_678 : vector<16xf32>
      %mul3A_717 = arith.mulf %mul3A_716, %mul3A_713 : vector<16xf32>
      %mul3A_718 = arith.mulf %mul3A_717, %mul3A_713 : vector<16xf32>
      %sub3A_719 = arith.constant 1.500000e+00 : f32
      %sub3A_720 = vector.broadcast %sub3A_719 : f32 to vector<16xf32>
      %sub3A_721 = arith.subf %sub3A_720, %mul3A_718 : vector<16xf32>
      %mul3A_722 = arith.mulf %mul3A_713, %sub3A_721 : vector<16xf32>
      %mul3A_723 = arith.mulf %get3A_88, %mul3A_722 : vector<16xf32>
      %broadcast_in_dim3A_724 = arith.constant 8516 : i32
      %broadcast_in_dim3A_725 = vector.broadcast %broadcast_in_dim3A_724 : i32 to vector<16xi32>
      %gather3A_726 = tpu.vector_load_idx %arg8[%broadcast_in_dim3A_725] : memref<8544xf32, #tpu.memory_space<vmem>>[vector<16xi32>], vector<16xf32>,
      %broadcast_in_dim3A_727 = arith.constant 8530 : i32
      %broadcast_in_dim3A_728 = vector.broadcast %broadcast_in_dim3A_727 : i32 to vector<16xi32>
      %gather3A_729 = tpu.vector_load_idx %arg8[%broadcast_in_dim3A_728] : memref<8544xf32, #tpu.memory_space<vmem>>[vector<16xi32>], vector<16xf32>,
      %mul3A_730 = arith.mulf %get3A_92, %gather3A_7 : vector<16xf32>
      %add3A_731 = arith.addf %mul3A_730, %gather3A_726 : vector<16xf32>
      %mul3A_732 = arith.mulf %add3A_731, %get3A_92 : vector<16xf32>
      %add3A_733 = arith.addf %mul3A_732, %gather3A_729 : vector<16xf32>
      %bitcast3A_734 = vector.bitcast %add3A_733 : vector<16xf32> to vector<16xi32>
      %shift_right_logical3A_735 = arith.constant 1 : i32
      %shift_right_logical3A_736 = vector.broadcast %shift_right_logical3A_735 : i32 to vector<16xi32>
      %shift_right_logical3A_737 = arith.shrui %bitcast3A_734, %shift_right_logical3A_736 : vector<16xi32>
      %sub3A_738 = arith.constant 1597463007 : i32
      %sub3A_739 = vector.broadcast %sub3A_738 : i32 to vector<16xi32>
      %sub3A_740 = arith.subi %sub3A_739, %shift_right_logical3A_737 : vector<16xi32>
      %bitcast3A_741 = vector.bitcast %sub3A_740 : vector<16xi32> to vector<16xf32>
      %mul3A_742 = arith.constant 5.000000e-01 : f32
      %mul3A_743 = vector.broadcast %mul3A_742 : f32 to vector<16xf32>
      %mul3A_744 = arith.mulf %mul3A_743, %add3A_733 : vector<16xf32>
      %mul3A_745 = arith.mulf %mul3A_744, %bitcast3A_741 : vector<16xf32>
      %mul3A_746 = arith.mulf %mul3A_745, %bitcast3A_741 : vector<16xf32>
      %sub3A_747 = arith.constant 1.500000e+00 : f32
      %sub3A_748 = vector.broadcast %sub3A_747 : f32 to vector<16xf32>
      %sub3A_749 = arith.subf %sub3A_748, %mul3A_746 : vector<16xf32>
      %mul3A_750 = arith.mulf %bitcast3A_741, %sub3A_749 : vector<16xf32>
      %mul3A_751 = arith.constant 5.000000e-01 : f32
      %mul3A_752 = vector.broadcast %mul3A_751 : f32 to vector<16xf32>
      %mul3A_753 = arith.mulf %mul3A_752, %add3A_733 : vector<16xf32>
      %mul3A_754 = arith.mulf %mul3A_753, %mul3A_750 : vector<16xf32>
      %mul3A_755 = arith.mulf %mul3A_754, %mul3A_750 : vector<16xf32>
      %sub3A_756 = arith.constant 1.500000e+00 : f32
      %sub3A_757 = vector.broadcast %sub3A_756 : f32 to vector<16xf32>
      %sub3A_758 = arith.subf %sub3A_757, %mul3A_755 : vector<16xf32>
      %mul3A_759 = arith.mulf %mul3A_750, %sub3A_758 : vector<16xf32>
      %mul3A_760 = arith.constant 5.000000e-01 : f32
      %mul3A_761 = vector.broadcast %mul3A_760 : f32 to vector<16xf32>
      %mul3A_762 = arith.mulf %mul3A_761, %add3A_733 : vector<16xf32>
      %mul3A_763 = arith.mulf %mul3A_762, %mul3A_759 : vector<16xf32>
      %mul3A_764 = arith.mulf %mul3A_763, %mul3A_759 : vector<16xf32>
      %sub3A_765 = arith.constant 1.500000e+00 : f32
      %sub3A_766 = vector.broadcast %sub3A_765 : f32 to vector<16xf32>
      %sub3A_767 = arith.subf %sub3A_766, %mul3A_764 : vector<16xf32>
      %mul3A_768 = arith.mulf %mul3A_759, %sub3A_767 : vector<16xf32>
      %mul3A_769 = arith.constant 5.000000e-01 : f32
      %mul3A_770 = vector.broadcast %mul3A_769 : f32 to vector<16xf32>
      %mul3A_771 = arith.mulf %mul3A_770, %add3A_733 : vector<16xf32>
      %mul3A_772 = arith.mulf %mul3A_771, %mul3A_768 : vector<16xf32>
      %mul3A_773 = arith.mulf %mul3A_772, %mul3A_768 : vector<16xf32>
      %sub3A_774 = arith.constant 1.500000e+00 : f32
      %sub3A_775 = vector.broadcast %sub3A_774 : f32 to vector<16xf32>
      %sub3A_776 = arith.subf %sub3A_775, %mul3A_773 : vector<16xf32>
      %mul3A_777 = arith.mulf %mul3A_768, %sub3A_776 : vector<16xf32>
      %mul3A_778 = arith.mulf %get3A_92, %mul3A_777 : vector<16xf32>
      %broadcast_in_dim3A_779 = arith.constant 8517 : i32
      %broadcast_in_dim3A_780 = vector.broadcast %broadcast_in_dim3A_779 : i32 to vector<16xi32>
      %gather3A_781 = tpu.vector_load_idx %arg8[%broadcast_in_dim3A_780] : memref<8544xf32, #tpu.memory_space<vmem>>[vector<16xi32>], vector<16xf32>,
      %broadcast_in_dim3A_782 = arith.constant 8531 : i32
      %broadcast_in_dim3A_783 = vector.broadcast %broadcast_in_dim3A_782 : i32 to vector<16xi32>
      %gather3A_784 = tpu.vector_load_idx %arg8[%broadcast_in_dim3A_783] : memref<8544xf32, #tpu.memory_space<vmem>>[vector<16xi32>], vector<16xf32>,
      %mul3A_785 = arith.mulf %get3A_96, %gather3A_7 : vector<16xf32>
      %add3A_786 = arith.addf %mul3A_785, %gather3A_781 : vector<16xf32>
      %mul3A_787 = arith.mulf %add3A_786, %get3A_96 : vector<16xf32>
      %add3A_788 = arith.addf %mul3A_787, %gather3A_784 : vector<16xf32>
      %bitcast3A_789 = vector.bitcast %add3A_788 : vector<16xf32> to vector<16xi32>
      %shift_right_logical3A_790 = arith.constant 1 : i32
      %shift_right_logical3A_791 = vector.broadcast %shift_right_logical3A_790 : i32 to vector<16xi32>
      %shift_right_logical3A_792 = arith.shrui %bitcast3A_789, %shift_right_logical3A_791 : vector<16xi32>
      %sub3A_793 = arith.constant 1597463007 : i32
      %sub3A_794 = vector.broadcast %sub3A_793 : i32 to vector<16xi32>
      %sub3A_795 = arith.subi %sub3A_794, %shift_right_logical3A_792 : vector<16xi32>
      %bitcast3A_796 = vector.bitcast %sub3A_795 : vector<16xi32> to vector<16xf32>
      %mul3A_797 = arith.constant 5.000000e-01 : f32
      %mul3A_798 = vector.broadcast %mul3A_797 : f32 to vector<16xf32>
      %mul3A_799 = arith.mulf %mul3A_798, %add3A_788 : vector<16xf32>
      %mul3A_800 = arith.mulf %mul3A_799, %bitcast3A_796 : vector<16xf32>
      %mul3A_801 = arith.mulf %mul3A_800, %bitcast3A_796 : vector<16xf32>
      %sub3A_802 = arith.constant 1.500000e+00 : f32
      %sub3A_803 = vector.broadcast %sub3A_802 : f32 to vector<16xf32>
      %sub3A_804 = arith.subf %sub3A_803, %mul3A_801 : vector<16xf32>
      %mul3A_805 = arith.mulf %bitcast3A_796, %sub3A_804 : vector<16xf32>
      %mul3A_806 = arith.constant 5.000000e-01 : f32
      %mul3A_807 = vector.broadcast %mul3A_806 : f32 to vector<16xf32>
      %mul3A_808 = arith.mulf %mul3A_807, %add3A_788 : vector<16xf32>
      %mul3A_809 = arith.mulf %mul3A_808, %mul3A_805 : vector<16xf32>
      %mul3A_810 = arith.mulf %mul3A_809, %mul3A_805 : vector<16xf32>
      %sub3A_811 = arith.constant 1.500000e+00 : f32
      %sub3A_812 = vector.broadcast %sub3A_811 : f32 to vector<16xf32>
      %sub3A_813 = arith.subf %sub3A_812, %mul3A_810 : vector<16xf32>
      %mul3A_814 = arith.mulf %mul3A_805, %sub3A_813 : vector<16xf32>
      %mul3A_815 = arith.constant 5.000000e-01 : f32
      %mul3A_816 = vector.broadcast %mul3A_815 : f32 to vector<16xf32>
      %mul3A_817 = arith.mulf %mul3A_816, %add3A_788 : vector<16xf32>
      %mul3A_818 = arith.mulf %mul3A_817, %mul3A_814 : vector<16xf32>
      %mul3A_819 = arith.mulf %mul3A_818, %mul3A_814 : vector<16xf32>
      %sub3A_820 = arith.constant 1.500000e+00 : f32
      %sub3A_821 = vector.broadcast %sub3A_820 : f32 to vector<16xf32>
      %sub3A_822 = arith.subf %sub3A_821, %mul3A_819 : vector<16xf32>
      %mul3A_823 = arith.mulf %mul3A_814, %sub3A_822 : vector<16xf32>
      %mul3A_824 = arith.constant 5.000000e-01 : f32
      %mul3A_825 = vector.broadcast %mul3A_824 : f32 to vector<16xf32>
      %mul3A_826 = arith.mulf %mul3A_825, %add3A_788 : vector<16xf32>
      %mul3A_827 = arith.mulf %mul3A_826, %mul3A_823 : vector<16xf32>
      %mul3A_828 = arith.mulf %mul3A_827, %mul3A_823 : vector<16xf32>
      %sub3A_829 = arith.constant 1.500000e+00 : f32
      %sub3A_830 = vector.broadcast %sub3A_829 : f32 to vector<16xf32>
      %sub3A_831 = arith.subf %sub3A_830, %mul3A_828 : vector<16xf32>
      %mul3A_832 = arith.mulf %mul3A_823, %sub3A_831 : vector<16xf32>
      %mul3A_833 = arith.mulf %get3A_96, %mul3A_832 : vector<16xf32>
      %broadcast_in_dim3A_834 = arith.constant 8518 : i32
      %broadcast_in_dim3A_835 = vector.broadcast %broadcast_in_dim3A_834 : i32 to vector<16xi32>
      %gather3A_836 = tpu.vector_load_idx %arg8[%broadcast_in_dim3A_835] : memref<8544xf32, #tpu.memory_space<vmem>>[vector<16xi32>], vector<16xf32>,
      %broadcast_in_dim3A_837 = arith.constant 8532 : i32
      %broadcast_in_dim3A_838 = vector.broadcast %broadcast_in_dim3A_837 : i32 to vector<16xi32>
      %gather3A_839 = tpu.vector_load_idx %arg8[%broadcast_in_dim3A_838] : memref<8544xf32, #tpu.memory_space<vmem>>[vector<16xi32>], vector<16xf32>,
      %mul3A_840 = arith.mulf %get3A_100, %gather3A_7 : vector<16xf32>
      %add3A_841 = arith.addf %mul3A_840, %gather3A_836 : vector<16xf32>
      %mul3A_842 = arith.mulf %add3A_841, %get3A_100 : vector<16xf32>
      %add3A_843 = arith.addf %mul3A_842, %gather3A_839 : vector<16xf32>
      %bitcast3A_844 = vector.bitcast %add3A_843 : vector<16xf32> to vector<16xi32>
      %shift_right_logical3A_845 = arith.constant 1 : i32
      %shift_right_logical3A_846 = vector.broadcast %shift_right_logical3A_845 : i32 to vector<16xi32>
      %shift_right_logical3A_847 = arith.shrui %bitcast3A_844, %shift_right_logical3A_846 : vector<16xi32>
      %sub3A_848 = arith.constant 1597463007 : i32
      %sub3A_849 = vector.broadcast %sub3A_848 : i32 to vector<16xi32>
      %sub3A_850 = arith.subi %sub3A_849, %shift_right_logical3A_847 : vector<16xi32>
      %bitcast3A_851 = vector.bitcast %sub3A_850 : vector<16xi32> to vector<16xf32>
      %mul3A_852 = arith.constant 5.000000e-01 : f32
      %mul3A_853 = vector.broadcast %mul3A_852 : f32 to vector<16xf32>
      %mul3A_854 = arith.mulf %mul3A_853, %add3A_843 : vector<16xf32>
      %mul3A_855 = arith.mulf %mul3A_854, %bitcast3A_851 : vector<16xf32>
      %mul3A_856 = arith.mulf %mul3A_855, %bitcast3A_851 : vector<16xf32>
      %sub3A_857 = arith.constant 1.500000e+00 : f32
      %sub3A_858 = vector.broadcast %sub3A_857 : f32 to vector<16xf32>
      %sub3A_859 = arith.subf %sub3A_858, %mul3A_856 : vector<16xf32>
      %mul3A_860 = arith.mulf %bitcast3A_851, %sub3A_859 : vector<16xf32>
      %mul3A_861 = arith.constant 5.000000e-01 : f32
      %mul3A_862 = vector.broadcast %mul3A_861 : f32 to vector<16xf32>
      %mul3A_863 = arith.mulf %mul3A_862, %add3A_843 : vector<16xf32>
      %mul3A_864 = arith.mulf %mul3A_863, %mul3A_860 : vector<16xf32>
      %mul3A_865 = arith.mulf %mul3A_864, %mul3A_860 : vector<16xf32>
      %sub3A_866 = arith.constant 1.500000e+00 : f32
      %sub3A_867 = vector.broadcast %sub3A_866 : f32 to vector<16xf32>
      %sub3A_868 = arith.subf %sub3A_867, %mul3A_865 : vector<16xf32>
      %mul3A_869 = arith.mulf %mul3A_860, %sub3A_868 : vector<16xf32>
      %mul3A_870 = arith.constant 5.000000e-01 : f32
      %mul3A_871 = vector.broadcast %mul3A_870 : f32 to vector<16xf32>
      %mul3A_872 = arith.mulf %mul3A_871, %add3A_843 : vector<16xf32>
      %mul3A_873 = arith.mulf %mul3A_872, %mul3A_869 : vector<16xf32>
      %mul3A_874 = arith.mulf %mul3A_873, %mul3A_869 : vector<16xf32>
      %sub3A_875 = arith.constant 1.500000e+00 : f32
      %sub3A_876 = vector.broadcast %sub3A_875 : f32 to vector<16xf32>
      %sub3A_877 = arith.subf %sub3A_876, %mul3A_874 : vector<16xf32>
      %mul3A_878 = arith.mulf %mul3A_869, %sub3A_877 : vector<16xf32>
      %mul3A_879 = arith.constant 5.000000e-01 : f32
      %mul3A_880 = vector.broadcast %mul3A_879 : f32 to vector<16xf32>
      %mul3A_881 = arith.mulf %mul3A_880, %add3A_843 : vector<16xf32>
      %mul3A_882 = arith.mulf %mul3A_881, %mul3A_878 : vector<16xf32>
      %mul3A_883 = arith.mulf %mul3A_882, %mul3A_878 : vector<16xf32>
      %sub3A_884 = arith.constant 1.500000e+00 : f32
      %sub3A_885 = vector.broadcast %sub3A_884 : f32 to vector<16xf32>
      %sub3A_886 = arith.subf %sub3A_885, %mul3A_883 : vector<16xf32>
      %mul3A_887 = arith.mulf %mul3A_878, %sub3A_886 : vector<16xf32>
      %mul3A_888 = arith.mulf %get3A_100, %mul3A_887 : vector<16xf32>
      %broadcast_in_dim3A_889 = arith.constant 8519 : i32
      %broadcast_in_dim3A_890 = vector.broadcast %broadcast_in_dim3A_889 : i32 to vector<16xi32>
      %gather3A_891 = tpu.vector_load_idx %arg8[%broadcast_in_dim3A_890] : memref<8544xf32, #tpu.memory_space<vmem>>[vector<16xi32>], vector<16xf32>,
      %broadcast_in_dim3A_892 = arith.constant 8533 : i32
      %broadcast_in_dim3A_893 = vector.broadcast %broadcast_in_dim3A_892 : i32 to vector<16xi32>
      %gather3A_894 = tpu.vector_load_idx %arg8[%broadcast_in_dim3A_893] : memref<8544xf32, #tpu.memory_space<vmem>>[vector<16xi32>], vector<16xf32>,
      %mul3A_895 = arith.mulf %get3A_104, %gather3A_7 : vector<16xf32>
      %add3A_896 = arith.addf %mul3A_895, %gather3A_891 : vector<16xf32>
      %mul3A_897 = arith.mulf %add3A_896, %get3A_104 : vector<16xf32>
      %add3A_898 = arith.addf %mul3A_897, %gather3A_894 : vector<16xf32>
      %bitcast3A_899 = vector.bitcast %add3A_898 : vector<16xf32> to vector<16xi32>
      %shift_right_logical3A_900 = arith.constant 1 : i32
      %shift_right_logical3A_901 = vector.broadcast %shift_right_logical3A_900 : i32 to vector<16xi32>
      %shift_right_logical3A_902 = arith.shrui %bitcast3A_899, %shift_right_logical3A_901 : vector<16xi32>
      %sub3A_903 = arith.constant 1597463007 : i32
      %sub3A_904 = vector.broadcast %sub3A_903 : i32 to vector<16xi32>
      %sub3A_905 = arith.subi %sub3A_904, %shift_right_logical3A_902 : vector<16xi32>
      %bitcast3A_906 = vector.bitcast %sub3A_905 : vector<16xi32> to vector<16xf32>
      %mul3A_907 = arith.constant 5.000000e-01 : f32
      %mul3A_908 = vector.broadcast %mul3A_907 : f32 to vector<16xf32>
      %mul3A_909 = arith.mulf %mul3A_908, %add3A_898 : vector<16xf32>
      %mul3A_910 = arith.mulf %mul3A_909, %bitcast3A_906 : vector<16xf32>
      %mul3A_911 = arith.mulf %mul3A_910, %bitcast3A_906 : vector<16xf32>
      %sub3A_912 = arith.constant 1.500000e+00 : f32
      %sub3A_913 = vector.broadcast %sub3A_912 : f32 to vector<16xf32>
      %sub3A_914 = arith.subf %sub3A_913, %mul3A_911 : vector<16xf32>
      %mul3A_915 = arith.mulf %bitcast3A_906, %sub3A_914 : vector<16xf32>
      %mul3A_916 = arith.constant 5.000000e-01 : f32
      %mul3A_917 = vector.broadcast %mul3A_916 : f32 to vector<16xf32>
      %mul3A_918 = arith.mulf %mul3A_917, %add3A_898 : vector<16xf32>
      %mul3A_919 = arith.mulf %mul3A_918, %mul3A_915 : vector<16xf32>
      %mul3A_920 = arith.mulf %mul3A_919, %mul3A_915 : vector<16xf32>
      %sub3A_921 = arith.constant 1.500000e+00 : f32
      %sub3A_922 = vector.broadcast %sub3A_921 : f32 to vector<16xf32>
      %sub3A_923 = arith.subf %sub3A_922, %mul3A_920 : vector<16xf32>
      %mul3A_924 = arith.mulf %mul3A_915, %sub3A_923 : vector<16xf32>
      %mul3A_925 = arith.constant 5.000000e-01 : f32
      %mul3A_926 = vector.broadcast %mul3A_925 : f32 to vector<16xf32>
      %mul3A_927 = arith.mulf %mul3A_926, %add3A_898 : vector<16xf32>
      %mul3A_928 = arith.mulf %mul3A_927, %mul3A_924 : vector<16xf32>
      %mul3A_929 = arith.mulf %mul3A_928, %mul3A_924 : vector<16xf32>
      %sub3A_930 = arith.constant 1.500000e+00 : f32
      %sub3A_931 = vector.broadcast %sub3A_930 : f32 to vector<16xf32>
      %sub3A_932 = arith.subf %sub3A_931, %mul3A_929 : vector<16xf32>
      %mul3A_933 = arith.mulf %mul3A_924, %sub3A_932 : vector<16xf32>
      %mul3A_934 = arith.constant 5.000000e-01 : f32
      %mul3A_935 = vector.broadcast %mul3A_934 : f32 to vector<16xf32>
      %mul3A_936 = arith.mulf %mul3A_935, %add3A_898 : vector<16xf32>
      %mul3A_937 = arith.mulf %mul3A_936, %mul3A_933 : vector<16xf32>
      %mul3A_938 = arith.mulf %mul3A_937, %mul3A_933 : vector<16xf32>
      %sub3A_939 = arith.constant 1.500000e+00 : f32
      %sub3A_940 = vector.broadcast %sub3A_939 : f32 to vector<16xf32>
      %sub3A_941 = arith.subf %sub3A_940, %mul3A_938 : vector<16xf32>
      %mul3A_942 = arith.mulf %mul3A_933, %sub3A_941 : vector<16xf32>
      %mul3A_943 = arith.mulf %get3A_104, %mul3A_942 : vector<16xf32>
      %broadcast_in_dim3A_944 = arith.constant 8520 : i32
      %broadcast_in_dim3A_945 = vector.broadcast %broadcast_in_dim3A_944 : i32 to vector<16xi32>
      %gather3A_946 = tpu.vector_load_idx %arg8[%broadcast_in_dim3A_945] : memref<8544xf32, #tpu.memory_space<vmem>>[vector<16xi32>], vector<16xf32>,
      %broadcast_in_dim3A_947 = arith.constant 8534 : i32
      %broadcast_in_dim3A_948 = vector.broadcast %broadcast_in_dim3A_947 : i32 to vector<16xi32>
      %gather3A_949 = tpu.vector_load_idx %arg8[%broadcast_in_dim3A_948] : memref<8544xf32, #tpu.memory_space<vmem>>[vector<16xi32>], vector<16xf32>,
      %mul3A_950 = arith.mulf %get3A_108, %gather3A_7 : vector<16xf32>
      %add3A_951 = arith.addf %mul3A_950, %gather3A_946 : vector<16xf32>
      %mul3A_952 = arith.mulf %add3A_951, %get3A_108 : vector<16xf32>
      %add3A_953 = arith.addf %mul3A_952, %gather3A_949 : vector<16xf32>
      %bitcast3A_954 = vector.bitcast %add3A_953 : vector<16xf32> to vector<16xi32>
      %shift_right_logical3A_955 = arith.constant 1 : i32
      %shift_right_logical3A_956 = vector.broadcast %shift_right_logical3A_955 : i32 to vector<16xi32>
      %shift_right_logical3A_957 = arith.shrui %bitcast3A_954, %shift_right_logical3A_956 : vector<16xi32>
      %sub3A_958 = arith.constant 1597463007 : i32
      %sub3A_959 = vector.broadcast %sub3A_958 : i32 to vector<16xi32>
      %sub3A_960 = arith.subi %sub3A_959, %shift_right_logical3A_957 : vector<16xi32>
      %bitcast3A_961 = vector.bitcast %sub3A_960 : vector<16xi32> to vector<16xf32>
      %mul3A_962 = arith.constant 5.000000e-01 : f32
      %mul3A_963 = vector.broadcast %mul3A_962 : f32 to vector<16xf32>
      %mul3A_964 = arith.mulf %mul3A_963, %add3A_953 : vector<16xf32>
      %mul3A_965 = arith.mulf %mul3A_964, %bitcast3A_961 : vector<16xf32>
      %mul3A_966 = arith.mulf %mul3A_965, %bitcast3A_961 : vector<16xf32>
      %sub3A_967 = arith.constant 1.500000e+00 : f32
      %sub3A_968 = vector.broadcast %sub3A_967 : f32 to vector<16xf32>
      %sub3A_969 = arith.subf %sub3A_968, %mul3A_966 : vector<16xf32>
      %mul3A_970 = arith.mulf %bitcast3A_961, %sub3A_969 : vector<16xf32>
      %mul3A_971 = arith.constant 5.000000e-01 : f32
      %mul3A_972 = vector.broadcast %mul3A_971 : f32 to vector<16xf32>
      %mul3A_973 = arith.mulf %mul3A_972, %add3A_953 : vector<16xf32>
      %mul3A_974 = arith.mulf %mul3A_973, %mul3A_970 : vector<16xf32>
      %mul3A_975 = arith.mulf %mul3A_974, %mul3A_970 : vector<16xf32>
      %sub3A_976 = arith.constant 1.500000e+00 : f32
      %sub3A_977 = vector.broadcast %sub3A_976 : f32 to vector<16xf32>
      %sub3A_978 = arith.subf %sub3A_977, %mul3A_975 : vector<16xf32>
      %mul3A_979 = arith.mulf %mul3A_970, %sub3A_978 : vector<16xf32>
      %mul3A_980 = arith.constant 5.000000e-01 : f32
      %mul3A_981 = vector.broadcast %mul3A_980 : f32 to vector<16xf32>
      %mul3A_982 = arith.mulf %mul3A_981, %add3A_953 : vector<16xf32>
      %mul3A_983 = arith.mulf %mul3A_982, %mul3A_979 : vector<16xf32>
      %mul3A_984 = arith.mulf %mul3A_983, %mul3A_979 : vector<16xf32>
      %sub3A_985 = arith.constant 1.500000e+00 : f32
      %sub3A_986 = vector.broadcast %sub3A_985 : f32 to vector<16xf32>
      %sub3A_987 = arith.subf %sub3A_986, %mul3A_984 : vector<16xf32>
      %mul3A_988 = arith.mulf %mul3A_979, %sub3A_987 : vector<16xf32>
      %mul3A_989 = arith.constant 5.000000e-01 : f32
      %mul3A_990 = vector.broadcast %mul3A_989 : f32 to vector<16xf32>
      %mul3A_991 = arith.mulf %mul3A_990, %add3A_953 : vector<16xf32>
      %mul3A_992 = arith.mulf %mul3A_991, %mul3A_988 : vector<16xf32>
      %mul3A_993 = arith.mulf %mul3A_992, %mul3A_988 : vector<16xf32>
      %sub3A_994 = arith.constant 1.500000e+00 : f32
      %sub3A_995 = vector.broadcast %sub3A_994 : f32 to vector<16xf32>
      %sub3A_996 = arith.subf %sub3A_995, %mul3A_993 : vector<16xf32>
      %mul3A_997 = arith.mulf %mul3A_988, %sub3A_996 : vector<16xf32>
      %mul3A_998 = arith.mulf %get3A_108, %mul3A_997 : vector<16xf32>
      %broadcast_in_dim3A_999 = arith.constant 8521 : i32
      %broadcast_in_dim3A_1000 = vector.broadcast %broadcast_in_dim3A_999 : i32 to vector<16xi32>
      %gather3A_1001 = tpu.vector_load_idx %arg8[%broadcast_in_dim3A_1000] : memref<8544xf32, #tpu.memory_space<vmem>>[vector<16xi32>], vector<16xf32>,
      %broadcast_in_dim3A_1002 = arith.constant 8535 : i32
      %broadcast_in_dim3A_1003 = vector.broadcast %broadcast_in_dim3A_1002 : i32 to vector<16xi32>
      %gather3A_1004 = tpu.vector_load_idx %arg8[%broadcast_in_dim3A_1003] : memref<8544xf32, #tpu.memory_space<vmem>>[vector<16xi32>], vector<16xf32>,
      %mul3A_1005 = arith.mulf %get3A_112, %gather3A_7 : vector<16xf32>
      %add3A_1006 = arith.addf %mul3A_1005, %gather3A_1001 : vector<16xf32>
      %mul3A_1007 = arith.mulf %add3A_1006, %get3A_112 : vector<16xf32>
      %add3A_1008 = arith.addf %mul3A_1007, %gather3A_1004 : vector<16xf32>
      %bitcast3A_1009 = vector.bitcast %add3A_1008 : vector<16xf32> to vector<16xi32>
      %shift_right_logical3A_1010 = arith.constant 1 : i32
      %shift_right_logical3A_1011 = vector.broadcast %shift_right_logical3A_1010 : i32 to vector<16xi32>
      %shift_right_logical3A_1012 = arith.shrui %bitcast3A_1009, %shift_right_logical3A_1011 : vector<16xi32>
      %sub3A_1013 = arith.constant 1597463007 : i32
      %sub3A_1014 = vector.broadcast %sub3A_1013 : i32 to vector<16xi32>
      %sub3A_1015 = arith.subi %sub3A_1014, %shift_right_logical3A_1012 : vector<16xi32>
      %bitcast3A_1016 = vector.bitcast %sub3A_1015 : vector<16xi32> to vector<16xf32>
      %mul3A_1017 = arith.constant 5.000000e-01 : f32
      %mul3A_1018 = vector.broadcast %mul3A_1017 : f32 to vector<16xf32>
      %mul3A_1019 = arith.mulf %mul3A_1018, %add3A_1008 : vector<16xf32>
      %mul3A_1020 = arith.mulf %mul3A_1019, %bitcast3A_1016 : vector<16xf32>
      %mul3A_1021 = arith.mulf %mul3A_1020, %bitcast3A_1016 : vector<16xf32>
      %sub3A_1022 = arith.constant 1.500000e+00 : f32
      %sub3A_1023 = vector.broadcast %sub3A_1022 : f32 to vector<16xf32>
      %sub3A_1024 = arith.subf %sub3A_1023, %mul3A_1021 : vector<16xf32>
      %mul3A_1025 = arith.mulf %bitcast3A_1016, %sub3A_1024 : vector<16xf32>
      %mul3A_1026 = arith.constant 5.000000e-01 : f32
      %mul3A_1027 = vector.broadcast %mul3A_1026 : f32 to vector<16xf32>
      %mul3A_1028 = arith.mulf %mul3A_1027, %add3A_1008 : vector<16xf32>
      %mul3A_1029 = arith.mulf %mul3A_1028, %mul3A_1025 : vector<16xf32>
      %mul3A_1030 = arith.mulf %mul3A_1029, %mul3A_1025 : vector<16xf32>
      %sub3A_1031 = arith.constant 1.500000e+00 : f32
      %sub3A_1032 = vector.broadcast %sub3A_1031 : f32 to vector<16xf32>
      %sub3A_1033 = arith.subf %sub3A_1032, %mul3A_1030 : vector<16xf32>
      %mul3A_1034 = arith.mulf %mul3A_1025, %sub3A_1033 : vector<16xf32>
      %mul3A_1035 = arith.constant 5.000000e-01 : f32
      %mul3A_1036 = vector.broadcast %mul3A_1035 : f32 to vector<16xf32>
      %mul3A_1037 = arith.mulf %mul3A_1036, %add3A_1008 : vector<16xf32>
      %mul3A_1038 = arith.mulf %mul3A_1037, %mul3A_1034 : vector<16xf32>
      %mul3A_1039 = arith.mulf %mul3A_1038, %mul3A_1034 : vector<16xf32>
      %sub3A_1040 = arith.constant 1.500000e+00 : f32
      %sub3A_1041 = vector.broadcast %sub3A_1040 : f32 to vector<16xf32>
      %sub3A_1042 = arith.subf %sub3A_1041, %mul3A_1039 : vector<16xf32>
      %mul3A_1043 = arith.mulf %mul3A_1034, %sub3A_1042 : vector<16xf32>
      %mul3A_1044 = arith.constant 5.000000e-01 : f32
      %mul3A_1045 = vector.broadcast %mul3A_1044 : f32 to vector<16xf32>
      %mul3A_1046 = arith.mulf %mul3A_1045, %add3A_1008 : vector<16xf32>
      %mul3A_1047 = arith.mulf %mul3A_1046, %mul3A_1043 : vector<16xf32>
      %mul3A_1048 = arith.mulf %mul3A_1047, %mul3A_1043 : vector<16xf32>
      %sub3A_1049 = arith.constant 1.500000e+00 : f32
      %sub3A_1050 = vector.broadcast %sub3A_1049 : f32 to vector<16xf32>
      %sub3A_1051 = arith.subf %sub3A_1050, %mul3A_1048 : vector<16xf32>
      %mul3A_1052 = arith.mulf %mul3A_1043, %sub3A_1051 : vector<16xf32>
      %mul3A_1053 = arith.mulf %get3A_112, %mul3A_1052 : vector<16xf32>
      %broadcast_in_dim3A_1054 = arith.constant 8522 : i32
      %broadcast_in_dim3A_1055 = vector.broadcast %broadcast_in_dim3A_1054 : i32 to vector<16xi32>
      %gather3A_1056 = tpu.vector_load_idx %arg8[%broadcast_in_dim3A_1055] : memref<8544xf32, #tpu.memory_space<vmem>>[vector<16xi32>], vector<16xf32>,
      %broadcast_in_dim3A_1057 = arith.constant 8536 : i32
      %broadcast_in_dim3A_1058 = vector.broadcast %broadcast_in_dim3A_1057 : i32 to vector<16xi32>
      %gather3A_1059 = tpu.vector_load_idx %arg8[%broadcast_in_dim3A_1058] : memref<8544xf32, #tpu.memory_space<vmem>>[vector<16xi32>], vector<16xf32>,
      %mul3A_1060 = arith.mulf %get3A_116, %gather3A_7 : vector<16xf32>
      %add3A_1061 = arith.addf %mul3A_1060, %gather3A_1056 : vector<16xf32>
      %mul3A_1062 = arith.mulf %add3A_1061, %get3A_116 : vector<16xf32>
      %add3A_1063 = arith.addf %mul3A_1062, %gather3A_1059 : vector<16xf32>
      %bitcast3A_1064 = vector.bitcast %add3A_1063 : vector<16xf32> to vector<16xi32>
      %shift_right_logical3A_1065 = arith.constant 1 : i32
      %shift_right_logical3A_1066 = vector.broadcast %shift_right_logical3A_1065 : i32 to vector<16xi32>
      %shift_right_logical3A_1067 = arith.shrui %bitcast3A_1064, %shift_right_logical3A_1066 : vector<16xi32>
      %sub3A_1068 = arith.constant 1597463007 : i32
      %sub3A_1069 = vector.broadcast %sub3A_1068 : i32 to vector<16xi32>
      %sub3A_1070 = arith.subi %sub3A_1069, %shift_right_logical3A_1067 : vector<16xi32>
      %bitcast3A_1071 = vector.bitcast %sub3A_1070 : vector<16xi32> to vector<16xf32>
      %mul3A_1072 = arith.constant 5.000000e-01 : f32
      %mul3A_1073 = vector.broadcast %mul3A_1072 : f32 to vector<16xf32>
      %mul3A_1074 = arith.mulf %mul3A_1073, %add3A_1063 : vector<16xf32>
      %mul3A_1075 = arith.mulf %mul3A_1074, %bitcast3A_1071 : vector<16xf32>
      %mul3A_1076 = arith.mulf %mul3A_1075, %bitcast3A_1071 : vector<16xf32>
      %sub3A_1077 = arith.constant 1.500000e+00 : f32
      %sub3A_1078 = vector.broadcast %sub3A_1077 : f32 to vector<16xf32>
      %sub3A_1079 = arith.subf %sub3A_1078, %mul3A_1076 : vector<16xf32>
      %mul3A_1080 = arith.mulf %bitcast3A_1071, %sub3A_1079 : vector<16xf32>
      %mul3A_1081 = arith.constant 5.000000e-01 : f32
      %mul3A_1082 = vector.broadcast %mul3A_1081 : f32 to vector<16xf32>
      %mul3A_1083 = arith.mulf %mul3A_1082, %add3A_1063 : vector<16xf32>
      %mul3A_1084 = arith.mulf %mul3A_1083, %mul3A_1080 : vector<16xf32>
      %mul3A_1085 = arith.mulf %mul3A_1084, %mul3A_1080 : vector<16xf32>
      %sub3A_1086 = arith.constant 1.500000e+00 : f32
      %sub3A_1087 = vector.broadcast %sub3A_1086 : f32 to vector<16xf32>
      %sub3A_1088 = arith.subf %sub3A_1087, %mul3A_1085 : vector<16xf32>
      %mul3A_1089 = arith.mulf %mul3A_1080, %sub3A_1088 : vector<16xf32>
      %mul3A_1090 = arith.constant 5.000000e-01 : f32
      %mul3A_1091 = vector.broadcast %mul3A_1090 : f32 to vector<16xf32>
      %mul3A_1092 = arith.mulf %mul3A_1091, %add3A_1063 : vector<16xf32>
      %mul3A_1093 = arith.mulf %mul3A_1092, %mul3A_1089 : vector<16xf32>
      %mul3A_1094 = arith.mulf %mul3A_1093, %mul3A_1089 : vector<16xf32>
      %sub3A_1095 = arith.constant 1.500000e+00 : f32
      %sub3A_1096 = vector.broadcast %sub3A_1095 : f32 to vector<16xf32>
      %sub3A_1097 = arith.subf %sub3A_1096, %mul3A_1094 : vector<16xf32>
      %mul3A_1098 = arith.mulf %mul3A_1089, %sub3A_1097 : vector<16xf32>
      %mul3A_1099 = arith.constant 5.000000e-01 : f32
      %mul3A_1100 = vector.broadcast %mul3A_1099 : f32 to vector<16xf32>
      %mul3A_1101 = arith.mulf %mul3A_1100, %add3A_1063 : vector<16xf32>
      %mul3A_1102 = arith.mulf %mul3A_1101, %mul3A_1098 : vector<16xf32>
      %mul3A_1103 = arith.mulf %mul3A_1102, %mul3A_1098 : vector<16xf32>
      %sub3A_1104 = arith.constant 1.500000e+00 : f32
      %sub3A_1105 = vector.broadcast %sub3A_1104 : f32 to vector<16xf32>
      %sub3A_1106 = arith.subf %sub3A_1105, %mul3A_1103 : vector<16xf32>
      %mul3A_1107 = arith.mulf %mul3A_1098, %sub3A_1106 : vector<16xf32>
      %mul3A_1108 = arith.mulf %get3A_116, %mul3A_1107 : vector<16xf32>
      %broadcast_in_dim3A_1109 = arith.constant 8523 : i32
      %broadcast_in_dim3A_1110 = vector.broadcast %broadcast_in_dim3A_1109 : i32 to vector<16xi32>
      %gather3A_1111 = tpu.vector_load_idx %arg8[%broadcast_in_dim3A_1110] : memref<8544xf32, #tpu.memory_space<vmem>>[vector<16xi32>], vector<16xf32>,
      %broadcast_in_dim3A_1112 = arith.constant 8537 : i32
      %broadcast_in_dim3A_1113 = vector.broadcast %broadcast_in_dim3A_1112 : i32 to vector<16xi32>
      %gather3A_1114 = tpu.vector_load_idx %arg8[%broadcast_in_dim3A_1113] : memref<8544xf32, #tpu.memory_space<vmem>>[vector<16xi32>], vector<16xf32>,
      %mul3A_1115 = arith.mulf %get3A_120, %gather3A_7 : vector<16xf32>
      %add3A_1116 = arith.addf %mul3A_1115, %gather3A_1111 : vector<16xf32>
      %mul3A_1117 = arith.mulf %add3A_1116, %get3A_120 : vector<16xf32>
      %add3A_1118 = arith.addf %mul3A_1117, %gather3A_1114 : vector<16xf32>
      %bitcast3A_1119 = vector.bitcast %add3A_1118 : vector<16xf32> to vector<16xi32>
      %shift_right_logical3A_1120 = arith.constant 1 : i32
      %shift_right_logical3A_1121 = vector.broadcast %shift_right_logical3A_1120 : i32 to vector<16xi32>
      %shift_right_logical3A_1122 = arith.shrui %bitcast3A_1119, %shift_right_logical3A_1121 : vector<16xi32>
      %sub3A_1123 = arith.constant 1597463007 : i32
      %sub3A_1124 = vector.broadcast %sub3A_1123 : i32 to vector<16xi32>
      %sub3A_1125 = arith.subi %sub3A_1124, %shift_right_logical3A_1122 : vector<16xi32>
      %bitcast3A_1126 = vector.bitcast %sub3A_1125 : vector<16xi32> to vector<16xf32>
      %mul3A_1127 = arith.constant 5.000000e-01 : f32
      %mul3A_1128 = vector.broadcast %mul3A_1127 : f32 to vector<16xf32>
      %mul3A_1129 = arith.mulf %mul3A_1128, %add3A_1118 : vector<16xf32>
      %mul3A_1130 = arith.mulf %mul3A_1129, %bitcast3A_1126 : vector<16xf32>
      %mul3A_1131 = arith.mulf %mul3A_1130, %bitcast3A_1126 : vector<16xf32>
      %sub3A_1132 = arith.constant 1.500000e+00 : f32
      %sub3A_1133 = vector.broadcast %sub3A_1132 : f32 to vector<16xf32>
      %sub3A_1134 = arith.subf %sub3A_1133, %mul3A_1131 : vector<16xf32>
      %mul3A_1135 = arith.mulf %bitcast3A_1126, %sub3A_1134 : vector<16xf32>
      %mul3A_1136 = arith.constant 5.000000e-01 : f32
      %mul3A_1137 = vector.broadcast %mul3A_1136 : f32 to vector<16xf32>
      %mul3A_1138 = arith.mulf %mul3A_1137, %add3A_1118 : vector<16xf32>
      %mul3A_1139 = arith.mulf %mul3A_1138, %mul3A_1135 : vector<16xf32>
      %mul3A_1140 = arith.mulf %mul3A_1139, %mul3A_1135 : vector<16xf32>
      %sub3A_1141 = arith.constant 1.500000e+00 : f32
      %sub3A_1142 = vector.broadcast %sub3A_1141 : f32 to vector<16xf32>
      %sub3A_1143 = arith.subf %sub3A_1142, %mul3A_1140 : vector<16xf32>
      %mul3A_1144 = arith.mulf %mul3A_1135, %sub3A_1143 : vector<16xf32>
      %mul3A_1145 = arith.constant 5.000000e-01 : f32
      %mul3A_1146 = vector.broadcast %mul3A_1145 : f32 to vector<16xf32>
      %mul3A_1147 = arith.mulf %mul3A_1146, %add3A_1118 : vector<16xf32>
      %mul3A_1148 = arith.mulf %mul3A_1147, %mul3A_1144 : vector<16xf32>
      %mul3A_1149 = arith.mulf %mul3A_1148, %mul3A_1144 : vector<16xf32>
      %sub3A_1150 = arith.constant 1.500000e+00 : f32
      %sub3A_1151 = vector.broadcast %sub3A_1150 : f32 to vector<16xf32>
      %sub3A_1152 = arith.subf %sub3A_1151, %mul3A_1149 : vector<16xf32>
      %mul3A_1153 = arith.mulf %mul3A_1144, %sub3A_1152 : vector<16xf32>
      %mul3A_1154 = arith.constant 5.000000e-01 : f32
      %mul3A_1155 = vector.broadcast %mul3A_1154 : f32 to vector<16xf32>
      %mul3A_1156 = arith.mulf %mul3A_1155, %add3A_1118 : vector<16xf32>
      %mul3A_1157 = arith.mulf %mul3A_1156, %mul3A_1153 : vector<16xf32>
      %mul3A_1158 = arith.mulf %mul3A_1157, %mul3A_1153 : vector<16xf32>
      %sub3A_1159 = arith.constant 1.500000e+00 : f32
      %sub3A_1160 = vector.broadcast %sub3A_1159 : f32 to vector<16xf32>
      %sub3A_1161 = arith.subf %sub3A_1160, %mul3A_1158 : vector<16xf32>
      %mul3A_1162 = arith.mulf %mul3A_1153, %sub3A_1161 : vector<16xf32>
      %mul3A_1163 = arith.mulf %get3A_120, %mul3A_1162 : vector<16xf32>
      %broadcast_in_dim3A_1164 = arith.constant 8524 : i32
      %broadcast_in_dim3A_1165 = vector.broadcast %broadcast_in_dim3A_1164 : i32 to vector<16xi32>
      %gather3A_1166 = tpu.vector_load_idx %arg8[%broadcast_in_dim3A_1165] : memref<8544xf32, #tpu.memory_space<vmem>>[vector<16xi32>], vector<16xf32>,
      %broadcast_in_dim3A_1167 = arith.constant 8538 : i32
      %broadcast_in_dim3A_1168 = vector.broadcast %broadcast_in_dim3A_1167 : i32 to vector<16xi32>
      %gather3A_1169 = tpu.vector_load_idx %arg8[%broadcast_in_dim3A_1168] : memref<8544xf32, #tpu.memory_space<vmem>>[vector<16xi32>], vector<16xf32>,
      %mul3A_1170 = arith.mulf %get3A_124, %gather3A_7 : vector<16xf32>
      %add3A_1171 = arith.addf %mul3A_1170, %gather3A_1166 : vector<16xf32>
      %mul3A_1172 = arith.mulf %add3A_1171, %get3A_124 : vector<16xf32>
      %add3A_1173 = arith.addf %mul3A_1172, %gather3A_1169 : vector<16xf32>
      %bitcast3A_1174 = vector.bitcast %add3A_1173 : vector<16xf32> to vector<16xi32>
      %shift_right_logical3A_1175 = arith.constant 1 : i32
      %shift_right_logical3A_1176 = vector.broadcast %shift_right_logical3A_1175 : i32 to vector<16xi32>
      %shift_right_logical3A_1177 = arith.shrui %bitcast3A_1174, %shift_right_logical3A_1176 : vector<16xi32>
      %sub3A_1178 = arith.constant 1597463007 : i32
      %sub3A_1179 = vector.broadcast %sub3A_1178 : i32 to vector<16xi32>
      %sub3A_1180 = arith.subi %sub3A_1179, %shift_right_logical3A_1177 : vector<16xi32>
      %bitcast3A_1181 = vector.bitcast %sub3A_1180 : vector<16xi32> to vector<16xf32>
      %mul3A_1182 = arith.constant 5.000000e-01 : f32
      %mul3A_1183 = vector.broadcast %mul3A_1182 : f32 to vector<16xf32>
      %mul3A_1184 = arith.mulf %mul3A_1183, %add3A_1173 : vector<16xf32>
      %mul3A_1185 = arith.mulf %mul3A_1184, %bitcast3A_1181 : vector<16xf32>
      %mul3A_1186 = arith.mulf %mul3A_1185, %bitcast3A_1181 : vector<16xf32>
      %sub3A_1187 = arith.constant 1.500000e+00 : f32
      %sub3A_1188 = vector.broadcast %sub3A_1187 : f32 to vector<16xf32>
      %sub3A_1189 = arith.subf %sub3A_1188, %mul3A_1186 : vector<16xf32>
      %mul3A_1190 = arith.mulf %bitcast3A_1181, %sub3A_1189 : vector<16xf32>
      %mul3A_1191 = arith.constant 5.000000e-01 : f32
      %mul3A_1192 = vector.broadcast %mul3A_1191 : f32 to vector<16xf32>
      %mul3A_1193 = arith.mulf %mul3A_1192, %add3A_1173 : vector<16xf32>
      %mul3A_1194 = arith.mulf %mul3A_1193, %mul3A_1190 : vector<16xf32>
      %mul3A_1195 = arith.mulf %mul3A_1194, %mul3A_1190 : vector<16xf32>
      %sub3A_1196 = arith.constant 1.500000e+00 : f32
      %sub3A_1197 = vector.broadcast %sub3A_1196 : f32 to vector<16xf32>
      %sub3A_1198 = arith.subf %sub3A_1197, %mul3A_1195 : vector<16xf32>
      %mul3A_1199 = arith.mulf %mul3A_1190, %sub3A_1198 : vector<16xf32>
      %mul3A_1200 = arith.constant 5.000000e-01 : f32
      %mul3A_1201 = vector.broadcast %mul3A_1200 : f32 to vector<16xf32>
      %mul3A_1202 = arith.mulf %mul3A_1201, %add3A_1173 : vector<16xf32>
      %mul3A_1203 = arith.mulf %mul3A_1202, %mul3A_1199 : vector<16xf32>
      %mul3A_1204 = arith.mulf %mul3A_1203, %mul3A_1199 : vector<16xf32>
      %sub3A_1205 = arith.constant 1.500000e+00 : f32
      %sub3A_1206 = vector.broadcast %sub3A_1205 : f32 to vector<16xf32>
      %sub3A_1207 = arith.subf %sub3A_1206, %mul3A_1204 : vector<16xf32>
      %mul3A_1208 = arith.mulf %mul3A_1199, %sub3A_1207 : vector<16xf32>
      %mul3A_1209 = arith.constant 5.000000e-01 : f32
      %mul3A_1210 = vector.broadcast %mul3A_1209 : f32 to vector<16xf32>
      %mul3A_1211 = arith.mulf %mul3A_1210, %add3A_1173 : vector<16xf32>
      %mul3A_1212 = arith.mulf %mul3A_1211, %mul3A_1208 : vector<16xf32>
      %mul3A_1213 = arith.mulf %mul3A_1212, %mul3A_1208 : vector<16xf32>
      %sub3A_1214 = arith.constant 1.500000e+00 : f32
      %sub3A_1215 = vector.broadcast %sub3A_1214 : f32 to vector<16xf32>
      %sub3A_1216 = arith.subf %sub3A_1215, %mul3A_1213 : vector<16xf32>
      %mul3A_1217 = arith.mulf %mul3A_1208, %sub3A_1216 : vector<16xf32>
      %mul3A_1218 = arith.mulf %get3A_124, %mul3A_1217 : vector<16xf32>
      %broadcast_in_dim3A_1219 = arith.constant 8525 : i32
      %broadcast_in_dim3A_1220 = vector.broadcast %broadcast_in_dim3A_1219 : i32 to vector<16xi32>
      %gather3A_1221 = tpu.vector_load_idx %arg8[%broadcast_in_dim3A_1220] : memref<8544xf32, #tpu.memory_space<vmem>>[vector<16xi32>], vector<16xf32>,
      %broadcast_in_dim3A_1222 = arith.constant 8539 : i32
      %broadcast_in_dim3A_1223 = vector.broadcast %broadcast_in_dim3A_1222 : i32 to vector<16xi32>
      %gather3A_1224 = tpu.vector_load_idx %arg8[%broadcast_in_dim3A_1223] : memref<8544xf32, #tpu.memory_space<vmem>>[vector<16xi32>], vector<16xf32>,
      %mul3A_1225 = arith.mulf %get3A_128, %gather3A_7 : vector<16xf32>
      %add3A_1226 = arith.addf %mul3A_1225, %gather3A_1221 : vector<16xf32>
      %mul3A_1227 = arith.mulf %add3A_1226, %get3A_128 : vector<16xf32>
      %add3A_1228 = arith.addf %mul3A_1227, %gather3A_1224 : vector<16xf32>
      %bitcast3A_1229 = vector.bitcast %add3A_1228 : vector<16xf32> to vector<16xi32>
      %shift_right_logical3A_1230 = arith.constant 1 : i32
      %shift_right_logical3A_1231 = vector.broadcast %shift_right_logical3A_1230 : i32 to vector<16xi32>
      %shift_right_logical3A_1232 = arith.shrui %bitcast3A_1229, %shift_right_logical3A_1231 : vector<16xi32>
      %sub3A_1233 = arith.constant 1597463007 : i32
      %sub3A_1234 = vector.broadcast %sub3A_1233 : i32 to vector<16xi32>
      %sub3A_1235 = arith.subi %sub3A_1234, %shift_right_logical3A_1232 : vector<16xi32>
      %bitcast3A_1236 = vector.bitcast %sub3A_1235 : vector<16xi32> to vector<16xf32>
      %mul3A_1237 = arith.constant 5.000000e-01 : f32
      %mul3A_1238 = vector.broadcast %mul3A_1237 : f32 to vector<16xf32>
      %mul3A_1239 = arith.mulf %mul3A_1238, %add3A_1228 : vector<16xf32>
      %mul3A_1240 = arith.mulf %mul3A_1239, %bitcast3A_1236 : vector<16xf32>
      %mul3A_1241 = arith.mulf %mul3A_1240, %bitcast3A_1236 : vector<16xf32>
      %sub3A_1242 = arith.constant 1.500000e+00 : f32
      %sub3A_1243 = vector.broadcast %sub3A_1242 : f32 to vector<16xf32>
      %sub3A_1244 = arith.subf %sub3A_1243, %mul3A_1241 : vector<16xf32>
      %mul3A_1245 = arith.mulf %bitcast3A_1236, %sub3A_1244 : vector<16xf32>
      %mul3A_1246 = arith.constant 5.000000e-01 : f32
      %mul3A_1247 = vector.broadcast %mul3A_1246 : f32 to vector<16xf32>
      %mul3A_1248 = arith.mulf %mul3A_1247, %add3A_1228 : vector<16xf32>
      %mul3A_1249 = arith.mulf %mul3A_1248, %mul3A_1245 : vector<16xf32>
      %mul3A_1250 = arith.mulf %mul3A_1249, %mul3A_1245 : vector<16xf32>
      %sub3A_1251 = arith.constant 1.500000e+00 : f32
      %sub3A_1252 = vector.broadcast %sub3A_1251 : f32 to vector<16xf32>
      %sub3A_1253 = arith.subf %sub3A_1252, %mul3A_1250 : vector<16xf32>
      %mul3A_1254 = arith.mulf %mul3A_1245, %sub3A_1253 : vector<16xf32>
      %mul3A_1255 = arith.constant 5.000000e-01 : f32
      %mul3A_1256 = vector.broadcast %mul3A_1255 : f32 to vector<16xf32>
      %mul3A_1257 = arith.mulf %mul3A_1256, %add3A_1228 : vector<16xf32>
      %mul3A_1258 = arith.mulf %mul3A_1257, %mul3A_1254 : vector<16xf32>
      %mul3A_1259 = arith.mulf %mul3A_1258, %mul3A_1254 : vector<16xf32>
      %sub3A_1260 = arith.constant 1.500000e+00 : f32
      %sub3A_1261 = vector.broadcast %sub3A_1260 : f32 to vector<16xf32>
      %sub3A_1262 = arith.subf %sub3A_1261, %mul3A_1259 : vector<16xf32>
      %mul3A_1263 = arith.mulf %mul3A_1254, %sub3A_1262 : vector<16xf32>
      %mul3A_1264 = arith.constant 5.000000e-01 : f32
      %mul3A_1265 = vector.broadcast %mul3A_1264 : f32 to vector<16xf32>
      %mul3A_1266 = arith.mulf %mul3A_1265, %add3A_1228 : vector<16xf32>
      %mul3A_1267 = arith.mulf %mul3A_1266, %mul3A_1263 : vector<16xf32>
      %mul3A_1268 = arith.mulf %mul3A_1267, %mul3A_1263 : vector<16xf32>
      %sub3A_1269 = arith.constant 1.500000e+00 : f32
      %sub3A_1270 = vector.broadcast %sub3A_1269 : f32 to vector<16xf32>
      %sub3A_1271 = arith.subf %sub3A_1270, %mul3A_1268 : vector<16xf32>
      %mul3A_1272 = arith.mulf %mul3A_1263, %sub3A_1271 : vector<16xf32>
      %mul3A_1273 = arith.mulf %get3A_128, %mul3A_1272 : vector<16xf32>
      %mul3A_1274 = arith.constant 128 : i32
      %mul3A_1275 = vector.broadcast %mul3A_1274 : i32 to vector<16xi32>
      %mul3A_1276 = arith.muli %get3A_16, %mul3A_1275 : vector<16xi32>
      %broadcast_in_dim3A_1277 = arith.constant 1024 : i32
      %broadcast_in_dim3A_1278 = vector.broadcast %broadcast_in_dim3A_1277 : i32 to vector<16xi32>
      %mul3A_1279 = arith.constant 128 : i32
      %mul3A_1280 = vector.broadcast %mul3A_1279 : i32 to vector<16xi32>
      %mul3A_1281 = arith.muli %get3A_20, %mul3A_1280 : vector<16xi32>
      %add3A_1282 = arith.addi %broadcast_in_dim3A_1278, %mul3A_1281 : vector<16xi32>
      %broadcast_in_dim3A_1283 = arith.constant 2048 : i32
      %broadcast_in_dim3A_1284 = vector.broadcast %broadcast_in_dim3A_1283 : i32 to vector<16xi32>
      %mul3A_1285 = arith.constant 128 : i32
      %mul3A_1286 = vector.broadcast %mul3A_1285 : i32 to vector<16xi32>
      %mul3A_1287 = arith.muli %get3A_24, %mul3A_1286 : vector<16xi32>
      %add3A_1288 = arith.addi %broadcast_in_dim3A_1284, %mul3A_1287 : vector<16xi32>
      %broadcast_in_dim3A_1289 = arith.constant 3072 : i32
      %broadcast_in_dim3A_1290 = vector.broadcast %broadcast_in_dim3A_1289 : i32 to vector<16xi32>
      %mul3A_1291 = arith.constant 128 : i32
      %mul3A_1292 = vector.broadcast %mul3A_1291 : i32 to vector<16xi32>
      %mul3A_1293 = arith.muli %get3A_28, %mul3A_1292 : vector<16xi32>
      %add3A_1294 = arith.addi %broadcast_in_dim3A_1290, %mul3A_1293 : vector<16xi32>
      %broadcast_in_dim3A_1295 = arith.constant 3584 : i32
      %broadcast_in_dim3A_1296 = vector.broadcast %broadcast_in_dim3A_1295 : i32 to vector<16xi32>
      %mul3A_1297 = arith.constant 128 : i32
      %mul3A_1298 = vector.broadcast %mul3A_1297 : i32 to vector<16xi32>
      %mul3A_1299 = arith.muli %get3A_32, %mul3A_1298 : vector<16xi32>
      %add3A_1300 = arith.addi %broadcast_in_dim3A_1296, %mul3A_1299 : vector<16xi32>
      %broadcast_in_dim3A_1301 = arith.constant 4096 : i32
      %broadcast_in_dim3A_1302 = vector.broadcast %broadcast_in_dim3A_1301 : i32 to vector<16xi32>
      %mul3A_1303 = arith.constant 128 : i32
      %mul3A_1304 = vector.broadcast %mul3A_1303 : i32 to vector<16xi32>
      %mul3A_1305 = arith.muli %get3A_36, %mul3A_1304 : vector<16xi32>
      %add3A_1306 = arith.addi %broadcast_in_dim3A_1302, %mul3A_1305 : vector<16xi32>
      %broadcast_in_dim3A_1307 = arith.constant 4608 : i32
      %broadcast_in_dim3A_1308 = vector.broadcast %broadcast_in_dim3A_1307 : i32 to vector<16xi32>
      %mul3A_1309 = arith.constant 128 : i32
      %mul3A_1310 = vector.broadcast %mul3A_1309 : i32 to vector<16xi32>
      %mul3A_1311 = arith.muli %get3A_40, %mul3A_1310 : vector<16xi32>
      %add3A_1312 = arith.addi %broadcast_in_dim3A_1308, %mul3A_1311 : vector<16xi32>
      %broadcast_in_dim3A_1313 = arith.constant 5120 : i32
      %broadcast_in_dim3A_1314 = vector.broadcast %broadcast_in_dim3A_1313 : i32 to vector<16xi32>
      %mul3A_1315 = arith.constant 128 : i32
      %mul3A_1316 = vector.broadcast %mul3A_1315 : i32 to vector<16xi32>
      %mul3A_1317 = arith.muli %get3A_44, %mul3A_1316 : vector<16xi32>
      %add3A_1318 = arith.addi %broadcast_in_dim3A_1314, %mul3A_1317 : vector<16xi32>
      %broadcast_in_dim3A_1319 = arith.constant 5632 : i32
      %broadcast_in_dim3A_1320 = vector.broadcast %broadcast_in_dim3A_1319 : i32 to vector<16xi32>
      %mul3A_1321 = arith.constant 128 : i32
      %mul3A_1322 = vector.broadcast %mul3A_1321 : i32 to vector<16xi32>
      %mul3A_1323 = arith.muli %get3A_48, %mul3A_1322 : vector<16xi32>
      %add3A_1324 = arith.addi %broadcast_in_dim3A_1320, %mul3A_1323 : vector<16xi32>
      %scan3A_1325 = arith.constant 0 : i32
      %scan3A_1326 = arith.constant 0 : i32
      %scan3A_1327 = arith.constant 128 : i32
      %scan3A_1328 = arith.addi %scan3A_1326, %scan3A_1327 : i32
      %scan3A_1329 = arith.constant 1 : i32
      %scan3A_1330 = scf.for %scan3A_1339 = %scan3A_1326 to %scan3A_1328 step %scan3A_1329 iter_args(%scan3A_1340 = %scan3A_1325) -> (i32)  : i32 {
        %broadcast_in_dim3A_1341 = arith.constant 0 : i32
        %broadcast_in_dim3A_1342 = vector.broadcast %broadcast_in_dim3A_1341 : i32 to vector<16xi32>
        %add3A_1343 = vector.broadcast %scan3A_1339 : i32 to vector<16xi32>
        %add3A_1344 = arith.addi %broadcast_in_dim3A_1342, %add3A_1343 : vector<16xi32>
        %add3A_1345 = arith.constant 7936 : i32
        %add3A_1346 = vector.broadcast %add3A_1345 : i32 to vector<16xi32>
        %add3A_1347 = arith.addi %add3A_1344, %add3A_1346 : vector<16xi32>
        %gather3A_1348 = tpu.vector_load_idx %arg8[%add3A_1347] : memref<8544xf32, #tpu.memory_space<vmem>>[vector<16xi32>], vector<16xf32>,
        %add3A_1349 = arith.constant 8064 : i32
        %add3A_1350 = vector.broadcast %add3A_1349 : i32 to vector<16xi32>
        %add3A_1351 = arith.addi %add3A_1344, %add3A_1350 : vector<16xi32>
        %gather3A_1352 = tpu.vector_load_idx %arg8[%add3A_1351] : memref<8544xf32, #tpu.memory_space<vmem>>[vector<16xi32>], vector<16xf32>,
        %add3A_1353 = arith.constant 8192 : i32
        %add3A_1354 = vector.broadcast %add3A_1353 : i32 to vector<16xi32>
        %add3A_1355 = arith.addi %add3A_1344, %add3A_1354 : vector<16xi32>
        %gather3A_1356 = tpu.vector_load_idx %arg8[%add3A_1355] : memref<8544xf32, #tpu.memory_space<vmem>>[vector<16xi32>], vector<16xf32>,
        %add3A_1357 = arith.constant 8320 : i32
        %add3A_1358 = vector.broadcast %add3A_1357 : i32 to vector<16xi32>
        %add3A_1359 = arith.addi %add3A_1344, %add3A_1358 : vector<16xi32>
        %gather3A_1360 = tpu.vector_load_idx %arg8[%add3A_1359] : memref<8544xf32, #tpu.memory_space<vmem>>[vector<16xi32>], vector<16xf32>,
        %add3A_1361 = arith.addi %mul3A_3, %add3A_1344 : vector<16xi32>
        tpu.vector_store_idx %arg9[%add3A_1361], %gather3A_1360 : memref<49152xf32, #tpu.memory_space<vmem>>[vector<16xi32>], vector<16xf32>,
        %add3A_1362 = arith.addi %mul3A_1276, %add3A_1344 : vector<16xi32>
        %gather3A_1363 = tpu.vector_load_idx %arg8[%add3A_1362] : memref<8544xf32, #tpu.memory_space<vmem>>[vector<16xi32>], vector<16xf32>,
        %add3A_1364 = arith.constant 128 : i32
        %add3A_1365 = vector.broadcast %add3A_1364 : i32 to vector<16xi32>
        %add3A_1366 = arith.addi %add3A_1361, %add3A_1365 : vector<16xi32>
        tpu.vector_store_idx %arg9[%add3A_1366], %gather3A_1363 : memref<49152xf32, #tpu.memory_space<vmem>>[vector<16xi32>], vector<16xf32>,
        %add3A_1367 = arith.addi %add3A_1282, %add3A_1344 : vector<16xi32>
        %gather3A_1368 = tpu.vector_load_idx %arg8[%add3A_1367] : memref<8544xf32, #tpu.memory_space<vmem>>[vector<16xi32>], vector<16xf32>,
        %add3A_1369 = arith.constant 256 : i32
        %add3A_1370 = vector.broadcast %add3A_1369 : i32 to vector<16xi32>
        %add3A_1371 = arith.addi %add3A_1361, %add3A_1370 : vector<16xi32>
        tpu.vector_store_idx %arg9[%add3A_1371], %gather3A_1368 : memref<49152xf32, #tpu.memory_space<vmem>>[vector<16xi32>], vector<16xf32>,
        %add3A_1372 = arith.addi %add3A_1288, %add3A_1344 : vector<16xi32>
        %gather3A_1373 = tpu.vector_load_idx %arg8[%add3A_1372] : memref<8544xf32, #tpu.memory_space<vmem>>[vector<16xi32>], vector<16xf32>,
        %add3A_1374 = arith.constant 384 : i32
        %add3A_1375 = vector.broadcast %add3A_1374 : i32 to vector<16xi32>
        %add3A_1376 = arith.addi %add3A_1361, %add3A_1375 : vector<16xi32>
        tpu.vector_store_idx %arg9[%add3A_1376], %gather3A_1373 : memref<49152xf32, #tpu.memory_space<vmem>>[vector<16xi32>], vector<16xf32>,
        %add3A_1377 = arith.addi %add3A_1294, %add3A_1344 : vector<16xi32>
        %gather3A_1378 = tpu.vector_load_idx %arg8[%add3A_1377] : memref<8544xf32, #tpu.memory_space<vmem>>[vector<16xi32>], vector<16xf32>,
        %mul3A_1379 = arith.mulf %gather3A_1378, %mul3A_187 : vector<16xf32>
        %mul3A_1380 = arith.mulf %mul3A_188, %gather3A_1348 : vector<16xf32>
        %add3A_1381 = arith.addf %mul3A_1379, %mul3A_1380 : vector<16xf32>
        %add3A_1382 = arith.addf %add3A_1381, %gather3A_1356 : vector<16xf32>
        %add3A_1383 = arith.constant 512 : i32
        %add3A_1384 = vector.broadcast %add3A_1383 : i32 to vector<16xi32>
        %add3A_1385 = arith.addi %add3A_1361, %add3A_1384 : vector<16xi32>
        tpu.vector_store_idx %arg9[%add3A_1385], %add3A_1382 : memref<49152xf32, #tpu.memory_space<vmem>>[vector<16xi32>], vector<16xf32>,
        %add3A_1386 = arith.addi %add3A_1300, %add3A_1344 : vector<16xi32>
        %gather3A_1387 = tpu.vector_load_idx %arg8[%add3A_1386] : memref<8544xf32, #tpu.memory_space<vmem>>[vector<16xi32>], vector<16xf32>,
        %mul3A_1388 = arith.mulf %gather3A_1387, %mul3A_250 : vector<16xf32>
        %mul3A_1389 = arith.mulf %mul3A_251, %gather3A_1348 : vector<16xf32>
        %add3A_1390 = arith.addf %mul3A_1388, %mul3A_1389 : vector<16xf32>
        %add3A_1391 = arith.addf %add3A_1390, %gather3A_1356 : vector<16xf32>
        %add3A_1392 = arith.constant 640 : i32
        %add3A_1393 = vector.broadcast %add3A_1392 : i32 to vector<16xi32>
        %add3A_1394 = arith.addi %add3A_1361, %add3A_1393 : vector<16xi32>
        tpu.vector_store_idx %arg9[%add3A_1394], %add3A_1391 : memref<49152xf32, #tpu.memory_space<vmem>>[vector<16xi32>], vector<16xf32>,
        %add3A_1395 = arith.addi %add3A_1306, %add3A_1344 : vector<16xi32>
        %gather3A_1396 = tpu.vector_load_idx %arg8[%add3A_1395] : memref<8544xf32, #tpu.memory_space<vmem>>[vector<16xi32>], vector<16xf32>,
        %mul3A_1397 = arith.mulf %gather3A_1396, %mul3A_313 : vector<16xf32>
        %mul3A_1398 = arith.mulf %mul3A_314, %gather3A_1348 : vector<16xf32>
        %add3A_1399 = arith.addf %mul3A_1397, %mul3A_1398 : vector<16xf32>
        %add3A_1400 = arith.addf %add3A_1399, %gather3A_1356 : vector<16xf32>
        %add3A_1401 = arith.constant 768 : i32
        %add3A_1402 = vector.broadcast %add3A_1401 : i32 to vector<16xi32>
        %add3A_1403 = arith.addi %add3A_1361, %add3A_1402 : vector<16xi32>
        tpu.vector_store_idx %arg9[%add3A_1403], %add3A_1400 : memref<49152xf32, #tpu.memory_space<vmem>>[vector<16xi32>], vector<16xf32>,
        %add3A_1404 = arith.addi %add3A_1312, %add3A_1344 : vector<16xi32>
        %gather3A_1405 = tpu.vector_load_idx %arg8[%add3A_1404] : memref<8544xf32, #tpu.memory_space<vmem>>[vector<16xi32>], vector<16xf32>,
        %mul3A_1406 = arith.mulf %gather3A_1405, %mul3A_376 : vector<16xf32>
        %mul3A_1407 = arith.mulf %mul3A_377, %gather3A_1348 : vector<16xf32>
        %add3A_1408 = arith.addf %mul3A_1406, %mul3A_1407 : vector<16xf32>
        %add3A_1409 = arith.addf %add3A_1408, %gather3A_1356 : vector<16xf32>
        %add3A_1410 = arith.constant 896 : i32
        %add3A_1411 = vector.broadcast %add3A_1410 : i32 to vector<16xi32>
        %add3A_1412 = arith.addi %add3A_1361, %add3A_1411 : vector<16xi32>
        tpu.vector_store_idx %arg9[%add3A_1412], %add3A_1409 : memref<49152xf32, #tpu.memory_space<vmem>>[vector<16xi32>], vector<16xf32>,
        %add3A_1413 = arith.addi %add3A_1318, %add3A_1344 : vector<16xi32>
        %gather3A_1414 = tpu.vector_load_idx %arg8[%add3A_1413] : memref<8544xf32, #tpu.memory_space<vmem>>[vector<16xi32>], vector<16xf32>,
        %mul3A_1415 = arith.mulf %gather3A_1414, %mul3A_439 : vector<16xf32>
        %mul3A_1416 = arith.mulf %mul3A_440, %gather3A_1348 : vector<16xf32>
        %add3A_1417 = arith.addf %mul3A_1415, %mul3A_1416 : vector<16xf32>
        %add3A_1418 = arith.addf %add3A_1417, %gather3A_1356 : vector<16xf32>
        %add3A_1419 = arith.constant 1024 : i32
        %add3A_1420 = vector.broadcast %add3A_1419 : i32 to vector<16xi32>
        %add3A_1421 = arith.addi %add3A_1361, %add3A_1420 : vector<16xi32>
        tpu.vector_store_idx %arg9[%add3A_1421], %add3A_1418 : memref<49152xf32, #tpu.memory_space<vmem>>[vector<16xi32>], vector<16xf32>,
        %add3A_1422 = arith.addi %add3A_1324, %add3A_1344 : vector<16xi32>
        %gather3A_1423 = tpu.vector_load_idx %arg8[%add3A_1422] : memref<8544xf32, #tpu.memory_space<vmem>>[vector<16xi32>], vector<16xf32>,
        %mul3A_1424 = arith.mulf %gather3A_1423, %mul3A_502 : vector<16xf32>
        %mul3A_1425 = arith.mulf %mul3A_503, %gather3A_1348 : vector<16xf32>
        %add3A_1426 = arith.addf %mul3A_1424, %mul3A_1425 : vector<16xf32>
        %add3A_1427 = arith.addf %add3A_1426, %gather3A_1356 : vector<16xf32>
        %add3A_1428 = arith.constant 1152 : i32
        %add3A_1429 = vector.broadcast %add3A_1428 : i32 to vector<16xi32>
        %add3A_1430 = arith.addi %add3A_1361, %add3A_1429 : vector<16xi32>
        tpu.vector_store_idx %arg9[%add3A_1430], %add3A_1427 : memref<49152xf32, #tpu.memory_space<vmem>>[vector<16xi32>], vector<16xf32>,
        %add3A_1431 = arith.constant 6144 : i32
        %add3A_1432 = vector.broadcast %add3A_1431 : i32 to vector<16xi32>
        %add3A_1433 = arith.addi %add3A_1344, %add3A_1432 : vector<16xi32>
        %gather3A_1434 = tpu.vector_load_idx %arg8[%add3A_1433] : memref<8544xf32, #tpu.memory_space<vmem>>[vector<16xi32>], vector<16xf32>,
        %mul3A_1435 = arith.mulf %gather3A_1434, %mul3A_557 : vector<16xf32>
        %mul3A_1436 = arith.mulf %mul3A_558, %gather3A_1352 : vector<16xf32>
        %add3A_1437 = arith.addf %mul3A_1435, %mul3A_1436 : vector<16xf32>
        %add3A_1438 = arith.addf %add3A_1437, %gather3A_1356 : vector<16xf32>
        %add3A_1439 = arith.constant 1280 : i32
        %add3A_1440 = vector.broadcast %add3A_1439 : i32 to vector<16xi32>
        %add3A_1441 = arith.addi %add3A_1361, %add3A_1440 : vector<16xi32>
        tpu.vector_store_idx %arg9[%add3A_1441], %add3A_1438 : memref<49152xf32, #tpu.memory_space<vmem>>[vector<16xi32>], vector<16xf32>,
        %add3A_1442 = arith.constant 6272 : i32
        %add3A_1443 = vector.broadcast %add3A_1442 : i32 to vector<16xi32>
        %add3A_1444 = arith.addi %add3A_1344, %add3A_1443 : vector<16xi32>
        %gather3A_1445 = tpu.vector_load_idx %arg8[%add3A_1444] : memref<8544xf32, #tpu.memory_space<vmem>>[vector<16xi32>], vector<16xf32>,
        %mul3A_1446 = arith.mulf %gather3A_1445, %mul3A_612 : vector<16xf32>
        %mul3A_1447 = arith.mulf %mul3A_613, %gather3A_1352 : vector<16xf32>
        %add3A_1448 = arith.addf %mul3A_1446, %mul3A_1447 : vector<16xf32>
        %add3A_1449 = arith.addf %add3A_1448, %gather3A_1356 : vector<16xf32>
        %add3A_1450 = arith.constant 1408 : i32
        %add3A_1451 = vector.broadcast %add3A_1450 : i32 to vector<16xi32>
        %add3A_1452 = arith.addi %add3A_1361, %add3A_1451 : vector<16xi32>
        tpu.vector_store_idx %arg9[%add3A_1452], %add3A_1449 : memref<49152xf32, #tpu.memory_space<vmem>>[vector<16xi32>], vector<16xf32>,
        %add3A_1453 = arith.constant 6400 : i32
        %add3A_1454 = vector.broadcast %add3A_1453 : i32 to vector<16xi32>
        %add3A_1455 = arith.addi %add3A_1344, %add3A_1454 : vector<16xi32>
        %gather3A_1456 = tpu.vector_load_idx %arg8[%add3A_1455] : memref<8544xf32, #tpu.memory_space<vmem>>[vector<16xi32>], vector<16xf32>,
        %mul3A_1457 = arith.mulf %gather3A_1456, %mul3A_667 : vector<16xf32>
        %mul3A_1458 = arith.mulf %mul3A_668, %gather3A_1352 : vector<16xf32>
        %add3A_1459 = arith.addf %mul3A_1457, %mul3A_1458 : vector<16xf32>
        %add3A_1460 = arith.addf %add3A_1459, %gather3A_1356 : vector<16xf32>
        %add3A_1461 = arith.constant 1536 : i32
        %add3A_1462 = vector.broadcast %add3A_1461 : i32 to vector<16xi32>
        %add3A_1463 = arith.addi %add3A_1361, %add3A_1462 : vector<16xi32>
        tpu.vector_store_idx %arg9[%add3A_1463], %add3A_1460 : memref<49152xf32, #tpu.memory_space<vmem>>[vector<16xi32>], vector<16xf32>,
        %add3A_1464 = arith.constant 6528 : i32
        %add3A_1465 = vector.broadcast %add3A_1464 : i32 to vector<16xi32>
        %add3A_1466 = arith.addi %add3A_1344, %add3A_1465 : vector<16xi32>
        %gather3A_1467 = tpu.vector_load_idx %arg8[%add3A_1466] : memref<8544xf32, #tpu.memory_space<vmem>>[vector<16xi32>], vector<16xf32>,
        %mul3A_1468 = arith.mulf %gather3A_1467, %mul3A_722 : vector<16xf32>
        %mul3A_1469 = arith.mulf %mul3A_723, %gather3A_1352 : vector<16xf32>
        %add3A_1470 = arith.addf %mul3A_1468, %mul3A_1469 : vector<16xf32>
        %add3A_1471 = arith.addf %add3A_1470, %gather3A_1356 : vector<16xf32>
        %add3A_1472 = arith.constant 1664 : i32
        %add3A_1473 = vector.broadcast %add3A_1472 : i32 to vector<16xi32>
        %add3A_1474 = arith.addi %add3A_1361, %add3A_1473 : vector<16xi32>
        tpu.vector_store_idx %arg9[%add3A_1474], %add3A_1471 : memref<49152xf32, #tpu.memory_space<vmem>>[vector<16xi32>], vector<16xf32>,
        %add3A_1475 = arith.constant 6656 : i32
        %add3A_1476 = vector.broadcast %add3A_1475 : i32 to vector<16xi32>
        %add3A_1477 = arith.addi %add3A_1344, %add3A_1476 : vector<16xi32>
        %gather3A_1478 = tpu.vector_load_idx %arg8[%add3A_1477] : memref<8544xf32, #tpu.memory_space<vmem>>[vector<16xi32>], vector<16xf32>,
        %mul3A_1479 = arith.mulf %gather3A_1478, %mul3A_777 : vector<16xf32>
        %mul3A_1480 = arith.mulf %mul3A_778, %gather3A_1352 : vector<16xf32>
        %add3A_1481 = arith.addf %mul3A_1479, %mul3A_1480 : vector<16xf32>
        %add3A_1482 = arith.addf %add3A_1481, %gather3A_1356 : vector<16xf32>
        %add3A_1483 = arith.constant 1792 : i32
        %add3A_1484 = vector.broadcast %add3A_1483 : i32 to vector<16xi32>
        %add3A_1485 = arith.addi %add3A_1361, %add3A_1484 : vector<16xi32>
        tpu.vector_store_idx %arg9[%add3A_1485], %add3A_1482 : memref<49152xf32, #tpu.memory_space<vmem>>[vector<16xi32>], vector<16xf32>,
        %add3A_1486 = arith.constant 6784 : i32
        %add3A_1487 = vector.broadcast %add3A_1486 : i32 to vector<16xi32>
        %add3A_1488 = arith.addi %add3A_1344, %add3A_1487 : vector<16xi32>
        %gather3A_1489 = tpu.vector_load_idx %arg8[%add3A_1488] : memref<8544xf32, #tpu.memory_space<vmem>>[vector<16xi32>], vector<16xf32>,
        %mul3A_1490 = arith.mulf %gather3A_1489, %mul3A_832 : vector<16xf32>
        %mul3A_1491 = arith.mulf %mul3A_833, %gather3A_1352 : vector<16xf32>
        %add3A_1492 = arith.addf %mul3A_1490, %mul3A_1491 : vector<16xf32>
        %add3A_1493 = arith.addf %add3A_1492, %gather3A_1356 : vector<16xf32>
        %add3A_1494 = arith.constant 1920 : i32
        %add3A_1495 = vector.broadcast %add3A_1494 : i32 to vector<16xi32>
        %add3A_1496 = arith.addi %add3A_1361, %add3A_1495 : vector<16xi32>
        tpu.vector_store_idx %arg9[%add3A_1496], %add3A_1493 : memref<49152xf32, #tpu.memory_space<vmem>>[vector<16xi32>], vector<16xf32>,
        %add3A_1497 = arith.constant 6912 : i32
        %add3A_1498 = vector.broadcast %add3A_1497 : i32 to vector<16xi32>
        %add3A_1499 = arith.addi %add3A_1344, %add3A_1498 : vector<16xi32>
        %gather3A_1500 = tpu.vector_load_idx %arg8[%add3A_1499] : memref<8544xf32, #tpu.memory_space<vmem>>[vector<16xi32>], vector<16xf32>,
        %mul3A_1501 = arith.mulf %gather3A_1500, %mul3A_887 : vector<16xf32>
        %mul3A_1502 = arith.mulf %mul3A_888, %gather3A_1352 : vector<16xf32>
        %add3A_1503 = arith.addf %mul3A_1501, %mul3A_1502 : vector<16xf32>
        %add3A_1504 = arith.addf %add3A_1503, %gather3A_1356 : vector<16xf32>
        %add3A_1505 = arith.constant 2048 : i32
        %add3A_1506 = vector.broadcast %add3A_1505 : i32 to vector<16xi32>
        %add3A_1507 = arith.addi %add3A_1361, %add3A_1506 : vector<16xi32>
        tpu.vector_store_idx %arg9[%add3A_1507], %add3A_1504 : memref<49152xf32, #tpu.memory_space<vmem>>[vector<16xi32>], vector<16xf32>,
        %add3A_1508 = arith.constant 7040 : i32
        %add3A_1509 = vector.broadcast %add3A_1508 : i32 to vector<16xi32>
        %add3A_1510 = arith.addi %add3A_1344, %add3A_1509 : vector<16xi32>
        %gather3A_1511 = tpu.vector_load_idx %arg8[%add3A_1510] : memref<8544xf32, #tpu.memory_space<vmem>>[vector<16xi32>], vector<16xf32>,
        %mul3A_1512 = arith.mulf %gather3A_1511, %mul3A_942 : vector<16xf32>
        %mul3A_1513 = arith.mulf %mul3A_943, %gather3A_1352 : vector<16xf32>
        %add3A_1514 = arith.addf %mul3A_1512, %mul3A_1513 : vector<16xf32>
        %add3A_1515 = arith.addf %add3A_1514, %gather3A_1356 : vector<16xf32>
        %add3A_1516 = arith.constant 2176 : i32
        %add3A_1517 = vector.broadcast %add3A_1516 : i32 to vector<16xi32>
        %add3A_1518 = arith.addi %add3A_1361, %add3A_1517 : vector<16xi32>
        tpu.vector_store_idx %arg9[%add3A_1518], %add3A_1515 : memref<49152xf32, #tpu.memory_space<vmem>>[vector<16xi32>], vector<16xf32>,
        %add3A_1519 = arith.constant 7168 : i32
        %add3A_1520 = vector.broadcast %add3A_1519 : i32 to vector<16xi32>
        %add3A_1521 = arith.addi %add3A_1344, %add3A_1520 : vector<16xi32>
        %gather3A_1522 = tpu.vector_load_idx %arg8[%add3A_1521] : memref<8544xf32, #tpu.memory_space<vmem>>[vector<16xi32>], vector<16xf32>,
        %mul3A_1523 = arith.mulf %gather3A_1522, %mul3A_997 : vector<16xf32>
        %mul3A_1524 = arith.mulf %mul3A_998, %gather3A_1352 : vector<16xf32>
        %add3A_1525 = arith.addf %mul3A_1523, %mul3A_1524 : vector<16xf32>
        %add3A_1526 = arith.addf %add3A_1525, %gather3A_1356 : vector<16xf32>
        %add3A_1527 = arith.constant 2304 : i32
        %add3A_1528 = vector.broadcast %add3A_1527 : i32 to vector<16xi32>
        %add3A_1529 = arith.addi %add3A_1361, %add3A_1528 : vector<16xi32>
        tpu.vector_store_idx %arg9[%add3A_1529], %add3A_1526 : memref<49152xf32, #tpu.memory_space<vmem>>[vector<16xi32>], vector<16xf32>,
        %add3A_1530 = arith.constant 7296 : i32
        %add3A_1531 = vector.broadcast %add3A_1530 : i32 to vector<16xi32>
        %add3A_1532 = arith.addi %add3A_1344, %add3A_1531 : vector<16xi32>
        %gather3A_1533 = tpu.vector_load_idx %arg8[%add3A_1532] : memref<8544xf32, #tpu.memory_space<vmem>>[vector<16xi32>], vector<16xf32>,
        %mul3A_1534 = arith.mulf %gather3A_1533, %mul3A_1052 : vector<16xf32>
        %mul3A_1535 = arith.mulf %mul3A_1053, %gather3A_1352 : vector<16xf32>
        %add3A_1536 = arith.addf %mul3A_1534, %mul3A_1535 : vector<16xf32>
        %add3A_1537 = arith.addf %add3A_1536, %gather3A_1356 : vector<16xf32>
        %add3A_1538 = arith.constant 2432 : i32
        %add3A_1539 = vector.broadcast %add3A_1538 : i32 to vector<16xi32>
        %add3A_1540 = arith.addi %add3A_1361, %add3A_1539 : vector<16xi32>
        tpu.vector_store_idx %arg9[%add3A_1540], %add3A_1537 : memref<49152xf32, #tpu.memory_space<vmem>>[vector<16xi32>], vector<16xf32>,
        %add3A_1541 = arith.constant 7424 : i32
        %add3A_1542 = vector.broadcast %add3A_1541 : i32 to vector<16xi32>
        %add3A_1543 = arith.addi %add3A_1344, %add3A_1542 : vector<16xi32>
        %gather3A_1544 = tpu.vector_load_idx %arg8[%add3A_1543] : memref<8544xf32, #tpu.memory_space<vmem>>[vector<16xi32>], vector<16xf32>,
        %mul3A_1545 = arith.mulf %gather3A_1544, %mul3A_1107 : vector<16xf32>
        %mul3A_1546 = arith.mulf %mul3A_1108, %gather3A_1352 : vector<16xf32>
        %add3A_1547 = arith.addf %mul3A_1545, %mul3A_1546 : vector<16xf32>
        %add3A_1548 = arith.addf %add3A_1547, %gather3A_1356 : vector<16xf32>
        %add3A_1549 = arith.constant 2560 : i32
        %add3A_1550 = vector.broadcast %add3A_1549 : i32 to vector<16xi32>
        %add3A_1551 = arith.addi %add3A_1361, %add3A_1550 : vector<16xi32>
        tpu.vector_store_idx %arg9[%add3A_1551], %add3A_1548 : memref<49152xf32, #tpu.memory_space<vmem>>[vector<16xi32>], vector<16xf32>,
        %add3A_1552 = arith.constant 7552 : i32
        %add3A_1553 = vector.broadcast %add3A_1552 : i32 to vector<16xi32>
        %add3A_1554 = arith.addi %add3A_1344, %add3A_1553 : vector<16xi32>
        %gather3A_1555 = tpu.vector_load_idx %arg8[%add3A_1554] : memref<8544xf32, #tpu.memory_space<vmem>>[vector<16xi32>], vector<16xf32>,
        %mul3A_1556 = arith.mulf %gather3A_1555, %mul3A_1162 : vector<16xf32>
        %mul3A_1557 = arith.mulf %mul3A_1163, %gather3A_1352 : vector<16xf32>
        %add3A_1558 = arith.addf %mul3A_1556, %mul3A_1557 : vector<16xf32>
        %add3A_1559 = arith.addf %add3A_1558, %gather3A_1356 : vector<16xf32>
        %add3A_1560 = arith.constant 2688 : i32
        %add3A_1561 = vector.broadcast %add3A_1560 : i32 to vector<16xi32>
        %add3A_1562 = arith.addi %add3A_1361, %add3A_1561 : vector<16xi32>
        tpu.vector_store_idx %arg9[%add3A_1562], %add3A_1559 : memref<49152xf32, #tpu.memory_space<vmem>>[vector<16xi32>], vector<16xf32>,
        %add3A_1563 = arith.constant 7680 : i32
        %add3A_1564 = vector.broadcast %add3A_1563 : i32 to vector<16xi32>
        %add3A_1565 = arith.addi %add3A_1344, %add3A_1564 : vector<16xi32>
        %gather3A_1566 = tpu.vector_load_idx %arg8[%add3A_1565] : memref<8544xf32, #tpu.memory_space<vmem>>[vector<16xi32>], vector<16xf32>,
        %mul3A_1567 = arith.mulf %gather3A_1566, %mul3A_1217 : vector<16xf32>
        %mul3A_1568 = arith.mulf %mul3A_1218, %gather3A_1352 : vector<16xf32>
        %add3A_1569 = arith.addf %mul3A_1567, %mul3A_1568 : vector<16xf32>
        %add3A_1570 = arith.addf %add3A_1569, %gather3A_1356 : vector<16xf32>
        %add3A_1571 = arith.constant 2816 : i32
        %add3A_1572 = vector.broadcast %add3A_1571 : i32 to vector<16xi32>
        %add3A_1573 = arith.addi %add3A_1361, %add3A_1572 : vector<16xi32>
        tpu.vector_store_idx %arg9[%add3A_1573], %add3A_1570 : memref<49152xf32, #tpu.memory_space<vmem>>[vector<16xi32>], vector<16xf32>,
        %add3A_1574 = arith.constant 7808 : i32
        %add3A_1575 = vector.broadcast %add3A_1574 : i32 to vector<16xi32>
        %add3A_1576 = arith.addi %add3A_1344, %add3A_1575 : vector<16xi32>
        %gather3A_1577 = tpu.vector_load_idx %arg8[%add3A_1576] : memref<8544xf32, #tpu.memory_space<vmem>>[vector<16xi32>], vector<16xf32>,
        %mul3A_1578 = arith.mulf %gather3A_1577, %mul3A_1272 : vector<16xf32>
        %mul3A_1579 = arith.mulf %mul3A_1273, %gather3A_1352 : vector<16xf32>
        %add3A_1580 = arith.addf %mul3A_1578, %mul3A_1579 : vector<16xf32>
        %add3A_1581 = arith.addf %add3A_1580, %gather3A_1356 : vector<16xf32>
        %add3A_1582 = arith.constant 2944 : i32
        %add3A_1583 = vector.broadcast %add3A_1582 : i32 to vector<16xi32>
        %add3A_1584 = arith.addi %add3A_1361, %add3A_1583 : vector<16xi32>
        tpu.vector_store_idx %arg9[%add3A_1584], %add3A_1581 : memref<49152xf32, #tpu.memory_space<vmem>>[vector<16xi32>], vector<16xf32>,
        %scan3A_1585 = arith.constant 0 : i32
        scf.yield %scan3A_1585 : i32
      }
      %scan3A_1331 = arith.constant 128 : i32
      %mul3A_1332 = arith.constant 512 : i32
      %mul3A_1333 = arith.muli %add3A, %mul3A_1332 : i32
      %mul3A_1334 = arith.constant 16 : i32
      %mul3A_1335 = arith.muli %scan3A_13, %mul3A_1334 : i32
      %add3A_1336 = arith.addi %mul3A_1333, %mul3A_1335 : i32
      %mul3A_1337 = arith.constant 3072 : i32
      %mul3A_1338 = arith.muli %add3A_1336, %mul3A_1337 : i32
      "tpu.region"() ({
        %run_scoped3A = tpu.sem_alloc : memref<!tpu.dma_semaphore, #tpu.memory_space<semaphore_mem>>
        %dma_start3A = tpu.memref_slice %arg5[%mul3A_1338] : memref<50331648xf32, #tpu.memory_space<hbm>> -> memref<49152xf32, #tpu.memory_space<hbm>>
        %dma_start3A_1339 = tpu.memref_slice %arg5[%mul3A_1338] : memref<50331648xf32, #tpu.memory_space<hbm>> -> memref<49152xf32, #tpu.memory_space<hbm>>
        tpu.enqueue_dma source(%arg9 : memref<49152xf32, #tpu.memory_space<vmem>>) target(%dma_start3A_1339 : memref<49152xf32, #tpu.memory_space<hbm>>) target_semaphore(%run_scoped3A : memref<!tpu.dma_semaphore, #tpu.memory_space<semaphore_mem>>)
        %dma_wait3A = tpu.memref_slice %arg5[%mul3A_1338] : memref<50331648xf32, #tpu.memory_space<hbm>> -> memref<49152xf32, #tpu.memory_space<hbm>>
        %dma_wait3A_1340 = tpu.memref_slice %arg5[%mul3A_1338] : memref<50331648xf32, #tpu.memory_space<hbm>> -> memref<49152xf32, #tpu.memory_space<hbm>>
        tpu.wait_dma2 semaphore(%run_scoped3A : memref<!tpu.dma_semaphore, #tpu.memory_space<semaphore_mem>>) src(%arg9 : memref<49152xf32, #tpu.memory_space<vmem>>) dst(%dma_wait3A_1340 : memref<49152xf32, #tpu.memory_space<hbm>>)
        tpu.yield
      }) : () -> ()
    }
    %scan3A_12 = arith.constant 32 : i32
    return
  }
}

</mosaic_0001>

<sc_bundles>
// kernel: kernel.3.cloned.1.call-start
scs
__scs_entry_jumppad:
0x0: {  	(pc) =	sbr.rel $0x88, $3  }
0x1: {  	(tag) =	ssettag $0x0;
	lr =	simm.s32 $0x1  }
0x2: {  	[smem:$0x3F8E] =	sst lr;
	_ =	strace $0xD0000000  }
0x3: {  	_ = 	snop  }
0x4: {  	_ = 	snop  }
0x5: {  	_ = 	snop  }
0x6: {  	_ = 	snop  }
0x7: {  	_ = 	snop  }
__scs_overlays_trampoline_lowered:
0x8: {  	[smem:$0x3F9D] =	sst s0  }
0x9: {  	[smem:$0x3F9E] =	sst s1  }
0xa: {  	[smem:$0x3F9F] =	sst s2  }
0xb: {  	[smem:$0x3FA0] =	sst s3  }
0xc: {  	[smem:$0x3FA1] =	sst s4  }
0xd: {  	[smem:$0x3FA2] =	sst s5  }
0xe: {  	[smem:$0x3FA3] =	sst s6  }
0xf: {  	[smem:$0x3FA4] =	sst s7  }
0x10: {  	[smem:$0x3FA5] =	sst s8  }
0x11: {  	[smem:$0x3FA6] =	sst s9;
	s0 =	simm.s32 @!p0 $0x0  }
0x12: {  	s1 =	sld [smem:$0x3F8C];
	s0 =	simm.s32 @p0 $0x1  }
0x13: {  	[smem:$0x3FA7] =	sst s0;
	s0 =	simm.s32 @!p1 $0x0  }
0x14: {  	s2 =	sld [smem:$0x3F8B];
	s0 =	simm.s32 @p1 $0x1  }
0x15: {  	[smem:$0x3FA8] =	sst s0;
	s0 =	simm.s32 @!p2 $0x0  }
0x16: {  	s3 =	sld [smem:$0x3FDB];
	s0 =	simm.s32 @p2 $0x1  }
0x17: {  	s4 =	simm.s32 $0x1BF5;
	[smem:$0x3FAA] =	sst s0  }
0x18: {  	s0 =	sld [smem:$0x3F8D];
	_ =	swait.ge [sflag:s4], $0x0  }
0x19: {  	s7 =	sld [smem:$0x3F8E]  }
0x1a: {  	s8 =	sadd.s32 $0xFFFFE003, lr  }
0x1b: {  	s9 =	sadd.s32 $0xFFFFFEF7, lr;
	s5 =	simm.s32 $0xFFFFFFFF;
	p2 =	slt.u32 s8, $0xFFFFF086  }
0x1c: {  	p1 =	slt.u32 s9, $0xF7A;
	s5 =	simm.s32 @!p2 $0x0  }
0x1d: {  	s5 =	simm.s32 @p1 $0x1;
	p0 =	seq.s32 s7, s2  }
0x1e: {  	s7 =	smul.u32 @!p0 $0xF7A, s2;
	p2 =	seq.s32 @!p0 s5, $0x0  }
0x1f: {  	s9 =	smul.u32 $0xF7A, s1;
	s8 =	simm.s32 @!p0 $0x1BF5;
	p2 =	por !p2, p0  }
0x20: {  	[sflag:s8] =	ssyncset.s32 @!p0 $0xFFFFF086;
	s6 =	sadd.s32 @!p0 s3, s7;
	s7 =	simm.s32 @!p0 $0x108  }
0x21: {  	s3 =	sadd.s32 s3, s9;
	s6 =	sadd.s32 @!p0 $0x88, s6;
	s7 =	simm.s32 @p2 $0x1082  }
0x22: {  	[simem:s7], [sflag:s8] =	dma.local @!p0 [hbm:s6], $0xF7A  }
0x23: {  	s9 =	sor.u32 $0xD0000000, s2;
	s6 =	simm.s32 $0x108;
	_ =	swait.ge @!p0 [sflag:s8], $0x0  }
0x24: {  	s3 =	sadd.s32 $0x88, s3;
	s6 =	simm.s32 @!p1 $0x1082;
	[sflag:s4] =	ssyncset.s32 $0xFFFFF086  }
0x25: {  	[simem:s6], [sflag:s4] =	dma.local [hbm:s3], $0xF7A  }
0x26: {  	[smem:$0x3F8E] =	sst s1;
	(tag) =	ssettag s2;
	_ =	strace s9  }
0x27: {  	s1 =	sld [smem:$0x3F9E]  }
0x28: {  	s2 =	sld [smem:$0x3F9F]  }
0x29: {  	s4 =	sld [smem:$0x3FA1]  }
0x2a: {  	p0 =	seq.s32 s5, $0x0;
	s5 =	sld [smem:$0x3FA2]  }
0x2b: {  	s6 =	sld [smem:$0x3FA3]  }
0x2c: {  	s7 =	sld [smem:$0x3FA4]  }
0x2d: {  	s3 =	simm.s32 $0x108;
	s8 =	sld [smem:$0x3FA5]  }
0x2e: {  	s3 =	simm.s32 @!p0 $0x1082;
	s9 =	sld [smem:$0x3FA6]  }
0x2f: {  	lr =	sadd.s32 s0, s3;
	s0 =	sld [smem:$0x3F9D]  }
0x30: {  	s3 =	sld [smem:$0x3FA0]  }
0x31: {  	[smem:$0x3FA9] =	sst s10  }
0x32: {  	s10 =	sld [smem:$0x3FA7];
	_ =	sdelay $0x3  }
0x33: {  	p0 =	seq.s32 s10, $0x1;
	s10 =	sld [smem:$0x3FA9];
	_ =	sdelay $0x3  }
0x34: {  	[smem:$0x3FA9] =	sst s10  }
0x35: {  	s10 =	sld [smem:$0x3FA8];
	_ =	sdelay $0x3  }
0x36: {  	p1 =	seq.s32 s10, $0x1;
	s10 =	sld [smem:$0x3FA9];
	_ =	sdelay $0x3  }
0x37: {  	[smem:$0x3FA9] =	sst s10  }
0x38: {  	s10 =	sld [smem:$0x3FAA]  }
0x39: {  	_ = 	snop;
	(pc) =	sbr.ind lr, $3  }
0x3a: {  	_ = 	snop  }
0x3b: {  	_ = 	snop  }
0x3c: {  	p2 =	seq.s32 s10, $0x1;
	s10 =	sld [smem:$0x3FA9]  }
0x3d: {  	_ =	shalt  }
0x3e: {  	_ =	shalt  }
0x3f: {  	_ =	shalt  }
0x40: {  	_ =	shalt  }
0x41: {  	_ =	shalt  }
0x42: {  	_ =	shalt  }
0x43: {  	_ =	shalt  }
0x44: {  	_ =	shalt  }
0x45: {  	_ =	shalt  }
0x46: {  	_ =	shalt  }
0x47: {  	_ =	shalt  }
0x48: {  	_ =	shalt  }
0x49: {  	_ =	shalt  }
0x4a: {  	_ =	shalt  }
0x4b: {  	_ =	shalt  }
0x4c: {  	_ =	shalt  }
0x4d: {  	_ =	shalt  }
0x4e: {  	_ =	shalt  }
0x4f: {  	_ =	shalt  }
0x50: {  	_ =	shalt  }
0x51: {  	_ =	shalt  }
0x52: {  	_ =	shalt  }
0x53: {  	_ =	shalt  }
0x54: {  	_ =	shalt  }
0x55: {  	_ =	shalt  }
0x56: {  	_ =	shalt  }
0x57: {  	_ =	shalt  }
0x58: {  	_ =	shalt  }
0x59: {  	_ =	shalt  }
0x5a: {  	_ =	shalt  }
0x5b: {  	_ =	shalt  }
0x5c: {  	_ =	shalt  }
0x5d: {  	_ =	shalt  }
0x5e: {  	_ =	shalt  }
0x5f: {  	_ =	shalt  }
0x60: {  	_ =	shalt  }
0x61: {  	_ =	shalt  }
0x62: {  	_ =	shalt  }
0x63: {  	_ =	shalt  }
0x64: {  	_ =	shalt  }
0x65: {  	_ =	shalt  }
0x66: {  	_ =	shalt  }
0x67: {  	_ =	shalt  }
0x68: {  	_ =	shalt  }
0x69: {  	_ =	shalt  }
0x6a: {  	_ =	shalt  }
0x6b: {  	_ =	shalt  }
0x6c: {  	_ =	shalt  }
0x6d: {  	_ =	shalt  }
0x6e: {  	_ =	shalt  }
0x6f: {  	_ =	shalt  }
0x70: {  	_ =	shalt  }
0x71: {  	_ =	shalt  }
0x72: {  	_ =	shalt  }
0x73: {  	_ =	shalt  }
0x74: {  	_ =	shalt  }
0x75: {  	_ =	shalt  }
0x76: {  	_ =	shalt  }
0x77: {  	_ =	shalt  }
0x78: {  	_ =	shalt  }
0x79: {  	_ =	shalt  }
0x7a: {  	_ =	shalt  }
0x7b: {  	_ =	shalt  }
0x7c: {  	_ =	shalt  }
0x7d: {  	_ =	shalt  }
0x7e: {  	_ =	shalt  }
0x7f: {  	_ =	shalt  }
0x80: {  	_ =	shalt  }
0x81: {  	_ =	shalt  }
0x82: {  	_ =	shalt  }
0x83: {  	_ =	shalt  }
0x84: {  	_ =	shalt  }
0x85: {  	_ =	shalt  }
0x86: {  	_ =	shalt  }
0x87: {  	_ =	shalt  }
.Lfunc_end0:
.L_simem_size_0:
called_computation_lowered:
.L_overlay_start_0:
0x88: {  	s2 =	sld [smem:$0x3FD9]  }
0x89: {  	s3 =	sld [smem:$0x3FFE];
	_ =	sdelay $0x1  }
0x8a: {  	s1 =	srdreg.scid  }
0x8b: {  	s0 =	sand.u32 $0x1, s1  }
0x8c: {  	s17 =	sshll.u32 s0, $0xA;
	s2 =	sadd.s32 s3, s2  }
0x8d: {  	s2 =	sadd.s32 s2, s17  }
0x8e: {  	[smem:$0x3FB5] =	sst s2  }
0x8f: {  	_ = 	snop  }
0x90: {  	s2 =	sld [smem:$0x3FD0];
	(tm) =	ssettm $0x1  }
0x91: {  	s18 =	sld [smem:$0x3FFB];
	_ =	sdelay $0x3  }
0x92: {  	_ =	strace s18  }
0x93: {  	s3 =	sld [smem:$0x3FFC];
	_ =	sdelay $0x3  }
0x94: {  	_ =	strace s3  }
0x95: {  	s3 =	sld [smem:$0x3FFD];
	_ =	sdelay $0x3  }
0x96: {  	_ =	strace s3  }
0x97: {  	_ =	strace $0x8FFFFFFF  }
0x98: {  	s19 =	sld [smem:$0x3FDB];
	_ =	sdelay $0x1  }
0x99: {  	s4 =	simm.s32 $_scs_section_size  }
0x9a: {  	s5 =	simm.s32 $_size__tile_overlayer_lowered;
	s6 =	simm.s32 $_tile_overlayer_lowered  }
0x9b: {  	s22 =	simm.s32 $0x1BFF;
	s21 =	sshll.u32 s6, $0x1;
	s3 =	sadd.s32 s4, s19  }
0x9c: {  	s7 =	simm.s32 $0x0;
	s20 =	sshll.u32 s5, $0x1;
	s5 =	sadd.s32 s21, s3  }
0x9d: {  	[timem:s7], [sflag:s22] =	dma.local [hbm:s5], s20  }
0x9e: {  	_ =	swait.ge [sflag:s22], s20  }
0x9f: {  	s4 =	ssub.s32 $0x0, s20;
	[sflag:s22] =	ssyncset.done $0x0  }
0xa0: {  	[sflag:s22] =	ssyncadd.s32 s4;
	_ =	sdelay $0x1  }
0xa1: {  	s23 =	simm.s32 $0x1B8B  }
0xa2: {  	_ =	swait.ge [sflag:s23], $0x1  }
0xa3: {  	[sflag:s23] =	ssyncset.done $0x0  }
0xa4: {  	s25 =	simm.s32 $0x1B8E;
	s24 =	sld [smem:$0x3FFE];
	[sflag:s23] =	ssyncadd.s32 $0xFFFFFFFF  }
0xa5: {  	s26 =	simm.s32 $execute0_lowered;
	[smem:$0x3FD2] =	sst s25  }
0xa6: {  	s5 =	sshll.u32 s26, $0x1;
	_ =	strace $0x80000046;
	[dreg:$0x1] =	wrdreg $0xFFFFFFFF  }
0xa7: {  	s28 =	simm.s32 $_size_execute0_lowered;
	s3 =	sadd.s32 s3, s5;
	[dreg:$0x0] =	wrdreg $0x0  }
0xa8: {  	s5 =	sshll.u32 s28, $0x1;
	[dreg:$0x2] =	wrdreg s3  }
0xa9: {  	[dreg:$0x3] =	wrdreg s5  }
0xaa: {  	[dreg:$0x4] =	wrdreg $0xC0  }
0xab: {  	_ =	task [dreg:s7], $0x5FFFF  }
0xac: {  	[dreg:$0x1] =	wrdreg $0xFFFFFFFF  }
0xad: {  	[dreg:$0x0] =	wrdreg $0x60  }
0xae: {  	[dreg:$0x2] =	wrdreg s24  }
0xaf: {  	[dreg:$0x3] =	wrdreg s2  }
0xb0: {  	[dreg:$0x4] =	wrdreg $0x9  }
0xb1: {  	_ =	task.clear_ibuf [dreg:s7], $0x5FFFF;
	_ =	strace $0x90000046  }
0xb2: {  	s29 =	simm.s32 $0x9;
	_ =	strace $0x80000048  }
0xb3: {  	_ =	swait.ge [sflag:s29], $0x1  }
0xb4: {  	[sflag:s29] =	ssyncadd.s32 $0xFFFFFFFF  }
0xb5: {  	_ =	strace $0x90000048  }
0xb6: {  	_ =	sfence  }
0xb7: {  	s30 =	sld [smem:$0x0];
	_ =	sdelay $0x2  }
0xb8: {  	s31 =	sshll.u32 s1, $0xD;
	s1 =	sshrl.u32 s1, $0x2  }
0xb9: {  	s3 =	sand.u32 $0x4000, s31;
	s1 =	sadd.s32 s1, s30  }
0xba: {  	s0 =	sor.u32 s3, s0;
	s1 =	sshll.u32 s1, $0x11  }
0xbb: {  	s0 =	sor.u32 s1, s0  }
0xbc: {  	s0 =	sadd.s32 $0x8F2B, s0  }
0xbd: {  	[sflag:s0] =	ssyncadd.remote.s32 $0x1  }
0xbe: {  	_ =	sfence.sel $0xFFFF  }
0xbf: {  	[dreg:$0x0] =	wrdreg $0xFFFFFFFF;
	(pc) =	sbr.abs _section_cstart, $3  }
0xc0: {  	[dreg:$0x1] =	wrdreg $0xFFFFFFFF  }
0xc1: {  	_ =	task.clear_ibuf [dreg:s7], $0x2FFFF;
	_ =	strace $0x9FFFFFFF  }
0xc2: {  	(tm) =	ssettm $0x7FFFFFFF  }
0xc3: {  	_ =	shalt  }
tec
execute0_lowered:
.L_overlay_start_1:
0x0: {  	(tag) =	ssettag $0x1  }
0x1: {  	s5 =	rddreg [dreg:$0x0]  }
0x2: {  	s1 =	srdreg.scid;
	s0 =	stileid.u32  }
0x3: {  	s2 =	rddreg [dreg:$0x1];
	s3 =	simm.s32 $0x0;
	s10 =	simm.s32 $0x1400  }
0x4: {  	s11 =	simm.s32 $0x1;
	s12 =	simm.s32 $0x800;
	s13 =	simm.s32 $0x3580  }
0x5: {  	s4 =	sand.u32 $0x1, s1;
	s6 =	sshll.u32 s0, $0x1;
	s1 =	rddreg [dreg:$0x2]  }
0x6: {  	s14 =	simm.s32 $0x0;
	[smem:$0x7FF] =	sst s3;
	s8 =	sor.u32 s4, s6  }
0x7: {  	s7 =	ssub.s32 $0x2, s4;
	_ =	strace $0x80000047;
	s6 =	sshll.u32 s8, $0xD  }
0x8: {  	s4 =	sadd.s32 $0x200, s5;
	s9 =	sshrl.u32 s7, $0x1;
	s6 =	sadd.s32 s6, s5  }
0x9: {  	v0 =	vlaneseq.u32;
	s5 =	sadd.s32 $0xA0200, s5;
	s9 =	ssub.s32 s7, s9;
	s7 =	smul.u32 $0x18000, s8  }
0xa: {  	v43 =	vmul.u32 $0xC00, v0;
	s8 =	sshll.u32 s8, $0x9;
	s6 =	sadd.s32 $0x60200, s6;
	s9 =	smax.u32 s9, $0x1  }
.LBB2_1:
0xb: {  	v0 =	vimm.s32 $0x2130  }
0xc: {  	[tilespmem:s10], [sflag:$0x1] =	stream.linear.gather [hbm4b:s5+s3], $0x2180, $0x38;
	[tilespmem:$0xF580] =	vst v63  }
0xd: {  	_ =	swait.ge [sflag:s11], $0x2180  }
0xe: {  	[sflag:s11] =	ssyncset.done $0x0  }
0xf: {  	[sflag:s11] =	ssyncadd.s32 $0xFFFFDE80  }
0x10: {  	v63 =	vimm.s32 $0x2131;
	v0 =	vld.idx.msk [tilespmem:v0+s10+$0x0], $0xffff;
	_ =	sdelay $0x4  }
0x11: {  	[tilespmem:$0x1FFE0] =	vst v0;
	v0 =	vld.idx.msk [tilespmem:v63+s10+$0x0], $0xffff;
	_ =	sdelay $0x4  }
0x12: {  	s15 =	simm.s32 $0x0;
	[tilespmem:$0x1FFF0] =	vst v0  }
.LBB2_2:
0x13: {  	s16 =	sshll.u32 s15, $0x8  }
0x14: {  	s18 =	smul.u32 $0xC00, s15;
	s17 =	sadd.s32 s16, s6;
	s16 =	simm.s32 $0x0  }
0x15: {  	[tilespmem:s16], [sflag:$0x1] =	stream.linear.gather [hbm4b:s17+s16], $0x480, $0x38;
	[tilespmem:$0xF580] =	vst v63  }
0x16: {  	s31 =	sadd.s32 s7, s18;
	_ =	swait.ge [sflag:s11], $0x480  }
0x17: {  	s17 =	sshrl.u32 s31, $0x3;
	[sflag:s11] =	ssyncset.done $0x0  }
0x18: {  	s17 =	sadd.s32 s4, s17;
	[sflag:s11] =	ssyncadd.s32 $0xFFFFFB80  }
0x19: {  	[tilespmem:s12], [sflag:$0x1] =	stream.linear.gather [hbm4b:s17+s16], $0xA00, $0x38;
	[tilespmem:$0xF580] =	vst v63  }
0x1a: {  	_ =	swait.ge [sflag:s11], $0xA00  }
0x1b: {  	[sflag:s11] =	ssyncset.done $0x0  }
0x1c: {  	[sflag:s11] =	ssyncadd.s32 $0xFFFFF600  }
0x1d: {  	v0 =	vld [tilespmem:$0x1080];
	_ =	sdelay $0x4  }
0x1e: {  	[tilespmem:$0x1FF10] =	vst v0;
	v0 =	vld [tilespmem:$0x1100];
	_ =	sdelay $0x4  }
0x1f: {  	[tilespmem:$0x1FF40] =	vst v0;
	v0 =	vld [tilespmem:$0x1180];
	_ =	sdelay $0x4  }
0x20: {  	[tilespmem:$0x1FF60] =	vst v0;
	v0 =	vimm.s32 $0x2140;
	_ =	sdelay $0x4  }
0x21: {  	v51 =	vld.idx.msk [tilespmem:v0+s10+$0x0], $0xffff;
	v0 =	vimm.s32 $0x214E;
	_ =	sdelay $0x4  }
0x22: {  	v46 =	vld.idx.msk [tilespmem:v0+s10+$0x0], $0xffff;
	v0 =	vimm.s32 $0x2141;
	_ =	sdelay $0x4  }
0x23: {  	v47 =	vld.idx.msk [tilespmem:v0+s10+$0x0], $0xffff;
	v0 =	vimm.s32 $0x214F;
	_ =	sdelay $0x4  }
0x24: {  	v48 =	vld.idx.msk [tilespmem:v0+s10+$0x0], $0xffff;
	v0 =	vimm.s32 $0x2142;
	_ =	sdelay $0x4  }
0x25: {  	v50 =	vld.idx.msk [tilespmem:v0+s10+$0x0], $0xffff;
	v0 =	vimm.s32 $0x2150;
	_ =	sdelay $0x4  }
0x26: {  	v28 =	vld.idx.msk [tilespmem:v0+s10+$0x0], $0xffff;
	v0 =	vimm.s32 $0x2143;
	_ =	sdelay $0x4  }
0x27: {  	v42 =	vld.idx.msk [tilespmem:v0+s10+$0x0], $0xffff;
	v0 =	vimm.s32 $0x2151;
	_ =	sdelay $0x4  }
0x28: {  	v41 =	vld.idx.msk [tilespmem:v0+s10+$0x0], $0xffff;
	v0 =	vimm.s32 $0x2144;
	_ =	sdelay $0x4  }
0x29: {  	v36 =	vld.idx.msk [tilespmem:v0+s10+$0x0], $0xffff;
	v0 =	vimm.s32 $0x2152;
	_ =	sdelay $0x4  }
0x2a: {  	v35 =	vld.idx.msk [tilespmem:v0+s10+$0x0], $0xffff;
	v0 =	vimm.s32 $0x2145;
	_ =	sdelay $0x4  }
0x2b: {  	v0 =	vld.idx.msk [tilespmem:v0+s10+$0x0], $0xffff;
	_ =	sdelay $0x4  }
0x2c: {  	[tilespmem:$0x1FE80] =	vst v0;
	v0 =	vimm.s32 $0x2153;
	_ =	sdelay $0x4  }
0x2d: {  	v0 =	vld.idx.msk [tilespmem:v0+s10+$0x0], $0xffff;
	_ =	sdelay $0x4  }
0x2e: {  	[tilespmem:$0x1FE90] =	vst v0;
	v0 =	vimm.s32 $0x2146;
	_ =	sdelay $0x4  }
0x2f: {  	v0 =	vld.idx.msk [tilespmem:v0+s10+$0x0], $0xffff;
	_ =	sdelay $0x4  }
0x30: {  	[tilespmem:$0x1FEA0] =	vst v0;
	v0 =	vimm.s32 $0x2154;
	_ =	sdelay $0x4  }
0x31: {  	v0 =	vld.idx.msk [tilespmem:v0+s10+$0x0], $0xffff;
	_ =	sdelay $0x4  }
0x32: {  	[tilespmem:$0x1FEB0] =	vst v0;
	v0 =	vimm.s32 $0x2147;
	_ =	sdelay $0x3  }
0x33: {  	v45 =	vld [tilespmem:$0x280]  }
0x34: {  	v0 =	vld.idx.msk [tilespmem:v0+s10+$0x0], $0xffff;
	_ =	sdelay $0x3  }
0x35: {  	v37 =	vld [tilespmem:$0x400];
	v10 =	vadd.s32 $0x2120, v45  }
0x36: {  	[tilespmem:$0x1FEC0] =	vst v0;
	v0 =	vimm.s32 $0x2155  }
0x37: {  	v57 =	vld [tilespmem:$0x180]  }
0x38: {  	v52 =	vld [tilespmem:$0x200];
	_ =	sdelay $0x1  }
0x39: {  	v61 =	vld.idx.msk [tilespmem:v10+s10+$0x0], $0xffff;
	v10 =	vadd.s32 $0x2114, v37  }
0x3a: {  	v0 =	vld.idx.msk [tilespmem:v0+s10+$0x0], $0xffff  }
0x3b: {  	v2 =	vadd.s32 $0x2100, v57  }
0x3c: {  	v17 =	vld [tilespmem:$0x380];
	v7 =	vadd.s32 $0x211C, v52  }
0x3d: {  	v26 =	vmov s16;
	v14 =	vld [tilespmem:$0x1FFE0]  }
0x3e: {  	v56 =	vld.idx.msk [tilespmem:v10+s10+$0x0], $0xffff;
	v10 =	vor.u32 $0x1F80, v26  }
0x3f: {  	v55 =	vld [tilespmem:$0x800];
	[tilespmem:$0x1FED0] =	vst v0;
	v0 =	vimm.s32 $0x2148  }
0x40: {  	v2 =	vld.idx.msk [tilespmem:v2+s10+$0x0], $0xffff  }
0x41: {  	v3 =	vld.idx.msk [tilespmem:v7+s10+$0x0], $0xffff;
	v7 =	vadd.s32 $0x2110, v17  }
0x42: {  	v16 =	vld [tilespmem:$0x300];
	v4 =	vadd.s32 $0x2118, v57  }
0x43: {  	v39 =	vld.idx.msk [tilespmem:v10+s10+$0x0], $0xffff  }
0x44: {  	v10 =	vld.idx.msk [tilespmem:v0+s10+$0x0], $0xffff;
	v0 =	vimm.s32 $0x2156  }
0x45: {  	v8 =	vadd.s32 $0x2108, v45  }
0x46: {  	v15 =	vld.idx.msk [tilespmem:v7+s10+$0x0], $0xffff;
	v7 =	vmul.f32 v55, v14;
	v2 =	vadd.f32 v2, v2  }
0x47: {  	v11 =	vadd.s32 $0x210C, v16;
	v4 =	vld.idx.msk [tilespmem:v4+s10+$0x0], $0xffff  }
0x48: {  	v2 =	vadd.f32 v2, v7  }
0x49: {  	v5 =	vadd.s32 $0x2104, v52;
	v0 =	vld.idx.msk [tilespmem:v0+s10+$0x0], $0xffff  }
0x4a: {  	v19 =	vld.idx.msk [tilespmem:v8+s10+$0x0], $0xffff;
	v8 =	vadd.s32 $0x2128, v17;
	v2 =	vmul.f32 v2, v55  }
0x4b: {  	v13 =	vadd.s32 $0x2124, v16  }
0x4c: {  	v62 =	vld.idx.msk [tilespmem:v11+s10+$0x0], $0xffff;
	v11 =	vadd.s32 $0x212C, v37;
	v2 =	vadd.f32 v2, v4  }
0x4d: {  	v49 =	vld [tilespmem:$0x880];
	v7 =	vor.u32 $0x2080, v26  }
0x4e: {  	v5 =	vld.idx.msk [tilespmem:v5+s10+$0x0], $0xffff;
	v2 =	vadd.f32 $9.999999740e-06, v2;
	[tilespmem:$0x1FEE0] =	vst v0;
	v0 =	vimm.s32 $0x2149  }
0x4f: {  	v59 =	vld.idx.msk [tilespmem:v8+s10+$0x0], $0xffff;
	v8 =	vor.u32 $0x2000, v26  }
0x50: {  	v63 =	vld.idx.msk [tilespmem:v13+s10+$0x0], $0xffff;
	v13 =	vshrl.u32 v2, $0x1;
	v9 =	vmul.f32 $5.000000000e-01, v2  }
0x51: {  	v54 =	vld.idx.msk [tilespmem:v11+s10+$0x0], $0xffff;
	v11 =	vor.u32 $0x1F00, v26;
	v13 =	vsub.s32 $0x5F3759DF, v13  }
0x52: {  	v12 =	vld.idx.msk [tilespmem:v7+s10+$0x0], $0xffff;
	v7 =	vmul.f32 v13, v9  }
0x53: {  	v1 =	vimm.s32 $0x2157;
	v0 =	vld.idx.msk [tilespmem:v0+s10+$0x0], $0xffff  }
0x54: {  	v5 =	vadd.f32 v5, v5;
	v30 =	vld.idx.msk [tilespmem:v8+s10+$0x0], $0xffff;
	v8 =	vmul.f32 v49, v14;
	v7 =	vmul.f32 v13, v7;
	_ =	sdelay $0x1  }
0x55: {  	v53 =	vld.idx.msk [tilespmem:v11+s10+$0x0], $0xffff;
	v8 =	vadd.f32 v5, v8;
	v11 =	vsub.f32 $1.500000000e+00, v7;
	_ =	sdelay $0x1  }
0x56: {  	[tilespmem:$0x1FEF0] =	vst v0;
	v0 =	vmul.f32 v13, v11;
	v11 =	vmul.f32 v8, v49;
	v13 =	vld.idx.msk [tilespmem:v1+s10+$0x0], $0xffff;
	v1 =	vimm.s32 $0x214A;
	_ =	sdelay $0x1  }
0x57: {  	v2 =	vadd.f32 v11, v3;
	v3 =	vimm.s32 $0x2158;
	_ =	sdelay $0x2  }
0x58: {  	v1 =	vld.idx.msk [tilespmem:v1+s10+$0x0], $0xffff;
	_ =	sdelay $0x1  }
0x59: {  	v11 =	vld.idx.msk [tilespmem:v3+s10+$0x0], $0xffff;
	v3 =	vimm.s32 $0x214B;
	_ =	sdelay $0x2  }
0x5a: {  	[tilespmem:$0x1FF00] =	vst v1;
	v1 =	vmul.f32 v0, v9;
	_ =	sdelay $0x1  }
0x5b: {  	v3 =	vld.idx.msk [tilespmem:v3+s10+$0x0], $0xffff;
	v6 =	vmul.f32 v1, v0;
	v1 =	vimm.s32 $0x2159;
	_ =	sdelay $0x3  }
0x5c: {  	v18 =	vld [tilespmem:$0x0]  }
0x5d: {  	[tilespmem:$0x1FF20] =	vst v3;
	v1 =	vld.idx.msk [tilespmem:v1+s10+$0x0], $0xffff;
	v3 =	vimm.s32 $0x214C  }
0x5e: {  	v5 =	vadd.f32 v19, v19;
	v19 =	vimm.s32 $0x215A  }
0x5f: {  	v60 =	vld [tilespmem:$0x80]  }
0x60: {  	v58 =	vld [tilespmem:$0x100]  }
0x61: {  	v44 =	vld [tilespmem:$0x900];
	v2 =	vadd.f32 $9.999999740e-06, v2  }
0x62: {  	[tilespmem:$0x1FF30] =	vst v1;
	v1 =	vshll.u32 v18, $0x7;
	v18 =	vld.idx.msk [tilespmem:v3+s10+$0x0], $0xffff  }
0x63: {  	v8 =	vmul.f32 $5.000000000e-01, v2;
	v3 =	vshrl.u32 v2, $0x1;
	v2 =	vld.idx.msk [tilespmem:v19+s10+$0x0], $0xffff  }
0x64: {  	v40 =	vld [tilespmem:$0x980]  }
0x65: {  	v38 =	vld [tilespmem:$0xA00]  }
0x66: {  	v34 =	vld [tilespmem:$0xA80];
	v4 =	vmul.f32 v44, v14  }
0x67: {  	v31 =	vld [tilespmem:$0xB00];
	v19 =	vimm.s32 $0x215B  }
0x68: {  	v21 =	vld [tilespmem:$0xB80];
	[tilespmem:$0x1FF50] =	vst v2;
	v2 =	vadd.f32 v5, v4;
	v5 =	vimm.s32 $0x214D  }
0x69: {  	v20 =	vld [tilespmem:$0xC00]  }
0x6a: {  	v22 =	vld [tilespmem:$0xC80]  }
0x6b: {  	v23 =	vld [tilespmem:$0xD00]  }
0x6c: {  	v4 =	vsub.f32 $1.500000000e+00, v6;
	v6 =	vld.idx.msk [tilespmem:v19+s10+$0x0], $0xffff  }
0x6d: {  	v5 =	vld.idx.msk [tilespmem:v5+s10+$0x0], $0xffff  }
0x6e: {  	v24 =	vld [tilespmem:$0xD80];
	v7 =	vor.u32 s16, v43  }
0x6f: {  	v25 =	vld [tilespmem:$0xE00]  }
0x70: {  	v27 =	vld [tilespmem:$0xE80]  }
0x71: {  	v29 =	vld [tilespmem:$0xF00];
	v3 =	vsub.s32 $0x5F3759DF, v3;
	[tilespmem:$0x1FF80] =	vst v6  }
0x72: {  	v32 =	vld [tilespmem:$0xF80];
	[tilespmem:$0x1FF70] =	vst v5;
	v5 =	vmul.f32 v3, v8  }
0x73: {  	v33 =	vld [tilespmem:$0x1000];
	v0 =	vmul.f32 v4, v0;
	v2 =	vmul.f32 v2, v44;
	[tilespmem:v7+s13+$0x0] =	vst.idx.msk $0xffff, v12;
	v6 =	vor.u32 $0x80, v43  }
0x74: {  	v7 =	vshll.u32 v60, $0x7;
	[tilespmem:$0x1FCF0] =	vst v6;
	v6 =	vor.u32 s16, v6;
	v4 =	vmul.f32 v3, v5;
	v5 =	vld.idx.msk [tilespmem:v1+s10+$0x0], $0xffff  }
0x75: {  	v60 =	vadd.s32 $0x400, v7  }
0x76: {  	[tilespmem:$0x1FFD0] =	vst v1;
	v19 =	vor.u32 $0x100, v43;
	v12 =	vmul.f32 v0, v9;
	v1 =	vadd.f32 v2, v61  }
0x77: {  	v61 =	vadd.f32 v62, v62;
	v62 =	vmul.f32 v40, v14;
	v4 =	vsub.f32 $1.500000000e+00, v4  }
0x78: {  	v12 =	vmul.f32 v12, v0;
	v2 =	vshll.u32 v58, $0x7;
	v1 =	vadd.f32 $9.999999740e-06, v1  }
0x79: {  	v58 =	vor.u32 s16, v19;
	v3 =	vmul.f32 v3, v4;
	v4 =	vadd.f32 v61, v62;
	[tilespmem:v6+s13+$0x0] =	vst.idx.msk $0xffff, v5  }
0x7a: {  	v5 =	vsub.f32 $1.500000000e+00, v12;
	v6 =	vshrl.u32 v1, $0x1;
	v1 =	vmul.f32 $5.000000000e-01, v1;
	v12 =	vld.idx.msk [tilespmem:v60+s10+$0x0], $0xffff  }
0x7b: {  	v61 =	vadd.s32 $0x800, v2;
	v6 =	vsub.s32 $0x5F3759DF, v6;
	v60 =	vmul.f32 v3, v8  }
0x7c: {  	v62 =	vmul.f32 v6, v1  }
0x7d: {  	[tilespmem:$0x1FD00] =	vst v19;
	v0 =	vmul.f32 v5, v0;
	v5 =	vmul.f32 v60, v3  }
0x7e: {  	[tilespmem:$0x1FFA0] =	vst v2;
	v4 =	vmul.f32 v4, v40;
	v60 =	vmul.f32 v6, v62  }
0x7f: {  	v19 =	vor.u32 $0x180, v43;
	v2 =	vshll.u32 v57, $0x7;
	v5 =	vsub.f32 $1.500000000e+00, v5;
	[tilespmem:v58+s13+$0x0] =	vst.idx.msk $0xffff, v12  }
0x80: {  	v4 =	vadd.f32 v4, v63;
	v12 =	vsub.f32 $1.500000000e+00, v60;
	v58 =	vor.u32 s16, v19;
	v57 =	vld.idx.msk [tilespmem:v61+s10+$0x0], $0xffff  }
0x81: {  	v9 =	vmul.f32 v0, v9;
	v3 =	vmul.f32 v5, v3;
	v5 =	vadd.s32 $0xC00, v2  }
0x82: {  	v62 =	vmul.f32 v38, v14;
	v4 =	vadd.f32 $9.999999740e-06, v4;
	v6 =	vmul.f32 v6, v12  }
0x83: {  	v15 =	vadd.f32 v15, v15;
	v9 =	vmul.f32 v9, v0;
	v60 =	vmul.f32 v3, v8  }
0x84: {  	v12 =	vshrl.u32 v4, $0x1;
	v4 =	vmul.f32 $5.000000000e-01, v4;
	v61 =	vmul.f32 v6, v1  }
0x85: {  	v9 =	vsub.f32 $1.500000000e+00, v9;
	v12 =	vsub.s32 $0x5F3759DF, v12;
	[tilespmem:v58+s13+$0x0] =	vst.idx.msk $0xffff, v57;
	v57 =	vmul.f32 v60, v3  }
0x86: {  	v15 =	vadd.f32 v15, v62;
	v58 =	vmul.f32 v61, v6;
	v60 =	vmul.f32 v12, v4;
	v5 =	vld.idx.msk [tilespmem:v5+s10+$0x0], $0xffff  }
0x87: {  	[tilespmem:$0x1FD10] =	vst v19;
	v19 =	vmul.f32 v9, v0;
	v0 =	vsub.f32 $1.500000000e+00, v57  }
0x88: {  	v15 =	vmul.f32 v15, v38;
	v9 =	vsub.f32 $1.500000000e+00, v58;
	v61 =	vmul.f32 v12, v60  }
0x89: {  	v55 =	vmul.f32 v19, v55;
	v0 =	vmul.f32 v0, v3  }
0x8a: {  	[tilespmem:$0x1FF90] =	vst v7;
	v3 =	vmul.f32 v9, v6;
	v6 =	vadd.f32 v15, v59;
	v9 =	vsub.f32 $1.500000000e+00, v61  }
0x8b: {  	[tilespmem:$0x1FD20] =	vst v19;
	v15 =	vmul.f32 v53, v55;
	v5 =	vmul.f32 v5, v19;
	v19 =	vor.u32 $0x200, v43  }
0x8c: {  	v7 =	vshll.u32 v52, $0x7;
	[tilespmem:$0x1FFB0] =	vst v2;
	v2 =	vmul.f32 v0, v8;
	v62 =	vor.u32 s16, v19  }
0x8d: {  	v9 =	vmul.f32 v12, v9;
	v12 =	vadd.s32 $0xE00, v7;
	v5 =	vadd.f32 v5, v15  }
0x8e: {  	v6 =	vadd.f32 $9.999999740e-06, v6  }
0x8f: {  	v2 =	vmul.f32 v2, v0;
	v15 =	vmul.f32 v3, v1;
	v5 =	vadd.f32 v5, v30  }
0x90: {  	v63 =	vmul.f32 v9, v4;
	v60 =	vshrl.u32 v6, $0x1  }
0x91: {  	v6 =	vmul.f32 $5.000000000e-01, v6;
	v2 =	vsub.f32 $1.500000000e+00, v2;
	[tilespmem:v62+s13+$0x0] =	vst.idx.msk $0xffff, v5;
	v5 =	vmul.f32 v15, v3  }
0x92: {  	v61 =	vsub.s32 $0x5F3759DF, v60;
	v15 =	vmul.f32 v63, v9;
	v12 =	vld.idx.msk [tilespmem:v12+s10+$0x0], $0xffff  }
0x93: {  	[tilespmem:$0x1FD40] =	vst v19;
	v62 =	vmul.f32 v61, v6;
	v19 =	vmul.f32 v2, v0;
	v0 =	vsub.f32 $1.500000000e+00, v5  }
0x94: {  	v63 =	vmul.f32 v34, v14;
	v2 =	vsub.f32 $1.500000000e+00, v15;
	v15 =	vadd.f32 v56, v56  }
0x95: {  	[tilespmem:$0x1FD30] =	vst v55;
	v55 =	vshll.u32 v45, $0x7;
	v5 =	vmul.f32 v61, v62;
	v14 =	vmul.f32 v19, v49  }
0x96: {  	v0 =	vmul.f32 v0, v3;
	v2 =	vmul.f32 v2, v9;
	v3 =	vadd.f32 v15, v63  }
0x97: {  	[tilespmem:$0x1FD60] =	vst v14;
	v9 =	vmul.f32 v12, v19;
	v12 =	vmul.f32 v53, v14;
	v14 =	vor.u32 $0x280, v43  }
0x98: {  	v5 =	vsub.f32 $1.500000000e+00, v5;
	v3 =	vmul.f32 v3, v34;
	v15 =	vor.u32 s16, v14  }
0x99: {  	v1 =	vmul.f32 v0, v1;
	v9 =	vadd.f32 v9, v12;
	v12 =	vadd.s32 $0x1000, v55  }
0x9a: {  	v5 =	vmul.f32 v61, v5;
	v3 =	vadd.f32 v3, v54  }
0x9b: {  	v49 =	vld [tilespmem:$0x1FFF0];
	v57 =	vmul.f32 v2, v4;
	v1 =	vmul.f32 v1, v0;
	v9 =	vadd.f32 v9, v30  }
0x9c: {  	v58 =	vmul.f32 v5, v6;
	v3 =	vadd.f32 $9.999999740e-06, v3  }
0x9d: {  	v1 =	vsub.f32 $1.500000000e+00, v1;
	[tilespmem:v15+s13+$0x0] =	vst.idx.msk $0xffff, v9;
	v9 =	vmul.f32 v57, v2  }
0x9e: {  	v15 =	vmul.f32 v58, v5;
	v59 =	vshrl.u32 v3, $0x1;
	v3 =	vmul.f32 $5.000000000e-01, v3;
	v12 =	vld.idx.msk [tilespmem:v12+s10+$0x0], $0xffff  }
0x9f: {  	[tilespmem:$0x1FD70] =	vst v14;
	v14 =	vmul.f32 v1, v0;
	v1 =	vsub.s32 $0x5F3759DF, v59;
	v0 =	vsub.f32 $1.500000000e+00, v9  }
0xa0: {  	v60 =	vmul.f32 v31, v49;
	v9 =	vsub.f32 $1.500000000e+00, v15;
	v15 =	vmul.f32 v1, v3  }
0xa1: {  	[tilespmem:$0x1FD50] =	vst v19;
	v19 =	vmul.f32 v14, v44;
	v0 =	vmul.f32 v0, v2  }
0xa2: {  	v2 =	vmul.f32 v9, v5;
	v5 =	vadd.f32 v51, v60;
	v9 =	vmul.f32 v1, v15  }
0xa3: {  	[tilespmem:$0x1FD80] =	vst v14;
	v15 =	vmul.f32 v53, v19;
	v12 =	vmul.f32 v12, v14;
	v14 =	vor.u32 $0x300, v43  }
0xa4: {  	v51 =	vshll.u32 v16, $0x7;
	v9 =	vsub.f32 $1.500000000e+00, v9;
	v61 =	vor.u32 s16, v14  }
0xa5: {  	v4 =	vmul.f32 v0, v4;
	v12 =	vadd.f32 v12, v15;
	v15 =	vadd.s32 $0x1200, v51  }
0xa6: {  	v5 =	vmul.f32 v5, v31;
	v1 =	vmul.f32 v1, v9  }
0xa7: {  	v4 =	vmul.f32 v4, v0;
	v9 =	vadd.f32 v12, v30;
	v12 =	vmul.f32 v2, v6  }
0xa8: {  	v5 =	vadd.f32 v5, v46;
	v62 =	vmul.f32 v1, v3  }
0xa9: {  	v4 =	vsub.f32 $1.500000000e+00, v4;
	[tilespmem:v61+s13+$0x0] =	vst.idx.msk $0xffff, v9;
	v9 =	vmul.f32 v12, v2  }
0xaa: {  	v63 =	vshrl.u32 v5, $0x1;
	v5 =	vmul.f32 $5.000000000e-01, v5;
	v12 =	vmul.f32 v62, v1;
	v15 =	vld.idx.msk [tilespmem:v15+s10+$0x0], $0xffff  }
0xab: {  	[tilespmem:$0x1FDA0] =	vst v14;
	v14 =	vmul.f32 v4, v0;
	v4 =	vsub.s32 $0x5F3759DF, v63;
	v0 =	vsub.f32 $1.500000000e+00, v9  }
0xac: {  	v52 =	vmul.f32 v21, v49;
	v9 =	vsub.f32 $1.500000000e+00, v12;
	v12 =	vmul.f32 v4, v5  }
0xad: {  	v16 =	vmul.f32 v14, v40;
	v0 =	vmul.f32 v0, v2  }
0xae: {  	v45 =	vshll.u32 v17, $0x7;
	v1 =	vmul.f32 v9, v1;
	v9 =	vmul.f32 v4, v12  }
0xaf: {  	[tilespmem:$0x1FDB0] =	vst v14;
	v12 =	vmul.f32 v15, v14;
	v15 =	vmul.f32 v53, v16;
	v14 =	vor.u32 $0x380, v43  }
0xb0: {  	v2 =	vadd.f32 v47, v52;
	v9 =	vsub.f32 $1.500000000e+00, v9;
	v54 =	vor.u32 s16, v14  }
0xb1: {  	v6 =	vmul.f32 v0, v6;
	v12 =	vadd.f32 v12, v15;
	v15 =	vadd.s32 $0x1400, v45  }
0xb2: {  	v2 =	vmul.f32 v2, v21;
	v4 =	vmul.f32 v4, v9  }
0xb3: {  	v6 =	vmul.f32 v6, v0;
	v9 =	vadd.f32 v12, v30;
	v12 =	vmul.f32 v1, v3  }
0xb4: {  	v2 =	vadd.f32 v2, v48;
	v56 =	vmul.f32 v4, v5  }
0xb5: {  	v6 =	vsub.f32 $1.500000000e+00, v6;
	[tilespmem:v54+s13+$0x0] =	vst.idx.msk $0xffff, v9;
	v9 =	vmul.f32 v12, v1  }
0xb6: {  	v57 =	vshrl.u32 v2, $0x1;
	v2 =	vmul.f32 $5.000000000e-01, v2;
	v12 =	vmul.f32 v56, v4;
	v15 =	vld.idx.msk [tilespmem:v15+s10+$0x0], $0xffff  }
0xb7: {  	[tilespmem:$0x1FDD0] =	vst v14;
	v14 =	vmul.f32 v6, v0;
	v6 =	vsub.s32 $0x5F3759DF, v57;
	v0 =	vsub.f32 $1.500000000e+00, v9  }
0xb8: {  	v58 =	vmul.f32 v20, v49;
	v9 =	vsub.f32 $1.500000000e+00, v12;
	v12 =	vmul.f32 v6, v2  }
0xb9: {  	[tilespmem:$0x1FDC0] =	vst v16;
	v16 =	vmul.f32 v14, v38;
	v0 =	vmul.f32 v0, v1  }
0xba: {  	v40 =	vshll.u32 v37, $0x7;
	v1 =	vmul.f32 v9, v4;
	v9 =	vmul.f32 v6, v12  }
0xbb: {  	[tilespmem:$0x1FDE0] =	vst v14;
	v12 =	vmul.f32 v15, v14;
	v15 =	vmul.f32 v53, v16;
	v14 =	vadd.s32 $0x400, v43  }
0xbc: {  	v4 =	vadd.f32 v50, v58;
	v9 =	vsub.f32 $1.500000000e+00, v9;
	v59 =	vor.u32 s16, v14  }
0xbd: {  	v3 =	vmul.f32 v0, v3;
	v12 =	vadd.f32 v12, v15;
	v15 =	vadd.s32 $0x1600, v40  }
0xbe: {  	v4 =	vmul.f32 v4, v20;
	v6 =	vmul.f32 v6, v9  }
0xbf: {  	v3 =	vmul.f32 v3, v0;
	v9 =	vadd.f32 v12, v30;
	v12 =	vmul.f32 v1, v5  }
0xc0: {  	v4 =	vadd.f32 v4, v28;
	v60 =	vmul.f32 v6, v2  }
0xc1: {  	v3 =	vsub.f32 $1.500000000e+00, v3;
	[tilespmem:v59+s13+$0x0] =	vst.idx.msk $0xffff, v9;
	v9 =	vmul.f32 v12, v1  }
0xc2: {  	v61 =	vshrl.u32 v4, $0x1;
	v4 =	vmul.f32 $5.000000000e-01, v4;
	v12 =	vmul.f32 v60, v6;
	v15 =	vld.idx.msk [tilespmem:v15+s10+$0x0], $0xffff  }
0xc3: {  	[tilespmem:$0x1FE00] =	vst v14;
	v14 =	vmul.f32 v3, v0;
	v3 =	vsub.s32 $0x5F3759DF, v61;
	v0 =	vsub.f32 $1.500000000e+00, v9  }
0xc4: {  	v62 =	vmul.f32 v22, v49;
	v9 =	vsub.f32 $1.500000000e+00, v12;
	v12 =	vmul.f32 v3, v4  }
0xc5: {  	[tilespmem:$0x1FDF0] =	vst v16;
	v16 =	vmul.f32 v14, v34;
	v0 =	vmul.f32 v0, v1  }
0xc6: {  	v1 =	vmul.f32 v9, v6;
	v6 =	vadd.f32 v42, v62;
	v9 =	vmul.f32 v3, v12  }
0xc7: {  	[tilespmem:$0x1FE10] =	vst v14;
	v12 =	vmul.f32 v15, v14;
	v15 =	vmul.f32 v53, v16;
	v14 =	vadd.s32 $0x480, v43  }
0xc8: {  	v9 =	vsub.f32 $1.500000000e+00, v9;
	v6 =	vmul.f32 v6, v22;
	v63 =	vor.u32 s16, v14  }
0xc9: {  	v5 =	vmul.f32 v0, v5;
	v12 =	vadd.f32 v12, v15;
	v15 =	vor.u32 $0x1800, v26  }
0xca: {  	v3 =	vmul.f32 v3, v9;
	v6 =	vadd.f32 v6, v41  }
0xcb: {  	v5 =	vmul.f32 v5, v0;
	v9 =	vadd.f32 v12, v30;
	v12 =	vmul.f32 v1, v2  }
0xcc: {  	v42 =	vshrl.u32 v6, $0x1;
	v6 =	vmul.f32 $5.000000000e-01, v6;
	v44 =	vmul.f32 v3, v4  }
0xcd: {  	v5 =	vsub.f32 $1.500000000e+00, v5;
	[tilespmem:v63+s13+$0x0] =	vst.idx.msk $0xffff, v9;
	v9 =	vmul.f32 v12, v1;
	v12 =	vsub.s32 $0x5F3759DF, v42  }
0xce: {  	v46 =	vmul.f32 v44, v3;
	v15 =	vld.idx.msk [tilespmem:v15+s10+$0x0], $0xffff;
	v37 =	vmul.f32 v12, v6  }
0xcf: {  	[tilespmem:$0x1FE30] =	vst v14;
	v14 =	vmul.f32 v5, v0;
	v0 =	vsub.f32 $1.500000000e+00, v9  }
0xd0: {  	v5 =	vsub.f32 $1.500000000e+00, v46;
	v9 =	vmul.f32 v12, v37  }
0xd1: {  	[tilespmem:$0x1FE20] =	vst v16;
	v16 =	vmul.f32 v14, v31;
	v0 =	vmul.f32 v0, v1  }
0xd2: {  	v1 =	vmul.f32 v5, v3;
	v5 =	vmul.f32 v23, v49;
	v3 =	vsub.f32 $1.500000000e+00, v9  }
0xd3: {  	[tilespmem:$0x1FE40] =	vst v14;
	v9 =	vmul.f32 v15, v14;
	v15 =	vmul.f32 v39, v16;
	v14 =	vadd.s32 $0x500, v43  }
0xd4: {  	v5 =	vadd.f32 v36, v5;
	v3 =	vmul.f32 v12, v3;
	v12 =	vor.u32 s16, v14  }
0xd5: {  	v2 =	vmul.f32 v0, v2;
	v9 =	vadd.f32 v9, v15;
	v15 =	vor.u32 $0x1880, v26  }
0xd6: {  	v31 =	vmul.f32 v1, v4;
	v5 =	vmul.f32 v5, v23  }
0xd7: {  	v2 =	vmul.f32 v2, v0;
	v47 =	vmul.f32 v3, v6;
	v9 =	vadd.f32 v9, v30  }
0xd8: {  	v31 =	vmul.f32 v31, v1;
	v5 =	vadd.f32 v5, v35  }
0xd9: {  	v2 =	vsub.f32 $1.500000000e+00, v2;
	[tilespmem:v12+s13+$0x0] =	vst.idx.msk $0xffff, v9;
	v9 =	vmul.f32 v47, v3  }
0xda: {  	v12 =	vsub.f32 $1.500000000e+00, v31;
	v31 =	vshrl.u32 v5, $0x1;
	v5 =	vmul.f32 $5.000000000e-01, v5;
	v15 =	vld.idx.msk [tilespmem:v15+s10+$0x0], $0xffff  }
0xdb: {  	[tilespmem:$0x1FE60] =	vst v14;
	v14 =	vmul.f32 v2, v0;
	v2 =	vsub.s32 $0x5F3759DF, v31  }
0xdc: {  	[tilespmem:$0x1FFC0] =	vst v7;
	v7 =	vld [tilespmem:$0x1FE80];
	v0 =	vsub.f32 $1.500000000e+00, v9;
	v9 =	vmul.f32 v2, v5  }
0xdd: {  	[tilespmem:$0x1FE50] =	vst v16;
	v1 =	vmul.f32 v12, v1;
	v16 =	vmul.f32 v14, v21  }
0xde: {  	v0 =	vmul.f32 v0, v3;
	v3 =	vmul.f32 v2, v9  }
0xdf: {  	v9 =	vmul.f32 v24, v49;
	v12 =	vmul.f32 v15, v14  }
0xe0: {  	[tilespmem:$0x1FE70] =	vst v14;
	v15 =	vmul.f32 v39, v16;
	v14 =	vadd.s32 $0x580, v43;
	v3 =	vsub.f32 $1.500000000e+00, v3  }
0xe1: {  	v4 =	vmul.f32 v1, v4;
	v9 =	vadd.f32 v7, v9;
	v21 =	vor.u32 s16, v14  }
0xe2: {  	v12 =	vadd.f32 v12, v15;
	v2 =	vmul.f32 v2, v3  }
0xe3: {  	v4 =	vmul.f32 v4, v1;
	v3 =	vmul.f32 v9, v24  }
0xe4: {  	v7 =	vld [tilespmem:$0x1FE90];
	v9 =	vadd.f32 v12, v30;
	v12 =	vmul.f32 v0, v6;
	v31 =	vmul.f32 v2, v5  }
0xe5: {  	v15 =	vor.u32 $0x1900, v26  }
0xe6: {  	v4 =	vsub.f32 $1.500000000e+00, v4;
	[tilespmem:v21+s13+$0x0] =	vst.idx.msk $0xffff, v9;
	v9 =	vmul.f32 v12, v0;
	v12 =	vmul.f32 v31, v2;
	_ =	sdelay $0x1  }
0xe7: {  	v60 =	vmul.f32 v4, v1;
	v1 =	vsub.f32 $1.500000000e+00, v9;
	v9 =	vsub.f32 $1.500000000e+00, v12  }
0xe8: {  	v3 =	vadd.f32 v3, v7  }
0xe9: {  	v0 =	vmul.f32 v1, v0;
	v1 =	vmul.f32 v9, v2;
	v2 =	vld [tilespmem:$0x1FEA0]  }
0xea: {  	v21 =	vshrl.u32 v3, $0x1;
	v31 =	vmul.f32 $5.000000000e-01, v3;
	v3 =	vld.idx.msk [tilespmem:v15+s10+$0x0], $0xffff  }
0xeb: {  	v4 =	vsub.s32 $0x5F3759DF, v21  }
0xec: {  	v15 =	vmul.f32 v25, v49;
	v12 =	vmul.f32 v4, v31  }
0xed: {  	v7 =	vld [tilespmem:$0x1FEB0];
	v61 =	vmul.f32 v60, v20  }
0xee: {  	v9 =	vmul.f32 v4, v12;
	v2 =	vadd.f32 v2, v15  }
0xef: {  	v62 =	vadd.s32 $0x600, v43;
	v12 =	vmul.f32 v39, v61;
	v3 =	vmul.f32 v3, v60  }
0xf0: {  	v9 =	vsub.f32 $1.500000000e+00, v9;
	v15 =	vor.u32 s16, v62;
	v2 =	vmul.f32 v2, v25  }
0xf1: {  	v6 =	vmul.f32 v0, v6;
	v3 =	vadd.f32 v3, v12  }
0xf2: {  	v4 =	vmul.f32 v4, v9;
	v2 =	vadd.f32 v2, v7  }
0xf3: {  	v6 =	vmul.f32 v6, v0;
	v9 =	vmul.f32 v1, v5;
	v3 =	vadd.f32 v3, v30  }
0xf4: {  	v59 =	vmovc v16;
	v16 =	vshrl.u32 v2, $0x1;
	v21 =	vmul.f32 $5.000000000e-01, v2;
	v2 =	vmul.f32 v4, v31  }
0xf5: {  	[tilespmem:v15+s13+$0x0] =	vst.idx.msk $0xffff, v3;
	v3 =	vsub.f32 $1.500000000e+00, v6;
	v6 =	vmul.f32 v9, v1;
	v9 =	vsub.s32 $0x5F3759DF, v16  }
0xf6: {  	v12 =	vor.u32 $0x1980, v26;
	v2 =	vmul.f32 v2, v4;
	v15 =	vmul.f32 v9, v21;
	_ =	sdelay $0x1  }
0xf7: {  	v63 =	vmul.f32 v3, v0;
	v2 =	vsub.f32 $1.500000000e+00, v2;
	v3 =	vmul.f32 v9, v15;
	_ =	sdelay $0x1  }
0xf8: {  	v4 =	vmul.f32 v2, v4;
	v2 =	vsub.f32 $1.500000000e+00, v3  }
0xf9: {  	v12 =	vld.idx.msk [tilespmem:v12+s10+$0x0], $0xffff  }
0xfa: {  	v0 =	vsub.f32 $1.500000000e+00, v6;
	v9 =	vmul.f32 v9, v2;
	v2 =	vld [tilespmem:$0x1FEC0];
	_ =	sdelay $0x1  }
0xfb: {  	v6 =	vmul.f32 v0, v1;
	v0 =	vmul.f32 v63, v22  }
0xfc: {  	v3 =	vmul.f32 v27, v49  }
0xfd: {  	v7 =	vld [tilespmem:$0x1FED0];
	v1 =	vadd.s32 $0x680, v43;
	v12 =	vmul.f32 v12, v63;
	v15 =	vmul.f32 v39, v0  }
0xfe: {  	v2 =	vadd.f32 v2, v3;
	v3 =	vor.u32 s16, v1  }
0xff: {  	v5 =	vmul.f32 v6, v5;
	v12 =	vadd.f32 v12, v15  }
0x100: {  	v16 =	vmul.f32 v4, v31;
	v2 =	vmul.f32 v2, v27  }
0x101: {  	v5 =	vmul.f32 v5, v6;
	v12 =	vadd.f32 v12, v30;
	v17 =	vmul.f32 v9, v21  }
0x102: {  	v16 =	vmul.f32 v16, v4;
	v2 =	vadd.f32 v2, v7  }
0x103: {  	v15 =	vor.u32 $0x1A00, v26;
	[tilespmem:v3+s13+$0x0] =	vst.idx.msk $0xffff, v12;
	v3 =	vsub.f32 $1.500000000e+00, v5;
	v5 =	vmul.f32 v17, v9  }
0x104: {  	v12 =	vsub.f32 $1.500000000e+00, v16;
	v16 =	vshrl.u32 v2, $0x1;
	v17 =	vmul.f32 $5.000000000e-01, v2  }
0x105: {  	v2 =	vmul.f32 v3, v6;
	v3 =	vsub.f32 $1.500000000e+00, v5;
	v5 =	vsub.s32 $0x5F3759DF, v16  }
0x106: {  	v6 =	vmul.f32 v12, v4;
	v4 =	vmul.f32 v5, v17;
	_ =	sdelay $0x1  }
0x107: {  	v15 =	vld.idx.msk [tilespmem:v15+s10+$0x0], $0xffff;
	v16 =	vmul.f32 v29, v49;
	v12 =	vmul.f32 v5, v4  }
0x108: {  	v7 =	vld [tilespmem:$0x1FEE0]  }
0x109: {  	v10 =	vadd.f32 v10, v16;
	v12 =	vsub.f32 $1.500000000e+00, v12  }
0x10a: {  	v9 =	vmul.f32 v3, v9;
	v3 =	vmul.f32 v2, v23  }
0x10b: {  	v12 =	vmul.f32 v5, v12;
	v5 =	vmul.f32 v10, v29  }
0x10c: {  	v15 =	vmul.f32 v15, v2;
	v20 =	vmul.f32 v39, v3  }
0x10d: {  	v4 =	vadd.s32 $0x700, v43;
	v5 =	vadd.f32 v5, v7;
	v7 =	vmul.f32 v12, v17  }
0x10e: {  	v16 =	vor.u32 s16, v4;
	v15 =	vadd.f32 v15, v20;
	v20 =	vmul.f32 v6, v31  }
0x10f: {  	v31 =	vor.u32 $0x1A80, v26;
	v7 =	vmul.f32 v7, v12  }
0x110: {  	v10 =	vmul.f32 v20, v6  }
0x111: {  	v15 =	vadd.f32 v15, v30;
	v20 =	vmul.f32 v9, v21;
	v7 =	vsub.f32 $1.500000000e+00, v7;
	_ =	sdelay $0x1  }
0x112: {  	[tilespmem:v16+s13+$0x0] =	vst.idx.msk $0xffff, v15;
	v10 =	vsub.f32 $1.500000000e+00, v10;
	v15 =	vmul.f32 v20, v9;
	v12 =	vmul.f32 v7, v12;
	v7 =	vld [tilespmem:$0x1FEF0]  }
0x113: {  	v16 =	vshrl.u32 v5, $0x1;
	v20 =	vmul.f32 $5.000000000e-01, v5;
	v31 =	vld.idx.msk [tilespmem:v31+s10+$0x0], $0xffff  }
0x114: {  	v5 =	vmul.f32 v10, v6;
	v6 =	vsub.f32 $1.500000000e+00, v15;
	v10 =	vsub.s32 $0x5F3759DF, v16  }
0x115: {  	v16 =	vmul.f32 v32, v49;
	v15 =	vmul.f32 v10, v20  }
0x116: {  	v9 =	vmul.f32 v6, v9;
	v6 =	vmul.f32 v5, v24  }
0x117: {  	v15 =	vmul.f32 v10, v15;
	v16 =	vadd.f32 v7, v16  }
0x118: {  	v22 =	vmul.f32 v31, v5;
	v31 =	vmul.f32 v39, v6;
	v7 =	vadd.s32 $0x780, v43  }
0x119: {  	v15 =	vsub.f32 $1.500000000e+00, v15;
	v48 =	vor.u32 s16, v7;
	v16 =	vmul.f32 v16, v32  }
0x11a: {  	v21 =	vmul.f32 v9, v21;
	v22 =	vadd.f32 v22, v31;
	v31 =	vor.u32 $0x1B00, v26  }
0x11b: {  	v10 =	vmul.f32 v10, v15;
	v8 =	vadd.f32 v16, v13  }
0x11c: {  	v15 =	vmul.f32 v21, v9;
	v21 =	vmul.f32 v12, v17;
	v16 =	vadd.f32 v22, v30  }
0x11d: {  	v22 =	vshrl.u32 v8, $0x1;
	v50 =	vmul.f32 $5.000000000e-01, v8;
	v8 =	vmul.f32 v10, v20  }
0x11e: {  	v15 =	vsub.f32 $1.500000000e+00, v15;
	[tilespmem:v48+s13+$0x0] =	vst.idx.msk $0xffff, v16;
	v16 =	vmul.f32 v21, v12;
	v21 =	vsub.s32 $0x5F3759DF, v22  }
0x11f: {  	v31 =	vld.idx.msk [tilespmem:v31+s10+$0x0], $0xffff;
	v22 =	vmul.f32 v8, v10;
	v52 =	vmul.f32 v21, v50  }
0x120: {  	v13 =	vld [tilespmem:$0x1FF00];
	v8 =	vmul.f32 v15, v9;
	v9 =	vsub.f32 $1.500000000e+00, v16  }
0x121: {  	v15 =	vsub.f32 $1.500000000e+00, v22;
	v16 =	vmul.f32 v21, v52  }
0x122: {  	v12 =	vmul.f32 v9, v12;
	v9 =	vmul.f32 v8, v25  }
0x123: {  	v22 =	vmul.f32 v33, v49;
	v15 =	vmul.f32 v15, v10;
	v16 =	vsub.f32 $1.500000000e+00, v16  }
0x124: {  	v23 =	vmul.f32 v31, v8;
	v31 =	vmul.f32 v39, v9;
	v10 =	vadd.s32 $0x800, v43  }
0x125: {  	v13 =	vadd.f32 v13, v22;
	v16 =	vmul.f32 v21, v16;
	v21 =	vor.u32 s16, v10  }
0x126: {  	v17 =	vmul.f32 v12, v17;
	v22 =	vadd.f32 v23, v31;
	v23 =	vor.u32 $0x1B80, v26  }
0x127: {  	v13 =	vmul.f32 v13, v33;
	v31 =	vmul.f32 v15, v20  }
0x128: {  	v17 =	vmul.f32 v17, v12;
	v22 =	vadd.f32 v22, v30;
	v53 =	vmul.f32 v16, v50  }
0x129: {  	v11 =	vadd.f32 v13, v11;
	v13 =	vmul.f32 v31, v15  }
0x12a: {  	v42 =	vld [tilespmem:$0x1FF10];
	v17 =	vsub.f32 $1.500000000e+00, v17;
	[tilespmem:v21+s13+$0x0] =	vst.idx.msk $0xffff, v22;
	v21 =	vmul.f32 v53, v16  }
0x12b: {  	v13 =	vsub.f32 $1.500000000e+00, v13;
	v31 =	vmul.f32 $5.000000000e-01, v11;
	v22 =	vshrl.u32 v11, $0x1;
	v23 =	vld.idx.msk [tilespmem:v23+s10+$0x0], $0xffff  }
0x12c: {  	v58 =	vmovc v14;
	v14 =	vld [tilespmem:$0x1FF20];
	v11 =	vmul.f32 v17, v12;
	v17 =	vsub.s32 $0x5F3759DF, v22;
	v12 =	vsub.f32 $1.500000000e+00, v21  }
0x12d: {  	v15 =	vmul.f32 v13, v15;
	v13 =	vmul.f32 v17, v31  }
0x12e: {  	v16 =	vmul.f32 v12, v16;
	v12 =	vmul.f32 v11, v27  }
0x12f: {  	v22 =	vmul.f32 v42, v49;
	v21 =	vmul.f32 v17, v13  }
0x130: {  	[tilespmem:$0x1FD90] =	vst v19;
	v19 =	vld [tilespmem:$0x1FF30];
	v13 =	vadd.s32 $0x880, v43;
	v23 =	vmul.f32 v23, v11;
	v24 =	vmul.f32 v39, v12  }
0x131: {  	v14 =	vadd.f32 v14, v22;
	v22 =	vor.u32 s16, v13;
	v21 =	vsub.f32 $1.500000000e+00, v21  }
0x132: {  	v20 =	vmul.f32 v15, v20;
	v23 =	vadd.f32 v23, v24;
	v24 =	vor.u32 $0x1C00, v26  }
0x133: {  	v14 =	vmul.f32 v14, v42;
	v17 =	vmul.f32 v17, v21  }
0x134: {  	v20 =	vmul.f32 v20, v15;
	v21 =	vadd.f32 v23, v30;
	v23 =	vmul.f32 v16, v50  }
0x135: {  	v14 =	vadd.f32 v14, v19;
	v54 =	vmul.f32 v17, v31  }
0x136: {  	v20 =	vsub.f32 $1.500000000e+00, v20;
	[tilespmem:v22+s13+$0x0] =	vst.idx.msk $0xffff, v21;
	v21 =	vmul.f32 v23, v16  }
0x137: {  	v56 =	vmul.f32 $5.000000000e-01, v14;
	v22 =	vmul.f32 v54, v17;
	v23 =	vshrl.u32 v14, $0x1;
	v24 =	vld.idx.msk [tilespmem:v24+s10+$0x0], $0xffff  }
0x138: {  	v41 =	vld [tilespmem:$0x1FF40];
	v14 =	vmul.f32 v20, v15;
	v20 =	vsub.s32 $0x5F3759DF, v23;
	v15 =	vsub.f32 $1.500000000e+00, v21  }
0x139: {  	v21 =	vsub.f32 $1.500000000e+00, v22;
	v22 =	vmul.f32 v20, v56  }
0x13a: {  	v23 =	vmul.f32 v15, v16;
	v15 =	vmul.f32 v14, v29  }
0x13b: {  	v17 =	vmul.f32 v21, v17;
	v21 =	vmul.f32 v20, v22  }
0x13c: {  	v16 =	vadd.s32 $0x900, v43;
	v22 =	vmul.f32 v24, v14;
	v24 =	vmul.f32 v39, v15  }
0x13d: {  	v25 =	vmul.f32 v41, v49;
	v57 =	vor.u32 s16, v16;
	v21 =	vsub.f32 $1.500000000e+00, v21  }
0x13e: {  	v38 =	vor.u32 $0x1C80, v26;
	v22 =	vadd.f32 v22, v24;
	v24 =	vmul.f32 v23, v50  }
0x13f: {  	v18 =	vadd.f32 v18, v25;
	v19 =	vld [tilespmem:$0x1FF50];
	v20 =	vmul.f32 v20, v21  }
0x140: {  	v21 =	vmul.f32 v24, v23;
	v22 =	vadd.f32 v22, v30;
	v24 =	vmul.f32 v17, v31  }
0x141: {  	v25 =	vmul.f32 v20, v56  }
0x142: {  	[tilespmem:v57+s13+$0x0] =	vst.idx.msk $0xffff, v22;
	v21 =	vsub.f32 $1.500000000e+00, v21;
	v22 =	vmul.f32 v24, v17;
	v24 =	vmul.f32 v18, v41  }
0x143: {  	v25 =	vmul.f32 v25, v20;
	v35 =	vld.idx.msk [tilespmem:v38+s10+$0x0], $0xffff  }
0x144: {  	v18 =	vmul.f32 v21, v23;
	v21 =	vadd.f32 v24, v19;
	v19 =	vsub.f32 $1.500000000e+00, v22  }
0x145: {  	v22 =	vsub.f32 $1.500000000e+00, v25  }
0x146: {  	v17 =	vmul.f32 v19, v17;
	v19 =	vmul.f32 v18, v32;
	v23 =	vshrl.u32 v21, $0x1  }
0x147: {  	v20 =	vmul.f32 v22, v20;
	v36 =	vmul.f32 $5.000000000e-01, v21;
	v21 =	vadd.s32 $0x980, v43  }
0x148: {  	v22 =	vsub.s32 $0x5F3759DF, v23;
	v23 =	vmul.f32 v35, v18;
	v24 =	vmul.f32 v39, v19  }
0x149: {  	v44 =	vor.u32 s16, v21  }
0x14a: {  	v28 =	vld [tilespmem:$0x1FF60];
	v25 =	vmul.f32 v22, v36;
	v23 =	vadd.f32 v23, v24;
	v24 =	vmul.f32 v17, v31;
	_ =	sdelay $0x1  }
0x14b: {  	v29 =	vld [tilespmem:$0x1FF70];
	v25 =	vmul.f32 v22, v25;
	v24 =	vmul.f32 v24, v17;
	v23 =	vadd.f32 v23, v30;
	_ =	sdelay $0x1  }
0x14c: {  	v31 =	vor.u32 $0x1D00, v26;
	v25 =	vsub.f32 $1.500000000e+00, v25;
	[tilespmem:v44+s13+$0x0] =	vst.idx.msk $0xffff, v23;
	v23 =	vsub.f32 $1.500000000e+00, v24  }
0x14d: {  	v27 =	vmul.f32 v28, v49;
	v46 =	vmul.f32 v20, v56  }
0x14e: {  	v47 =	vmul.f32 v22, v25;
	v22 =	vmul.f32 v23, v17;
	v17 =	vld [tilespmem:$0x1FF80]  }
0x14f: {  	v27 =	vadd.f32 v29, v27;
	v24 =	vmul.f32 v46, v20;
	_ =	sdelay $0x1  }
0x150: {  	v27 =	vmul.f32 v27, v28;
	v25 =	vld.idx.msk [tilespmem:v31+s10+$0x0], $0xffff;
	v23 =	vsub.f32 $1.500000000e+00, v24  }
0x151: {  	v24 =	vmul.f32 v47, v36  }
0x152: {  	v20 =	vmul.f32 v23, v20;
	v23 =	vmul.f32 v22, v33;
	v17 =	vadd.f32 v27, v17  }
0x153: {  	v24 =	vmul.f32 v24, v47  }
0x154: {  	v31 =	vmul.f32 v39, v23;
	v27 =	vshrl.u32 v17, $0x1;
	v29 =	vmul.f32 $5.000000000e-01, v17  }
0x155: {  	v17 =	vmul.f32 v25, v22;
	v25 =	vadd.s32 $0xA00, v43;
	v27 =	vsub.s32 $0x5F3759DF, v27  }
0x156: {  	v24 =	vsub.f32 $1.500000000e+00, v24;
	v49 =	vor.u32 s16, v25;
	v48 =	vmul.f32 v27, v29  }
0x157: {  	v50 =	vor.u32 $0x1D80, v26;
	v17 =	vadd.f32 v17, v31;
	v31 =	vmul.f32 v20, v56  }
0x158: {  	v35 =	vmul.f32 v24, v47;
	v24 =	vmul.f32 v27, v48  }
0x159: {  	v31 =	vmul.f32 v31, v20;
	v17 =	vadd.f32 v17, v30  }
0x15a: {  	v52 =	vmul.f32 v35, v36;
	v24 =	vsub.f32 $1.500000000e+00, v24  }
0x15b: {  	[tilespmem:v49+s13+$0x0] =	vst.idx.msk $0xffff, v17;
	v17 =	vsub.f32 $1.500000000e+00, v31  }
0x15c: {  	v31 =	vld.idx.msk [tilespmem:v50+s10+$0x0], $0xffff;
	v53 =	vmul.f32 v27, v24;
	v24 =	vmul.f32 v52, v35  }
0x15d: {  	v27 =	vmul.f32 v17, v20  }
0x15e: {  	v17 =	vsub.f32 $1.500000000e+00, v24;
	v20 =	vmul.f32 v53, v29  }
0x15f: {  	v24 =	vmul.f32 v27, v42  }
0x160: {  	v17 =	vmul.f32 v17, v35;
	v20 =	vmul.f32 v20, v53  }
0x161: {  	v54 =	vmul.f32 v31, v27;
	v56 =	vmul.f32 v39, v24;
	v31 =	vadd.s32 $0xA80, v43  }
0x162: {  	v57 =	vor.u32 s16, v31;
	v20 =	vsub.f32 $1.500000000e+00, v20  }
0x163: {  	v44 =	vor.u32 $0x1E00, v26;
	v32 =	vadd.f32 v54, v56;
	v42 =	vmul.f32 v17, v36  }
0x164: {  	v46 =	vmul.f32 v20, v53  }
0x165: {  	v20 =	vmul.f32 v42, v17;
	v32 =	vadd.f32 v32, v30  }
0x166: {  	v47 =	vmul.f32 v46, v29  }
0x167: {  	[tilespmem:v57+s13+$0x0] =	vst.idx.msk $0xffff, v32;
	v20 =	vsub.f32 $1.500000000e+00, v20  }
0x168: {  	v49 =	vld.idx.msk [tilespmem:v44+s10+$0x0], $0xffff;
	v48 =	vmul.f32 v47, v46  }
0x169: {  	v17 =	vmul.f32 v20, v17  }
0x16a: {  	v32 =	vsub.f32 $1.500000000e+00, v48  }
0x16b: {  	v20 =	vmul.f32 v17, v41  }
0x16c: {  	v50 =	vmul.f32 v32, v46  }
0x16d: {  	v34 =	vmul.f32 v49, v17;
	v52 =	vmul.f32 v39, v20;
	v32 =	vadd.s32 $0xB00, v43  }
0x16e: {  	v53 =	vor.u32 s16, v32;
	v29 =	vmul.f32 v50, v29  }
0x16f: {  	v26 =	vor.u32 $0x1E80, v26;
	v34 =	vadd.f32 v34, v52  }
0x170: {  	v29 =	vmul.f32 v29, v50  }
0x171: {  	v34 =	vadd.f32 v34, v30  }
0x172: {  	v29 =	vsub.f32 $1.500000000e+00, v29  }
0x173: {  	[tilespmem:v53+s13+$0x0] =	vst.idx.msk $0xffff, v34  }
0x174: {  	v34 =	vld.idx.msk [tilespmem:v26+s10+$0x0], $0xffff;
	v26 =	vmul.f32 v29, v50;
	_ =	sdelay $0x1  }
0x175: {  	v29 =	vmul.f32 v26, v28;
	v28 =	vld [tilespmem:$0x1FF90];
	_ =	sdelay $0x4  }
0x176: {  	v33 =	vmul.f32 v34, v26;
	v34 =	vadd.s32 $0x401, v28;
	v28 =	vld [tilespmem:$0x1FFA0]  }
0x177: {  	v54 =	vmul.f32 v39, v29;
	_ =	sdelay $0x1  }
0x178: {  	v33 =	vadd.f32 v33, v54;
	_ =	sdelay $0x1  }
0x179: {  	v42 =	vadd.f32 v33, v30;
	v33 =	vadd.s32 $0x801, v28;
	v28 =	vld [tilespmem:$0x1FFB0];
	_ =	sdelay $0x1  }
0x17a: {  	v56 =	vld [tilespmem:$0x1FFD0];
	_ =	sdelay $0x2  }
0x17b: {  	v37 =	vadd.s32 $0x1001, v55;
	v35 =	vadd.s32 $0xC01, v28;
	v28 =	vld [tilespmem:$0x1FFC0]  }
0x17c: {  	v38 =	vadd.s32 $0x1201, v51;
	v57 =	vadd.s32 $0xB80, v43;
	v41 =	vadd.s32 $0x1601, v40  }
0x17d: {  	s17 =	simm.s32 $0x1;
	v40 =	vor.u32 $0x1, v56;
	v48 =	vadd.s32 s16, v37;
	v44 =	vadd.s32 s16, v41  }
0x17e: {  	v46 =	vadd.s32 s16, v38;
	v39 =	vadd.s32 $0x1401, v45;
	v30 =	vmov s17  }
0x17f: {  	v53 =	vor.u32 s16, v57;
	v45 =	vadd.s32 s16, v39;
	v47 =	vor.u32 $0x1F00, v30  }
0x180: {  	v52 =	vor.u32 $0x2080, v30;
	v51 =	vor.u32 $0x2000, v30;
	v36 =	vadd.s32 $0xE01, v28  }
0x181: {  	s18 =	simm.s32 $0x2;
	v50 =	vadd.s32 s16, v35;
	v28 =	vmovc v43;
	v43 =	vor.u32 $0x1F80, v30;
	v49 =	vadd.s32 s16, v36  }
.LBB2_3:
0x182: {  	_ =	sdelay $0x1  }
0x183: {  	v54 =	vadd.s32 s16, v40;
	v55 =	vadd.s32 s16, v34;
	v56 =	vadd.s32 s16, v33;
	s16 =	smov.u32 s17;
	[tilespmem:v53+s13+$0x0] =	vst.idx.msk $0xffff, v42  }
0x184: {  	v53 =	vor.u32 s16, v28;
	v52 =	vld.idx.msk [tilespmem:v52+s10+$0x0], $0xffff;
	_ =	sdelay $0x1  }
0x185: {  	v42 =	vld.idx.msk [tilespmem:v51+s10+$0x0], $0xffff  }
0x186: {  	v43 =	vld.idx.msk [tilespmem:v43+s10+$0x0], $0xffff  }
0x187: {  	v47 =	vld.idx.msk [tilespmem:v47+s10+$0x0], $0xffff  }
0x188: {  	[tilespmem:v53+s13+$0x0] =	vst.idx.msk $0xffff, v52;
	v52 =	vld [tilespmem:$0x1FCF0];
	_ =	sdelay $0x4  }
0x189: {  	v51 =	vld.idx.msk [tilespmem:v54+s10+$0x0], $0xffff;
	v52 =	vor.u32 s16, v52;
	_ =	sdelay $0x4  }
0x18a: {  	[tilespmem:v52+s13+$0x0] =	vst.idx.msk $0xffff, v51;
	v52 =	vld [tilespmem:$0x1FD00];
	_ =	sdelay $0x4  }
0x18b: {  	v51 =	vld.idx.msk [tilespmem:v55+s10+$0x0], $0xffff;
	v52 =	vor.u32 s16, v52;
	_ =	sdelay $0x4  }
0x18c: {  	[tilespmem:v52+s13+$0x0] =	vst.idx.msk $0xffff, v51  }
0x18d: {  	v51 =	vld.idx.msk [tilespmem:v56+s10+$0x0], $0xffff  }
0x18e: {  	v56 =	vld [tilespmem:$0x1FD10];
	_ =	sdelay $0x4  }
0x18f: {  	v52 =	vor.u32 s16, v56;
	_ =	sdelay $0x3  }
0x190: {  	v54 =	vld [tilespmem:$0x1FD20]  }
0x191: {  	v55 =	vld [tilespmem:$0x1FD30];
	[tilespmem:v52+s13+$0x0] =	vst.idx.msk $0xffff, v51  }
0x192: {  	v50 =	vld.idx.msk [tilespmem:v50+s10+$0x0], $0xffff  }
0x193: {  	v56 =	vld [tilespmem:$0x1FD40];
	_ =	sdelay $0x3  }
0x194: {  	v51 =	vmul.f32 v47, v55;
	v50 =	vmul.f32 v50, v54  }
0x195: {  	v52 =	vor.u32 s16, v56  }
0x196: {  	v50 =	vadd.f32 v50, v51;
	_ =	sdelay $0x1  }
0x197: {  	v50 =	vadd.f32 v50, v42  }
0x198: {  	v55 =	vld [tilespmem:$0x1FD60]  }
0x199: {  	v54 =	vld [tilespmem:$0x1FD50];
	[tilespmem:v52+s13+$0x0] =	vst.idx.msk $0xffff, v50  }
0x19a: {  	v49 =	vld.idx.msk [tilespmem:v49+s10+$0x0], $0xffff  }
0x19b: {  	v56 =	vld [tilespmem:$0x1FD70];
	_ =	sdelay $0x3  }
0x19c: {  	v50 =	vmul.f32 v47, v55;
	v49 =	vmul.f32 v49, v54  }
0x19d: {  	v51 =	vor.u32 s16, v56  }
0x19e: {  	v49 =	vadd.f32 v49, v50;
	_ =	sdelay $0x1  }
0x19f: {  	v49 =	vadd.f32 v49, v42  }
0x1a0: {  	v53 =	vld [tilespmem:$0x1FD80]  }
0x1a1: {  	v54 =	vld [tilespmem:$0x1FD90];
	[tilespmem:v51+s13+$0x0] =	vst.idx.msk $0xffff, v49  }
0x1a2: {  	v48 =	vld.idx.msk [tilespmem:v48+s10+$0x0], $0xffff  }
0x1a3: {  	v55 =	vld [tilespmem:$0x1FDA0];
	_ =	sdelay $0x3  }
0x1a4: {  	v49 =	vmul.f32 v47, v54;
	v48 =	vmul.f32 v48, v53  }
0x1a5: {  	v50 =	vor.u32 s16, v55  }
0x1a6: {  	v48 =	vadd.f32 v48, v49;
	_ =	sdelay $0x1  }
0x1a7: {  	v48 =	vadd.f32 v48, v42  }
0x1a8: {  	v56 =	vld [tilespmem:$0x1FDB0]  }
0x1a9: {  	v52 =	vld [tilespmem:$0x1FDC0];
	[tilespmem:v50+s13+$0x0] =	vst.idx.msk $0xffff, v48  }
0x1aa: {  	v46 =	vld.idx.msk [tilespmem:v46+s10+$0x0], $0xffff  }
0x1ab: {  	v53 =	vld [tilespmem:$0x1FDD0];
	_ =	sdelay $0x3  }
0x1ac: {  	v48 =	vmul.f32 v47, v52;
	v46 =	vmul.f32 v46, v56  }
0x1ad: {  	v49 =	vor.u32 s16, v53  }
0x1ae: {  	v46 =	vadd.f32 v46, v48;
	_ =	sdelay $0x1  }
0x1af: {  	v46 =	vadd.f32 v46, v42  }
0x1b0: {  	v55 =	vld [tilespmem:$0x1FDF0]  }
0x1b1: {  	v54 =	vld [tilespmem:$0x1FDE0];
	[tilespmem:v49+s13+$0x0] =	vst.idx.msk $0xffff, v46  }
0x1b2: {  	v45 =	vld.idx.msk [tilespmem:v45+s10+$0x0], $0xffff  }
0x1b3: {  	v56 =	vld [tilespmem:$0x1FE00];
	_ =	sdelay $0x3  }
0x1b4: {  	v46 =	vmul.f32 v47, v55;
	v45 =	vmul.f32 v45, v54  }
0x1b5: {  	v48 =	vor.u32 s16, v56  }
0x1b6: {  	v45 =	vadd.f32 v45, v46;
	_ =	sdelay $0x1  }
0x1b7: {  	v45 =	vadd.f32 v45, v42  }
0x1b8: {  	v51 =	vld [tilespmem:$0x1FE10]  }
0x1b9: {  	v52 =	vld [tilespmem:$0x1FE20];
	[tilespmem:v48+s13+$0x0] =	vst.idx.msk $0xffff, v45  }
0x1ba: {  	v44 =	vld.idx.msk [tilespmem:v44+s10+$0x0], $0xffff  }
0x1bb: {  	v53 =	vld [tilespmem:$0x1FE30];
	_ =	sdelay $0x3  }
0x1bc: {  	v45 =	vmul.f32 v47, v52;
	v44 =	vmul.f32 v44, v51  }
0x1bd: {  	v46 =	vor.u32 s16, v53  }
0x1be: {  	v54 =	vor.u32 $0x1800, v30;
	v44 =	vadd.f32 v44, v45;
	_ =	sdelay $0x1  }
0x1bf: {  	v44 =	vadd.f32 v44, v42  }
0x1c0: {  	v56 =	vld [tilespmem:$0x1FE50]  }
0x1c1: {  	v55 =	vld [tilespmem:$0x1FE40];
	[tilespmem:v46+s13+$0x0] =	vst.idx.msk $0xffff, v44  }
0x1c2: {  	v44 =	vld.idx.msk [tilespmem:v54+s10+$0x0], $0xffff  }
0x1c3: {  	v48 =	vld [tilespmem:$0x1FE60];
	_ =	sdelay $0x3  }
0x1c4: {  	v45 =	vmul.f32 v43, v56;
	v44 =	vmul.f32 v44, v55  }
0x1c5: {  	v46 =	vor.u32 s16, v48  }
0x1c6: {  	v49 =	vor.u32 $0x1880, v30;
	v44 =	vadd.f32 v44, v45;
	_ =	sdelay $0x1  }
0x1c7: {  	v44 =	vadd.f32 v44, v42;
	_ =	sdelay $0x1  }
0x1c8: {  	v50 =	vld [tilespmem:$0x1FE70];
	[tilespmem:v46+s13+$0x0] =	vst.idx.msk $0xffff, v44  }
0x1c9: {  	v44 =	vld.idx.msk [tilespmem:v49+s10+$0x0], $0xffff;
	_ =	sdelay $0x4  }
0x1ca: {  	v51 =	vmul.f32 v43, v59;
	v44 =	vmul.f32 v44, v50  }
0x1cb: {  	v52 =	vor.u32 s16, v58  }
0x1cc: {  	v53 =	vor.u32 $0x1900, v30;
	v44 =	vadd.f32 v44, v51;
	_ =	sdelay $0x1  }
0x1cd: {  	v44 =	vadd.f32 v44, v42;
	_ =	sdelay $0x1  }
0x1ce: {  	[tilespmem:v52+s13+$0x0] =	vst.idx.msk $0xffff, v44  }
0x1cf: {  	v44 =	vld.idx.msk [tilespmem:v53+s10+$0x0], $0xffff;
	_ =	sdelay $0x4  }
0x1d0: {  	v54 =	vmul.f32 v43, v61;
	v44 =	vmul.f32 v44, v60  }
0x1d1: {  	v55 =	vor.u32 s16, v62  }
0x1d2: {  	v56 =	vor.u32 $0x1980, v30;
	v44 =	vadd.f32 v44, v54;
	_ =	sdelay $0x1  }
0x1d3: {  	v44 =	vadd.f32 v44, v42;
	_ =	sdelay $0x1  }
0x1d4: {  	[tilespmem:v55+s13+$0x0] =	vst.idx.msk $0xffff, v44  }
0x1d5: {  	v44 =	vld.idx.msk [tilespmem:v56+s10+$0x0], $0xffff;
	_ =	sdelay $0x4  }
0x1d6: {  	v48 =	vmul.f32 v43, v0;
	v44 =	vmul.f32 v44, v63  }
0x1d7: {  	v49 =	vor.u32 s16, v1  }
0x1d8: {  	v50 =	vor.u32 $0x1A00, v30;
	v44 =	vadd.f32 v44, v48;
	_ =	sdelay $0x1  }
0x1d9: {  	v44 =	vadd.f32 v44, v42;
	_ =	sdelay $0x1  }
0x1da: {  	[tilespmem:v49+s13+$0x0] =	vst.idx.msk $0xffff, v44  }
0x1db: {  	v44 =	vld.idx.msk [tilespmem:v50+s10+$0x0], $0xffff;
	_ =	sdelay $0x4  }
0x1dc: {  	v51 =	vmul.f32 v43, v3;
	v44 =	vmul.f32 v44, v2  }
0x1dd: {  	v52 =	vor.u32 s16, v4  }
0x1de: {  	v53 =	vor.u32 $0x1A80, v30;
	v44 =	vadd.f32 v44, v51;
	_ =	sdelay $0x1  }
0x1df: {  	v44 =	vadd.f32 v44, v42;
	_ =	sdelay $0x1  }
0x1e0: {  	[tilespmem:v52+s13+$0x0] =	vst.idx.msk $0xffff, v44  }
0x1e1: {  	v44 =	vld.idx.msk [tilespmem:v53+s10+$0x0], $0xffff;
	_ =	sdelay $0x4  }
0x1e2: {  	v54 =	vmul.f32 v43, v6;
	v44 =	vmul.f32 v44, v5  }
0x1e3: {  	v55 =	vor.u32 s16, v7  }
0x1e4: {  	v56 =	vor.u32 $0x1B00, v30;
	v44 =	vadd.f32 v44, v54;
	_ =	sdelay $0x1  }
0x1e5: {  	v44 =	vadd.f32 v44, v42;
	_ =	sdelay $0x1  }
0x1e6: {  	[tilespmem:v55+s13+$0x0] =	vst.idx.msk $0xffff, v44  }
0x1e7: {  	v44 =	vld.idx.msk [tilespmem:v56+s10+$0x0], $0xffff;
	_ =	sdelay $0x4  }
0x1e8: {  	v48 =	vmul.f32 v43, v9;
	v44 =	vmul.f32 v44, v8  }
0x1e9: {  	v49 =	vor.u32 s16, v10  }
0x1ea: {  	v50 =	vor.u32 $0x1B80, v30;
	v44 =	vadd.f32 v44, v48;
	_ =	sdelay $0x1  }
0x1eb: {  	v44 =	vadd.f32 v44, v42;
	_ =	sdelay $0x1  }
0x1ec: {  	[tilespmem:v49+s13+$0x0] =	vst.idx.msk $0xffff, v44  }
0x1ed: {  	v44 =	vld.idx.msk [tilespmem:v50+s10+$0x0], $0xffff;
	_ =	sdelay $0x4  }
0x1ee: {  	v51 =	vmul.f32 v43, v12;
	v44 =	vmul.f32 v44, v11  }
0x1ef: {  	v52 =	vor.u32 s16, v13  }
0x1f0: {  	v53 =	vor.u32 $0x1C00, v30;
	v44 =	vadd.f32 v44, v51;
	_ =	sdelay $0x1  }
0x1f1: {  	v44 =	vadd.f32 v44, v42;
	_ =	sdelay $0x1  }
0x1f2: {  	[tilespmem:v52+s13+$0x0] =	vst.idx.msk $0xffff, v44  }
0x1f3: {  	v44 =	vld.idx.msk [tilespmem:v53+s10+$0x0], $0xffff;
	_ =	sdelay $0x4  }
0x1f4: {  	v54 =	vmul.f32 v43, v15;
	v44 =	vmul.f32 v44, v14  }
0x1f5: {  	v55 =	vor.u32 s16, v16  }
0x1f6: {  	v56 =	vor.u32 $0x1C80, v30;
	v44 =	vadd.f32 v44, v54;
	_ =	sdelay $0x1  }
0x1f7: {  	v44 =	vadd.f32 v44, v42;
	_ =	sdelay $0x1  }
0x1f8: {  	[tilespmem:v55+s13+$0x0] =	vst.idx.msk $0xffff, v44  }
0x1f9: {  	v44 =	vld.idx.msk [tilespmem:v56+s10+$0x0], $0xffff;
	_ =	sdelay $0x4  }
0x1fa: {  	v48 =	vmul.f32 v43, v19;
	v44 =	vmul.f32 v44, v18  }
0x1fb: {  	v49 =	vor.u32 s16, v21  }
0x1fc: {  	v50 =	vor.u32 $0x1D00, v30;
	v44 =	vadd.f32 v44, v48;
	_ =	sdelay $0x1  }
0x1fd: {  	v44 =	vadd.f32 v44, v42;
	_ =	sdelay $0x1  }
0x1fe: {  	[tilespmem:v49+s13+$0x0] =	vst.idx.msk $0xffff, v44  }
0x1ff: {  	v44 =	vld.idx.msk [tilespmem:v50+s10+$0x0], $0xffff;
	_ =	sdelay $0x4  }
0x200: {  	v51 =	vmul.f32 v43, v23;
	v44 =	vmul.f32 v44, v22  }
0x201: {  	v52 =	vor.u32 s16, v25  }
0x202: {  	v53 =	vor.u32 $0x1D80, v30;
	v44 =	vadd.f32 v44, v51;
	_ =	sdelay $0x1  }
0x203: {  	v44 =	vadd.f32 v44, v42;
	_ =	sdelay $0x1  }
0x204: {  	[tilespmem:v52+s13+$0x0] =	vst.idx.msk $0xffff, v44  }
0x205: {  	v44 =	vld.idx.msk [tilespmem:v53+s10+$0x0], $0xffff;
	_ =	sdelay $0x4  }
0x206: {  	v54 =	vmul.f32 v43, v24;
	v44 =	vmul.f32 v44, v27  }
0x207: {  	v55 =	vor.u32 s16, v31  }
0x208: {  	v56 =	vor.u32 $0x1E00, v30;
	v44 =	vadd.f32 v44, v54;
	_ =	sdelay $0x1  }
0x209: {  	v44 =	vadd.f32 v44, v42;
	_ =	sdelay $0x1  }
0x20a: {  	[tilespmem:v55+s13+$0x0] =	vst.idx.msk $0xffff, v44  }
0x20b: {  	v44 =	vld.idx.msk [tilespmem:v56+s10+$0x0], $0xffff;
	_ =	sdelay $0x4  }
0x20c: {  	v48 =	vmul.f32 v43, v20;
	v44 =	vmul.f32 v44, v17  }
0x20d: {  	v49 =	vor.u32 s16, v32  }
0x20e: {  	v30 =	vor.u32 $0x1E80, v30;
	v44 =	vadd.f32 v44, v48;
	_ =	sdelay $0x1  }
0x20f: {  	v44 =	vadd.f32 v44, v42;
	_ =	sdelay $0x1  }
0x210: {  	[tilespmem:v49+s13+$0x0] =	vst.idx.msk $0xffff, v44  }
0x211: {  	v30 =	vld.idx.msk [tilespmem:v30+s10+$0x0], $0xffff;
	_ =	sdelay $0x3  }
0x212: {  	p0 =	sne.s32 s18, $0x7F;
	v45 =	vadd.s32 s16, v39  }
.Ltmp0:
0x213: {  	v46 =	vadd.s32 s16, v38;
	v43 =	vmul.f32 v43, v29;
	v50 =	vmul.f32 v30, v26;
	(pc) =	sbr.rel @p0 .LBB2_3-.Ltmp0, $4  }
0x214: {  	s17 =	smov.u32 s18;
	v53 =	vor.u32 s16, v57;
	v48 =	vadd.s32 s16, v37;
	v44 =	vadd.s32 s16, v41  }
0x215: {  	v49 =	vadd.s32 s16, v36;
	v30 =	vmov s17;
	v56 =	vadd.f32 v50, v43  }
0x216: {  	v47 =	vor.u32 $0x1F00, v30;
	v52 =	vor.u32 $0x2080, v30;
	v51 =	vor.u32 $0x2000, v30  }
0x217: {  	s18 =	sadd.s32 $0x1, s18;
	v43 =	vor.u32 $0x1F80, v30;
	v50 =	vadd.s32 s16, v35;
	v42 =	vadd.f32 v56, v42  }
0x218: {  	_ =	sdelay $0x3  }
0x219: {  	[tilespmem:v53+s13+$0x0] =	vst.idx.msk $0xffff, v42  }
0x21a: {  	v38 =	vor.u32 s17, v28;
	v37 =	vld.idx.msk [tilespmem:v52+s10+$0x0], $0xffff  }
0x21b: {  	v39 =	vadd.s32 s16, v40;
	v54 =	vld [tilespmem:$0x1FCF0];
	_ =	sdelay $0x1  }
0x21c: {  	v35 =	vld.idx.msk [tilespmem:v51+s10+$0x0], $0xffff  }
0x21d: {  	v36 =	vld.idx.msk [tilespmem:v43+s10+$0x0], $0xffff  }
0x21e: {  	v40 =	vld.idx.msk [tilespmem:v47+s10+$0x0], $0xffff;
	[tilespmem:v38+s13+$0x0] =	vst.idx.msk $0xffff, v37  }
0x21f: {  	v55 =	vor.u32 s17, v54;
	v37 =	vld.idx.msk [tilespmem:v39+s10+$0x0], $0xffff  }
0x220: {  	v34 =	vadd.s32 s16, v34;
	v56 =	vld [tilespmem:$0x1FD00];
	_ =	sdelay $0x3  }
0x221: {  	[tilespmem:v55+s13+$0x0] =	vst.idx.msk $0xffff, v37  }
0x222: {  	v41 =	vmov v28;
	v28 =	vor.u32 s17, v56;
	v34 =	vld.idx.msk [tilespmem:v34+s10+$0x0], $0xffff  }
0x223: {  	v33 =	vadd.s32 s16, v33;
	v39 =	vld [tilespmem:$0x1FD10];
	_ =	sdelay $0x3  }
0x224: {  	[tilespmem:v28+s13+$0x0] =	vst.idx.msk $0xffff, v34  }
0x225: {  	v42 =	vor.u32 s17, v39;
	v33 =	vld.idx.msk [tilespmem:v33+s10+$0x0], $0xffff;
	_ =	sdelay $0x3  }
0x226: {  	v43 =	vld [tilespmem:$0x1FD20]  }
0x227: {  	v47 =	vld [tilespmem:$0x1FD30];
	[tilespmem:v42+s13+$0x0] =	vst.idx.msk $0xffff, v33  }
0x228: {  	v33 =	vld.idx.msk [tilespmem:v50+s10+$0x0], $0xffff  }
0x229: {  	v51 =	vld [tilespmem:$0x1FD40];
	_ =	sdelay $0x3  }
0x22a: {  	v50 =	vmul.f32 v40, v47;
	v33 =	vmul.f32 v33, v43  }
0x22b: {  	v52 =	vor.u32 s17, v51  }
0x22c: {  	v33 =	vadd.f32 v33, v50;
	_ =	sdelay $0x1  }
0x22d: {  	v33 =	vadd.f32 v33, v35  }
0x22e: {  	v53 =	vld [tilespmem:$0x1FD50]  }
0x22f: {  	v54 =	vld [tilespmem:$0x1FD60];
	[tilespmem:v52+s13+$0x0] =	vst.idx.msk $0xffff, v33  }
0x230: {  	v33 =	vld.idx.msk [tilespmem:v49+s10+$0x0], $0xffff  }
0x231: {  	v56 =	vld [tilespmem:$0x1FD70];
	_ =	sdelay $0x3  }
0x232: {  	v55 =	vmul.f32 v40, v54;
	v33 =	vmul.f32 v33, v53  }
0x233: {  	v28 =	vor.u32 s17, v56  }
0x234: {  	v33 =	vadd.f32 v33, v55;
	_ =	sdelay $0x1  }
0x235: {  	v33 =	vadd.f32 v33, v35  }
0x236: {  	v38 =	vld [tilespmem:$0x1FD80]  }
0x237: {  	v39 =	vld [tilespmem:$0x1FD90];
	[tilespmem:v28+s13+$0x0] =	vst.idx.msk $0xffff, v33  }
0x238: {  	v33 =	vld.idx.msk [tilespmem:v48+s10+$0x0], $0xffff  }
0x239: {  	v43 =	vld [tilespmem:$0x1FDA0];
	_ =	sdelay $0x3  }
0x23a: {  	v42 =	vmul.f32 v40, v39;
	v33 =	vmul.f32 v33, v38  }
0x23b: {  	v47 =	vor.u32 s17, v43  }
0x23c: {  	v33 =	vadd.f32 v33, v42;
	_ =	sdelay $0x1  }
0x23d: {  	v33 =	vadd.f32 v33, v35  }
0x23e: {  	v49 =	vld [tilespmem:$0x1FDC0]  }
0x23f: {  	v48 =	vld [tilespmem:$0x1FDB0];
	[tilespmem:v47+s13+$0x0] =	vst.idx.msk $0xffff, v33  }
0x240: {  	v33 =	vld.idx.msk [tilespmem:v46+s10+$0x0], $0xffff  }
0x241: {  	v51 =	vld [tilespmem:$0x1FDD0];
	_ =	sdelay $0x3  }
0x242: {  	v50 =	vmul.f32 v40, v49;
	v33 =	vmul.f32 v33, v48  }
0x243: {  	v52 =	vor.u32 s17, v51  }
0x244: {  	v33 =	vadd.f32 v33, v50;
	_ =	sdelay $0x1  }
0x245: {  	v33 =	vadd.f32 v33, v35  }
0x246: {  	v54 =	vld [tilespmem:$0x1FDF0]  }
0x247: {  	v53 =	vld [tilespmem:$0x1FDE0];
	[tilespmem:v52+s13+$0x0] =	vst.idx.msk $0xffff, v33  }
0x248: {  	v33 =	vld.idx.msk [tilespmem:v45+s10+$0x0], $0xffff  }
0x249: {  	v56 =	vld [tilespmem:$0x1FE00];
	_ =	sdelay $0x3  }
0x24a: {  	v55 =	vmul.f32 v40, v54;
	v33 =	vmul.f32 v33, v53  }
0x24b: {  	v28 =	vor.u32 s17, v56  }
0x24c: {  	v33 =	vadd.f32 v33, v55;
	_ =	sdelay $0x1  }
0x24d: {  	v33 =	vadd.f32 v33, v35  }
0x24e: {  	v43 =	vld [tilespmem:$0x1FE20]  }
0x24f: {  	v42 =	vld [tilespmem:$0x1FE10];
	[tilespmem:v28+s13+$0x0] =	vst.idx.msk $0xffff, v33  }
0x250: {  	v33 =	vld.idx.msk [tilespmem:v44+s10+$0x0], $0xffff  }
0x251: {  	v45 =	vld [tilespmem:$0x1FE30];
	_ =	sdelay $0x3  }
0x252: {  	v44 =	vmul.f32 v40, v43;
	v33 =	vmul.f32 v33, v42  }
0x253: {  	v46 =	vor.u32 s17, v45  }
0x254: {  	v47 =	vor.u32 $0x1800, v30;
	v33 =	vadd.f32 v33, v44;
	_ =	sdelay $0x1  }
0x255: {  	v33 =	vadd.f32 v33, v35  }
0x256: {  	v49 =	vld [tilespmem:$0x1FE50]  }
0x257: {  	v48 =	vld [tilespmem:$0x1FE40];
	[tilespmem:v46+s13+$0x0] =	vst.idx.msk $0xffff, v33  }
0x258: {  	v33 =	vld.idx.msk [tilespmem:v47+s10+$0x0], $0xffff  }
0x259: {  	v51 =	vld [tilespmem:$0x1FE60];
	_ =	sdelay $0x3  }
0x25a: {  	v50 =	vmul.f32 v36, v49;
	v33 =	vmul.f32 v33, v48  }
0x25b: {  	v52 =	vor.u32 s17, v51  }
0x25c: {  	v53 =	vor.u32 $0x1880, v30;
	v33 =	vadd.f32 v33, v50;
	_ =	sdelay $0x1  }
0x25d: {  	v33 =	vadd.f32 v33, v35;
	_ =	sdelay $0x1  }
0x25e: {  	v54 =	vld [tilespmem:$0x1FE70];
	[tilespmem:v52+s13+$0x0] =	vst.idx.msk $0xffff, v33  }
0x25f: {  	v33 =	vld.idx.msk [tilespmem:v53+s10+$0x0], $0xffff;
	_ =	sdelay $0x4  }
0x260: {  	v55 =	vmul.f32 v36, v59;
	v33 =	vmul.f32 v33, v54  }
0x261: {  	v56 =	vor.u32 s17, v58  }
0x262: {  	v58 =	vor.u32 $0x1900, v30;
	v33 =	vadd.f32 v33, v55;
	_ =	sdelay $0x1  }
0x263: {  	v33 =	vadd.f32 v33, v35;
	_ =	sdelay $0x1  }
0x264: {  	[tilespmem:v56+s13+$0x0] =	vst.idx.msk $0xffff, v33  }
0x265: {  	v33 =	vld.idx.msk [tilespmem:v58+s10+$0x0], $0xffff;
	_ =	sdelay $0x4  }
0x266: {  	v59 =	vmul.f32 v36, v61;
	v33 =	vmul.f32 v33, v60  }
0x267: {  	v60 =	vor.u32 s17, v62  }
0x268: {  	v61 =	vor.u32 $0x1980, v30;
	v33 =	vadd.f32 v33, v59;
	_ =	sdelay $0x1  }
0x269: {  	v33 =	vadd.f32 v33, v35;
	_ =	sdelay $0x1  }
0x26a: {  	[tilespmem:v60+s13+$0x0] =	vst.idx.msk $0xffff, v33  }
0x26b: {  	v33 =	vld.idx.msk [tilespmem:v61+s10+$0x0], $0xffff;
	_ =	sdelay $0x4  }
0x26c: {  	v0 =	vmul.f32 v36, v0;
	v33 =	vmul.f32 v33, v63  }
0x26d: {  	v1 =	vor.u32 s17, v1  }
0x26e: {  	v62 =	vor.u32 $0x1A00, v30;
	v0 =	vadd.f32 v33, v0;
	_ =	sdelay $0x1  }
0x26f: {  	v0 =	vadd.f32 v0, v35;
	_ =	sdelay $0x1  }
0x270: {  	[tilespmem:v1+s13+$0x0] =	vst.idx.msk $0xffff, v0  }
0x271: {  	v0 =	vld.idx.msk [tilespmem:v62+s10+$0x0], $0xffff;
	_ =	sdelay $0x4  }
0x272: {  	v63 =	vmul.f32 v36, v3;
	v0 =	vmul.f32 v0, v2  }
0x273: {  	v28 =	vor.u32 s17, v4  }
0x274: {  	v33 =	vor.u32 $0x1A80, v30;
	v0 =	vadd.f32 v0, v63;
	_ =	sdelay $0x1  }
0x275: {  	v0 =	vadd.f32 v0, v35;
	_ =	sdelay $0x1  }
0x276: {  	[tilespmem:v28+s13+$0x0] =	vst.idx.msk $0xffff, v0  }
0x277: {  	v0 =	vld.idx.msk [tilespmem:v33+s10+$0x0], $0xffff;
	_ =	sdelay $0x4  }
0x278: {  	v34 =	vmul.f32 v36, v6;
	v0 =	vmul.f32 v0, v5  }
0x279: {  	v37 =	vor.u32 s17, v7  }
0x27a: {  	v38 =	vor.u32 $0x1B00, v30;
	v0 =	vadd.f32 v0, v34;
	_ =	sdelay $0x1  }
0x27b: {  	v0 =	vadd.f32 v0, v35;
	_ =	sdelay $0x1  }
0x27c: {  	[tilespmem:v37+s13+$0x0] =	vst.idx.msk $0xffff, v0  }
0x27d: {  	v0 =	vld.idx.msk [tilespmem:v38+s10+$0x0], $0xffff;
	_ =	sdelay $0x4  }
0x27e: {  	v39 =	vmul.f32 v36, v9;
	v0 =	vmul.f32 v0, v8  }
0x27f: {  	v40 =	vor.u32 s17, v10  }
0x280: {  	v42 =	vor.u32 $0x1B80, v30;
	v0 =	vadd.f32 v0, v39;
	_ =	sdelay $0x1  }
0x281: {  	v0 =	vadd.f32 v0, v35;
	_ =	sdelay $0x1  }
0x282: {  	[tilespmem:v40+s13+$0x0] =	vst.idx.msk $0xffff, v0  }
0x283: {  	v0 =	vld.idx.msk [tilespmem:v42+s10+$0x0], $0xffff;
	_ =	sdelay $0x4  }
0x284: {  	v43 =	vmul.f32 v36, v12;
	v0 =	vmul.f32 v0, v11  }
0x285: {  	v44 =	vor.u32 s17, v13  }
0x286: {  	v45 =	vor.u32 $0x1C00, v30;
	v0 =	vadd.f32 v0, v43;
	_ =	sdelay $0x1  }
0x287: {  	v0 =	vadd.f32 v0, v35;
	_ =	sdelay $0x1  }
0x288: {  	[tilespmem:v44+s13+$0x0] =	vst.idx.msk $0xffff, v0  }
0x289: {  	v0 =	vld.idx.msk [tilespmem:v45+s10+$0x0], $0xffff;
	_ =	sdelay $0x4  }
0x28a: {  	v46 =	vmul.f32 v36, v15;
	v0 =	vmul.f32 v0, v14  }
0x28b: {  	v47 =	vor.u32 s17, v16  }
0x28c: {  	v48 =	vor.u32 $0x1C80, v30;
	v0 =	vadd.f32 v0, v46;
	_ =	sdelay $0x1  }
0x28d: {  	v0 =	vadd.f32 v0, v35;
	_ =	sdelay $0x1  }
0x28e: {  	[tilespmem:v47+s13+$0x0] =	vst.idx.msk $0xffff, v0  }
0x28f: {  	v0 =	vld.idx.msk [tilespmem:v48+s10+$0x0], $0xffff;
	_ =	sdelay $0x4  }
0x290: {  	v49 =	vmul.f32 v36, v19;
	v0 =	vmul.f32 v0, v18  }
0x291: {  	v50 =	vor.u32 s17, v21  }
0x292: {  	v51 =	vor.u32 $0x1D00, v30;
	v0 =	vadd.f32 v0, v49;
	_ =	sdelay $0x1  }
0x293: {  	v0 =	vadd.f32 v0, v35;
	_ =	sdelay $0x1  }
0x294: {  	[tilespmem:v50+s13+$0x0] =	vst.idx.msk $0xffff, v0  }
0x295: {  	v0 =	vld.idx.msk [tilespmem:v51+s10+$0x0], $0xffff;
	_ =	sdelay $0x4  }
0x296: {  	v52 =	vmul.f32 v36, v23;
	v0 =	vmul.f32 v0, v22  }
0x297: {  	v53 =	vor.u32 s17, v25  }
0x298: {  	v54 =	vor.u32 $0x1D80, v30;
	v0 =	vadd.f32 v0, v52;
	_ =	sdelay $0x1  }
0x299: {  	v0 =	vadd.f32 v0, v35;
	_ =	sdelay $0x1  }
0x29a: {  	[tilespmem:v53+s13+$0x0] =	vst.idx.msk $0xffff, v0  }
0x29b: {  	v0 =	vld.idx.msk [tilespmem:v54+s10+$0x0], $0xffff;
	_ =	sdelay $0x4  }
0x29c: {  	v55 =	vmul.f32 v36, v24;
	v0 =	vmul.f32 v0, v27  }
0x29d: {  	v56 =	vor.u32 s17, v31  }
0x29e: {  	v58 =	vor.u32 $0x1E00, v30;
	v0 =	vadd.f32 v0, v55;
	_ =	sdelay $0x1  }
0x29f: {  	v0 =	vadd.f32 v0, v35;
	_ =	sdelay $0x1  }
0x2a0: {  	[tilespmem:v56+s13+$0x0] =	vst.idx.msk $0xffff, v0  }
0x2a1: {  	v0 =	vld.idx.msk [tilespmem:v58+s10+$0x0], $0xffff;
	_ =	sdelay $0x4  }
0x2a2: {  	v59 =	vmul.f32 v36, v20;
	v0 =	vmul.f32 v0, v17  }
0x2a3: {  	v60 =	vor.u32 s17, v32  }
0x2a4: {  	v61 =	vor.u32 $0x1E80, v30;
	v0 =	vadd.f32 v0, v59;
	_ =	sdelay $0x1  }
0x2a5: {  	v0 =	vadd.f32 v0, v35;
	_ =	sdelay $0x1  }
0x2a6: {  	[tilespmem:v60+s13+$0x0] =	vst.idx.msk $0xffff, v0  }
0x2a7: {  	v0 =	vld.idx.msk [tilespmem:v61+s10+$0x0], $0xffff;
	_ =	sdelay $0x4  }
0x2a8: {  	v62 =	vmul.f32 v36, v29;
	v0 =	vmul.f32 v0, v26  }
0x2a9: {  	v63 =	vor.u32 s17, v57  }
0x2aa: {  	s31 =	sshll.u32 s15, $0x4;
	v0 =	vadd.f32 v0, v62  }
0x2ab: {  	s16 =	sadd.s32 s8, s31  }
0x2ac: {  	s15 =	sadd.s32 $0x1, s15;
	s16 =	smul.u32 $0x180, s16;
	v0 =	vadd.f32 v0, v35  }
0x2ad: {  	p0 =	sne.s32 s15, $0x20  }
.Ltmp1:
0x2ae: {  	s16 =	sadd.s32 s2, s16;
	[tilespmem:v63+s13+$0x0] =	vst.idx.msk $0xffff, v0;
	(pc) =	sbr.rel @p0 .LBB2_2-.Ltmp1, $4  }
0x2af: {  	[hbm4b:s16+s3] =	stream.linear.scatter [tilespmem:s13], [sflag:$0x1], $0xC000, $0x38;
	[tilespmem:$0xF580] =	vst v63  }
0x2b0: {  	_ =	swait.ge [sflag:s11], $0xC000  }
0x2b1: {  	[sflag:s11] =	ssyncset.done $0x0  }
0x2b2: {  	v43 =	vmov v41;
	[sflag:s11] =	ssyncadd.s32 $0xFFFF4000  }
0x2b3: {  	s14 =	sadd.s32 $0x1, s14  }
0x2b4: {  	p0 =	sne.s32 s14, s9  }
.Ltmp2:
0x2b5: {  	_ = 	snop;
	(pc) =	sbr.rel @p0 .LBB2_1-.Ltmp2, $1  }
0x2b6: {  	_ =	sdelay $0x3  }
0x2b7: {  	_ =	sfence.sel $0x180000  }
0x2b8: {  	[bflag:$0x0] =	sbarrier.arrive $0xFFFF  }
0x2b9: {  	p0 =	sne.s32 s0, $0x0;
	_ =	strace $0x90000047  }
0x2ba: {  	s0 =	sadd.s32 @!p0 $0x100000, s1;
	[bflag:$0x2] =	sbarrier.arrive $0xFFFF  }
0x2bb: {  	[sflag:s0] =	ssyncadd.tile.s32 @!p0 $0x1;
	_ =	shalt  }
.Lfunc_end2:
_tile_overlayer_lowered:
.L_overlay_start_2:
0x2bc: {  	(tag) =	ssettag $0x2  }
0x2bd: {  	s0 =	rddreg [dreg:$0x0];
	s2 =	stileid.u32  }
0x2be: {  	s1 =	rddreg [dreg:$0x1];
	p0 =	sne.s32 s2, $0x0  }
0x2bf: {  	s3 =	rddreg [dreg:$0x2];
	[bflag:$0x3] =	sbarrier.arrive $0xFFFF;
	s2 =	simm.s32 @!p0 $0x1C01  }
0x2c0: {  	[timem:s3], [sflag:s2] =	dma.local @!p0 [hbm:s0], s1  }
0x2c1: {  	s0 =	simm.s32 @!p0 $0x1  }
0x2c2: {  	_ =	swait.ge @!p0 [sflag:s0], s1  }
0x2c3: {  	s1 =	ssub.s32 @!p0 $0x0, s1;
	[sflag:s0] =	ssyncset.done @!p0 $0x0  }
0x2c4: {  	[sflag:s0] =	ssyncadd.s32 @!p0 s1  }
0x2c5: {  	[bflag:$0x3] =	sbarrier.arrive $0xFFFF  }
0x2c6: {  	_ =	shalt  }

</sc_bundles>
